<compile_context>
chip_gen: v7x
topology: tpu7x:2x2x1
jax: 0.10.2.dev20260603
libtpu: 0.0.44.dev20260713+nightly
codegen_flags: <defaults>
</compile_context>

<pallas_src>
import jax
import jax.numpy as jnp
from jax import lax
from jax.experimental import pallas as pl
from jax.experimental.pallas import tpu as pltpu
from jax.experimental.pallas import tpu_sc as plsc

_N = 10000
_D = 128
_E = 320000
_NC = 2
_NS = 16
_NW = _NC * _NS
_CHUNK = 128
_NBUF = 2
_CPW = 80
_HALF = _CPW // 2
_E_PAD = _NW * _CPW * _CHUNK
_ROWS_PER_TILE = 632
_N_PAD = _ROWS_PER_TILE * _NS


def _make_spmm(with_deg: bool):
    mesh = plsc.VectorSubcoreMesh(
        core_axis_name="c", subcore_axis_name="s",
        num_cores=_NC, num_subcores=_NS)
    out_type = [jax.ShapeDtypeStruct((_NC, _N_PAD, _D), jnp.float32)]
    if with_deg:
        out_type.append(jax.ShapeDtypeStruct((_NC, _N_PAD), jnp.float32))
    scratch = [
        pltpu.VMEM((_HALF, _CHUNK), jnp.int32),
        pltpu.VMEM((_HALF, _CHUNK), jnp.int32),
        [pltpu.VMEM((_CHUNK, _D), jnp.float32) for _ in range(_NBUF)],
        pltpu.VMEM((_CHUNK,), jnp.float32),
        pltpu.VMEM_SHARED((_N_PAD, _D), jnp.float32),
        pltpu.VMEM_SHARED((_N_PAD,), jnp.float32),
        [pltpu.SemaphoreType.DMA for _ in range(_NBUF)],
        [pltpu.SemaphoreType.DMA for _ in range(_NBUF)],
        pltpu.SemaphoreType.DMA,
    ]

    def body(h_hbm, z2d_hbm, z1d_hbm, cols_hbm, rows_hbm, *rest):
        if with_deg:
            (out_acc, out_deg, idx_c, idx_r, bufs, ones_v, acc, dacc,
             sem_g, sem_s, sem_d) = rest
        else:
            out_deg = None
            (out_acc, idx_c, idx_r, bufs, ones_v, acc, dacc,
             sem_g, sem_s, sem_d) = rest
        cid = lax.axis_index("c")
        sid = lax.axis_index("s")
        wid = sid * _NC + cid

        pieces = []
        r0 = 0
        while r0 < _ROWS_PER_TILE:
            pieces.append((r0, min(_CHUNK, _ROWS_PER_TILE - r0)))
            r0 += _CHUNK
        for k, (r0, rk) in enumerate(pieces):
            b = bufs[k % 2]
            pltpu.sync_copy(z2d_hbm.at[pl.ds(0, rk)], b.at[pl.ds(0, rk)])
            pltpu.sync_copy(
                b.at[pl.ds(0, rk)],
                acc.at[pl.ds(sid * _ROWS_PER_TILE + r0, rk)])
        if with_deg:
            @pl.when(sid == 0)
            def _():
                pltpu.sync_copy(z1d_hbm, dacc)
            for i in range(_CHUNK // 16):
                ones_v[pl.ds(i * 16, 16)] = jnp.ones((16,), jnp.float32)
        plsc.subcore_barrier()

        def fire_gather(c, b):
            pltpu.async_copy(h_hbm.at[idx_c.at[c]], bufs[b], sem_g[b])
            if with_deg:
                pltpu.async_copy(ones_v, dacc.at[idx_r.at[c]], sem_d,
                                 add=True)

        def drain_gather(b):
            pltpu.make_async_copy(
                h_hbm.at[idx_c.at[0]], bufs[b], sem_g[b]).wait()
            if with_deg:
                pltpu.make_async_copy(
                    ones_v, dacc.at[idx_r.at[0]], sem_d).wait()

        def drain_scatter(b):
            pltpu.make_async_copy(
                bufs[b], acc.at[idx_r.at[0]], sem_s[b]).wait()

        n_pairs = _HALF // 2

        def step(p, carry):
            c0 = 2 * p

            @pl.when(p > 0)
            def _():
                drain_scatter(1)
            fire_gather(c0 + 1, 1)
            drain_gather(0)
            pltpu.async_copy(
                bufs[0], acc.at[idx_r.at[c0]], sem_s[0], add=True)
            drain_gather(1)
            pltpu.async_copy(
                bufs[1], acc.at[idx_r.at[c0 + 1]], sem_s[1], add=True)
            drain_scatter(0)

            @pl.when(p < n_pairs - 1)
            def _():
                fire_gather(c0 + 2, 0)
            return carry

        for half in range(2):
            pltpu.sync_copy(
                cols_hbm.at[wid, pl.ds(half * _HALF, _HALF)], idx_c)
            pltpu.sync_copy(
                rows_hbm.at[wid, pl.ds(half * _HALF, _HALF)], idx_r)
            fire_gather(0, 0)
            lax.fori_loop(0, n_pairs, step, 0)
            drain_scatter(1)
        plsc.subcore_barrier()

        for k, (r0, rk) in enumerate(pieces):
            b = bufs[k % 2]
            sl = pl.ds(sid * _ROWS_PER_TILE + r0, rk)
            pltpu.sync_copy(acc.at[sl], b.at[pl.ds(0, rk)])
            pltpu.sync_copy(b.at[pl.ds(0, rk)], out_acc.at[cid, sl])
        if with_deg:
            @pl.when(sid == 0)
            def _():
                pltpu.sync_copy(dacc, out_deg.at[cid])

    return pl.kernel(body, out_type=out_type, mesh=mesh,
                     scratch_types=scratch)


_spmm_deg = _make_spmm(with_deg=True)
_spmm_nodeg = _make_spmm(with_deg=False)


def _tc1_body(acc_ref, deg_ref, x_ref, wn_ref, wr_ref, h_ref, inv_ref):
    deg = jnp.maximum(deg_ref[0, :_N] + deg_ref[1, :_N], 1.0)
    inv = 1.0 / deg
    agg = (acc_ref[0, :_N] + acc_ref[1, :_N]) * inv
    h = (jnp.dot(agg, wn_ref[...], preferred_element_type=jnp.float32)
         + jnp.dot(x_ref[...], wr_ref[...], preferred_element_type=jnp.float32))
    h_ref[...] = jnp.maximum(h, 0.0)
    inv_ref[...] = inv


def _tc2_body(acc_ref, inv_ref, h_ref, wn_ref, wr_ref, out_ref):
    agg = (acc_ref[0, :_N] + acc_ref[1, :_N]) * inv_ref[...]
    out_ref[...] = (
        jnp.dot(agg, wn_ref[...], preferred_element_type=jnp.float32)
        + jnp.dot(h_ref[...], wr_ref[...], preferred_element_type=jnp.float32))


_tc1 = pl.pallas_call(
    _tc1_body,
    out_shape=[jax.ShapeDtypeStruct((_N, _D), jnp.float32),
               jax.ShapeDtypeStruct((_N, 1), jnp.float32)])

_tc2 = pl.pallas_call(
    _tc2_body,
    out_shape=jax.ShapeDtypeStruct((_N, _D), jnp.float32))


def kernel(x, edge_index, W_neigh1, W_root1, W_neigh2, W_root2):
    rows = edge_index[0].astype(jnp.int32)
    cols = edge_index[1].astype(jnp.int32)
    npad = _E_PAD - _E
    pad_ar = jnp.arange(npad, dtype=jnp.int32)
    cols_p = jnp.concatenate(
        [cols, pad_ar % _N]).reshape(_NW, _CPW, _CHUNK)
    rows_p = jnp.concatenate(
        [rows, _N + pad_ar % (_N_PAD - _N)]).reshape(_NW, _CPW, _CHUNK)
    z2d = jnp.zeros((_ROWS_PER_TILE, _D), jnp.float32)
    z1d = jnp.zeros((_N_PAD,), jnp.float32)

    acc1, deg = _spmm_deg(x, z2d, z1d, cols_p, rows_p)
    deg = deg.reshape(_NC, _N_PAD, 1)
    h, inv = _tc1(acc1, deg, x, W_neigh1.T, W_root1.T)
    (acc2,) = _spmm_nodeg(h, z2d, z1d, cols_p, rows_p)
    return _tc2(acc2, inv, h, W_neigh2.T, W_root2.T)

# --- scband reference (transcript-rebuilt; emitter-appended) ---
"""Pipeline reference for scband-graph-sagenet-66726611911375 (READ-ONLY COPY).

The authoritative reference and input builder live on the scoring server;
editing this copy changes nothing except your own understanding.
"""

import jax, jax.numpy as jnp
import numpy as np

N_NODES = 10000
N_EDGES = 320000
D_IN = 128
D_HID = 128
D_OUT = 128


def setup_inputs(seed: int = 0) -> dict:
    key = jax.random.key(seed)
    k_x, k_e, k1, k2, k3, k4 = jax.random.split(key, 6)
    x = jax.random.normal(k_x, (N_NODES, D_IN), dtype=jnp.float32)
    edge_index = jax.random.randint(k_e, (2, N_EDGES), 0, N_NODES, dtype=jnp.int64)
    # nn.Linear weights are [out_features, in_features]
    s1 = 1.0 / np.sqrt(D_IN)
    s2 = 1.0 / np.sqrt(D_HID)
    W_neigh1 = jax.random.uniform(k1, (D_HID, D_IN), minval=-s1, maxval=s1, dtype=jnp.float32)
    W_root1 = jax.random.uniform(k2, (D_HID, D_IN), minval=-s1, maxval=s1, dtype=jnp.float32)
    W_neigh2 = jax.random.uniform(k3, (D_OUT, D_HID), minval=-s2, maxval=s2, dtype=jnp.float32)
    W_root2 = jax.random.uniform(k4, (D_OUT, D_HID), minval=-s2, maxval=s2, dtype=jnp.float32)
    return {
        "x": x,
        "edge_index": edge_index,
        "W_neigh1": W_neigh1,
        "W_root1": W_root1,
        "W_neigh2": W_neigh2,
        "W_root2": W_root2,
    }


def reference(x, edge_index, W_neigh1, W_root1, W_neigh2, W_root2):
    rows = edge_index[0]  # destination (row of adjacency)
    cols = edge_index[1]  # source (column of adjacency)
    # row-normalized adjacency: adj[r, c] = 1 / deg(r)
    deg = jax.ops.segment_sum(jnp.ones((rows.shape[0],), dtype=jnp.float32), rows, num_segments=N_NODES)
    deg = jnp.maximum(deg, 1.0)

    def spmm(h):
        agg = jax.ops.segment_sum(h[cols], rows, num_segments=N_NODES)
        return agg / deg[:, None]

    neigh = spmm(x) @ W_neigh1.T
    root = x @ W_root1.T
    h = jax.nn.relu(neigh + root)
    neigh2 = spmm(h) @ W_neigh2.T
    root2 = h @ W_root2.T
    return neigh2 + root2

if __name__ == "__main__":
    import jax
    _d = setup_inputs()
    print(jax.jit(kernel)(*tuple(_d.values())))

</pallas_src>

<mosaic_0001>
#map = affine_map<(d0, d1) -> (0, 0)>
#map1 = affine_map<(d0, d1) -> (0)>
#map2 = affine_map<(d0, d1) -> (0, 0, 0)>
module attributes {stable_mosaic.version = 14 : i64} {
  func.func @body(%arg0: i32, %arg1: i32, %arg2: memref<10000x128xf32, #tpu.memory_space<hbm>>, %arg3: memref<632x128xf32, #tpu.memory_space<hbm>>, %arg4: memref<10112xf32, #tpu.memory_space<hbm>>, %arg5: memref<32x80x128xi32, #tpu.memory_space<hbm>>, %arg6: memref<32x80x128xi32, #tpu.memory_space<hbm>>, %arg7: memref<2x10112x128xf32, #tpu.memory_space<hbm>>, %arg8: memref<2x10112xf32, #tpu.memory_space<hbm>>, %arg9: memref<40x128xi32, #tpu.memory_space<vmem>>, %arg10: memref<40x128xi32, #tpu.memory_space<vmem>>, %arg11: memref<128x128xf32, #tpu.memory_space<vmem>>, %arg12: memref<128x128xf32, #tpu.memory_space<vmem>>, %arg13: memref<128xf32, #tpu.memory_space<vmem>>, %arg14: memref<10112x128xf32, #tpu.memory_space<vmem_shared>>, %arg15: memref<10112xf32, #tpu.memory_space<vmem_shared>>, %arg16: memref<!tpu.dma_semaphore, #tpu.memory_space<semaphore_mem>>, %arg17: memref<!tpu.dma_semaphore, #tpu.memory_space<semaphore_mem>>, %arg18: memref<!tpu.dma_semaphore, #tpu.memory_space<semaphore_mem>>, %arg19: memref<!tpu.dma_semaphore, #tpu.memory_space<semaphore_mem>>, %arg20: memref<!tpu.dma_semaphore, #tpu.memory_space<semaphore_mem>>) attributes {dimension_semantics = [#tpu.dimension_semantics<core_parallel>, #tpu.dimension_semantics<subcore_parallel>], iteration_bounds = array<i64: 2, 16>, scalar_prefetch = 0 : i64, scratch_operands = 12 : i64, tpu.core_type = #tpu.core_type<sc_vector_subcore>, window_params = [{transform_indices = #map}, {transform_indices = #map}, {transform_indices = #map1}, {transform_indices = #map2}, {transform_indices = #map2}, {transform_indices = #map2}, {transform_indices = #map}]} {
    %mul3A = arith.constant 2 : i32
    %mul3A_0 = arith.muli %arg1, %mul3A : i32
    %add3A = arith.addi %mul3A_0, %arg0 : i32
    "tpu.region"() ({
      %run_scoped3A = tpu.sem_alloc : memref<!tpu.dma_semaphore, #tpu.memory_space<semaphore_mem>>
      %dma_start3A_144 = arith.constant 0 : i32
      %dma_start3A_145 = arith.constant 0 : i32
      %dma_start3A_146 = tpu.memref_slice %arg11[%dma_start3A_144, %dma_start3A_145] : memref<128x128xf32, #tpu.memory_space<vmem>> -> memref<128x128xf32, #tpu.memory_space<vmem>>
      %dma_start3A_147 = arith.constant 0 : i32
      %dma_start3A_148 = arith.constant 0 : i32
      %dma_start3A_149 = tpu.memref_slice %arg3[%dma_start3A_147, %dma_start3A_148] : memref<632x128xf32, #tpu.memory_space<hbm>> -> memref<128x128xf32, #tpu.memory_space<hbm>>
      %dma_start3A_150 = arith.constant 0 : i32
      %dma_start3A_151 = arith.constant 0 : i32
      %dma_start3A_152 = tpu.memref_slice %arg11[%dma_start3A_150, %dma_start3A_151] : memref<128x128xf32, #tpu.memory_space<vmem>> -> memref<128x128xf32, #tpu.memory_space<vmem>>
      %dma_start3A_153 = arith.constant 0 : i32
      %dma_start3A_154 = arith.constant 0 : i32
      %dma_start3A_155 = tpu.memref_slice %arg3[%dma_start3A_153, %dma_start3A_154] : memref<632x128xf32, #tpu.memory_space<hbm>> -> memref<128x128xf32, #tpu.memory_space<hbm>>
      tpu.enqueue_dma source(%dma_start3A_155 : memref<128x128xf32, #tpu.memory_space<hbm>>) target(%dma_start3A_152 : memref<128x128xf32, #tpu.memory_space<vmem>>) target_semaphore(%run_scoped3A : memref<!tpu.dma_semaphore, #tpu.memory_space<semaphore_mem>>)
      %dma_wait3A_156 = arith.constant 0 : i32
      %dma_wait3A_157 = arith.constant 0 : i32
      %dma_wait3A_158 = tpu.memref_slice %arg11[%dma_wait3A_156, %dma_wait3A_157] : memref<128x128xf32, #tpu.memory_space<vmem>> -> memref<128x128xf32, #tpu.memory_space<vmem>>
      %dma_wait3A_159 = arith.constant 0 : i32
      %dma_wait3A_160 = arith.constant 0 : i32
      %dma_wait3A_161 = tpu.memref_slice %arg3[%dma_wait3A_159, %dma_wait3A_160] : memref<632x128xf32, #tpu.memory_space<hbm>> -> memref<128x128xf32, #tpu.memory_space<hbm>>
      %dma_wait3A_162 = arith.constant 0 : i32
      %dma_wait3A_163 = arith.constant 0 : i32
      %dma_wait3A_164 = tpu.memref_slice %arg11[%dma_wait3A_162, %dma_wait3A_163] : memref<128x128xf32, #tpu.memory_space<vmem>> -> memref<128x128xf32, #tpu.memory_space<vmem>>
      %dma_wait3A_165 = arith.constant 0 : i32
      %dma_wait3A_166 = arith.constant 0 : i32
      %dma_wait3A_167 = tpu.memref_slice %arg3[%dma_wait3A_165, %dma_wait3A_166] : memref<632x128xf32, #tpu.memory_space<hbm>> -> memref<128x128xf32, #tpu.memory_space<hbm>>
      tpu.wait_dma2 semaphore(%run_scoped3A : memref<!tpu.dma_semaphore, #tpu.memory_space<semaphore_mem>>) src(%dma_wait3A_167 : memref<128x128xf32, #tpu.memory_space<hbm>>) dst(%dma_wait3A_164 : memref<128x128xf32, #tpu.memory_space<vmem>>)
      tpu.yield
    }) : () -> ()
    %mul3A_1 = arith.constant 632 : i32
    %mul3A_2 = arith.muli %arg1, %mul3A_1 : i32
    %add3A_3 = arith.constant 0 : i32
    %add3A_4 = arith.addi %mul3A_2, %add3A_3 : i32
    "tpu.region"() ({
      %run_scoped3A = tpu.sem_alloc : memref<!tpu.dma_semaphore, #tpu.memory_space<semaphore_mem>>
      %dma_start3A_144 = arith.constant 0 : i32
      %dma_start3A_145 = arith.constant 0 : i32
      %dma_start3A_146 = tpu.memref_slice %arg11[%dma_start3A_144, %dma_start3A_145] : memref<128x128xf32, #tpu.memory_space<vmem>> -> memref<128x128xf32, #tpu.memory_space<vmem>>
      %dma_start3A_147 = arith.constant 0 : i32
      %dma_start3A_148 = tpu.memref_slice %arg14[%add3A_4, %dma_start3A_147] : memref<10112x128xf32, #tpu.memory_space<vmem_shared>> -> memref<128x128xf32, #tpu.memory_space<vmem_shared>>
      %dma_start3A_149 = arith.constant 0 : i32
      %dma_start3A_150 = tpu.memref_slice %arg14[%add3A_4, %dma_start3A_149] : memref<10112x128xf32, #tpu.memory_space<vmem_shared>> -> memref<128x128xf32, #tpu.memory_space<vmem_shared>>
      %dma_start3A_151 = arith.constant 0 : i32
      %dma_start3A_152 = arith.constant 0 : i32
      %dma_start3A_153 = tpu.memref_slice %arg11[%dma_start3A_151, %dma_start3A_152] : memref<128x128xf32, #tpu.memory_space<vmem>> -> memref<128x128xf32, #tpu.memory_space<vmem>>
      tpu.enqueue_dma source(%dma_start3A_153 : memref<128x128xf32, #tpu.memory_space<vmem>>) target(%dma_start3A_150 : memref<128x128xf32, #tpu.memory_space<vmem_shared>>) target_semaphore(%run_scoped3A : memref<!tpu.dma_semaphore, #tpu.memory_space<semaphore_mem>>)
      %dma_wait3A_154 = arith.constant 0 : i32
      %dma_wait3A_155 = arith.constant 0 : i32
      %dma_wait3A_156 = tpu.memref_slice %arg11[%dma_wait3A_154, %dma_wait3A_155] : memref<128x128xf32, #tpu.memory_space<vmem>> -> memref<128x128xf32, #tpu.memory_space<vmem>>
      %dma_wait3A_157 = arith.constant 0 : i32
      %dma_wait3A_158 = tpu.memref_slice %arg14[%add3A_4, %dma_wait3A_157] : memref<10112x128xf32, #tpu.memory_space<vmem_shared>> -> memref<128x128xf32, #tpu.memory_space<vmem_shared>>
      %dma_wait3A_159 = arith.constant 0 : i32
      %dma_wait3A_160 = tpu.memref_slice %arg14[%add3A_4, %dma_wait3A_159] : memref<10112x128xf32, #tpu.memory_space<vmem_shared>> -> memref<128x128xf32, #tpu.memory_space<vmem_shared>>
      %dma_wait3A_161 = arith.constant 0 : i32
      %dma_wait3A_162 = arith.constant 0 : i32
      %dma_wait3A_163 = tpu.memref_slice %arg11[%dma_wait3A_161, %dma_wait3A_162] : memref<128x128xf32, #tpu.memory_space<vmem>> -> memref<128x128xf32, #tpu.memory_space<vmem>>
      tpu.wait_dma2 semaphore(%run_scoped3A : memref<!tpu.dma_semaphore, #tpu.memory_space<semaphore_mem>>) src(%dma_wait3A_163 : memref<128x128xf32, #tpu.memory_space<vmem>>) dst(%dma_wait3A_160 : memref<128x128xf32, #tpu.memory_space<vmem_shared>>)
      tpu.yield
    }) : () -> ()
    "tpu.region"() ({
      %run_scoped3A = tpu.sem_alloc : memref<!tpu.dma_semaphore, #tpu.memory_space<semaphore_mem>>
      %dma_start3A_144 = arith.constant 0 : i32
      %dma_start3A_145 = arith.constant 0 : i32
      %dma_start3A_146 = tpu.memref_slice %arg12[%dma_start3A_144, %dma_start3A_145] : memref<128x128xf32, #tpu.memory_space<vmem>> -> memref<128x128xf32, #tpu.memory_space<vmem>>
      %dma_start3A_147 = arith.constant 0 : i32
      %dma_start3A_148 = arith.constant 0 : i32
      %dma_start3A_149 = tpu.memref_slice %arg3[%dma_start3A_147, %dma_start3A_148] : memref<632x128xf32, #tpu.memory_space<hbm>> -> memref<128x128xf32, #tpu.memory_space<hbm>>
      %dma_start3A_150 = arith.constant 0 : i32
      %dma_start3A_151 = arith.constant 0 : i32
      %dma_start3A_152 = tpu.memref_slice %arg12[%dma_start3A_150, %dma_start3A_151] : memref<128x128xf32, #tpu.memory_space<vmem>> -> memref<128x128xf32, #tpu.memory_space<vmem>>
      %dma_start3A_153 = arith.constant 0 : i32
      %dma_start3A_154 = arith.constant 0 : i32
      %dma_start3A_155 = tpu.memref_slice %arg3[%dma_start3A_153, %dma_start3A_154] : memref<632x128xf32, #tpu.memory_space<hbm>> -> memref<128x128xf32, #tpu.memory_space<hbm>>
      tpu.enqueue_dma source(%dma_start3A_155 : memref<128x128xf32, #tpu.memory_space<hbm>>) target(%dma_start3A_152 : memref<128x128xf32, #tpu.memory_space<vmem>>) target_semaphore(%run_scoped3A : memref<!tpu.dma_semaphore, #tpu.memory_space<semaphore_mem>>)
      %dma_wait3A_156 = arith.constant 0 : i32
      %dma_wait3A_157 = arith.constant 0 : i32
      %dma_wait3A_158 = tpu.memref_slice %arg12[%dma_wait3A_156, %dma_wait3A_157] : memref<128x128xf32, #tpu.memory_space<vmem>> -> memref<128x128xf32, #tpu.memory_space<vmem>>
      %dma_wait3A_159 = arith.constant 0 : i32
      %dma_wait3A_160 = arith.constant 0 : i32
      %dma_wait3A_161 = tpu.memref_slice %arg3[%dma_wait3A_159, %dma_wait3A_160] : memref<632x128xf32, #tpu.memory_space<hbm>> -> memref<128x128xf32, #tpu.memory_space<hbm>>
      %dma_wait3A_162 = arith.constant 0 : i32
      %dma_wait3A_163 = arith.constant 0 : i32
      %dma_wait3A_164 = tpu.memref_slice %arg12[%dma_wait3A_162, %dma_wait3A_163] : memref<128x128xf32, #tpu.memory_space<vmem>> -> memref<128x128xf32, #tpu.memory_space<vmem>>
      %dma_wait3A_165 = arith.constant 0 : i32
      %dma_wait3A_166 = arith.constant 0 : i32
      %dma_wait3A_167 = tpu.memref_slice %arg3[%dma_wait3A_165, %dma_wait3A_166] : memref<632x128xf32, #tpu.memory_space<hbm>> -> memref<128x128xf32, #tpu.memory_space<hbm>>
      tpu.wait_dma2 semaphore(%run_scoped3A : memref<!tpu.dma_semaphore, #tpu.memory_space<semaphore_mem>>) src(%dma_wait3A_167 : memref<128x128xf32, #tpu.memory_space<hbm>>) dst(%dma_wait3A_164 : memref<128x128xf32, #tpu.memory_space<vmem>>)
      tpu.yield
    }) : () -> ()
    %mul3A_5 = arith.constant 632 : i32
    %mul3A_6 = arith.muli %arg1, %mul3A_5 : i32
    %add3A_7 = arith.constant 128 : i32
    %add3A_8 = arith.addi %mul3A_6, %add3A_7 : i32
    "tpu.region"() ({
      %run_scoped3A = tpu.sem_alloc : memref<!tpu.dma_semaphore, #tpu.memory_space<semaphore_mem>>
      %dma_start3A_144 = arith.constant 0 : i32
      %dma_start3A_145 = arith.constant 0 : i32
      %dma_start3A_146 = tpu.memref_slice %arg12[%dma_start3A_144, %dma_start3A_145] : memref<128x128xf32, #tpu.memory_space<vmem>> -> memref<128x128xf32, #tpu.memory_space<vmem>>
      %dma_start3A_147 = arith.constant 0 : i32
      %dma_start3A_148 = tpu.memref_slice %arg14[%add3A_8, %dma_start3A_147] : memref<10112x128xf32, #tpu.memory_space<vmem_shared>> -> memref<128x128xf32, #tpu.memory_space<vmem_shared>>
      %dma_start3A_149 = arith.constant 0 : i32
      %dma_start3A_150 = tpu.memref_slice %arg14[%add3A_8, %dma_start3A_149] : memref<10112x128xf32, #tpu.memory_space<vmem_shared>> -> memref<128x128xf32, #tpu.memory_space<vmem_shared>>
      %dma_start3A_151 = arith.constant 0 : i32
      %dma_start3A_152 = arith.constant 0 : i32
      %dma_start3A_153 = tpu.memref_slice %arg12[%dma_start3A_151, %dma_start3A_152] : memref<128x128xf32, #tpu.memory_space<vmem>> -> memref<128x128xf32, #tpu.memory_space<vmem>>
      tpu.enqueue_dma source(%dma_start3A_153 : memref<128x128xf32, #tpu.memory_space<vmem>>) target(%dma_start3A_150 : memref<128x128xf32, #tpu.memory_space<vmem_shared>>) target_semaphore(%run_scoped3A : memref<!tpu.dma_semaphore, #tpu.memory_space<semaphore_mem>>)
      %dma_wait3A_154 = arith.constant 0 : i32
      %dma_wait3A_155 = arith.constant 0 : i32
      %dma_wait3A_156 = tpu.memref_slice %arg12[%dma_wait3A_154, %dma_wait3A_155] : memref<128x128xf32, #tpu.memory_space<vmem>> -> memref<128x128xf32, #tpu.memory_space<vmem>>
      %dma_wait3A_157 = arith.constant 0 : i32
      %dma_wait3A_158 = tpu.memref_slice %arg14[%add3A_8, %dma_wait3A_157] : memref<10112x128xf32, #tpu.memory_space<vmem_shared>> -> memref<128x128xf32, #tpu.memory_space<vmem_shared>>
      %dma_wait3A_159 = arith.constant 0 : i32
      %dma_wait3A_160 = tpu.memref_slice %arg14[%add3A_8, %dma_wait3A_159] : memref<10112x128xf32, #tpu.memory_space<vmem_shared>> -> memref<128x128xf32, #tpu.memory_space<vmem_shared>>
      %dma_wait3A_161 = arith.constant 0 : i32
      %dma_wait3A_162 = arith.constant 0 : i32
      %dma_wait3A_163 = tpu.memref_slice %arg12[%dma_wait3A_161, %dma_wait3A_162] : memref<128x128xf32, #tpu.memory_space<vmem>> -> memref<128x128xf32, #tpu.memory_space<vmem>>
      tpu.wait_dma2 semaphore(%run_scoped3A : memref<!tpu.dma_semaphore, #tpu.memory_space<semaphore_mem>>) src(%dma_wait3A_163 : memref<128x128xf32, #tpu.memory_space<vmem>>) dst(%dma_wait3A_160 : memref<128x128xf32, #tpu.memory_space<vmem_shared>>)
      tpu.yield
    }) : () -> ()
    "tpu.region"() ({
      %run_scoped3A = tpu.sem_alloc : memref<!tpu.dma_semaphore, #tpu.memory_space<semaphore_mem>>
      %dma_start3A_144 = arith.constant 0 : i32
      %dma_start3A_145 = arith.constant 0 : i32
      %dma_start3A_146 = tpu.memref_slice %arg11[%dma_start3A_144, %dma_start3A_145] : memref<128x128xf32, #tpu.memory_space<vmem>> -> memref<128x128xf32, #tpu.memory_space<vmem>>
      %dma_start3A_147 = arith.constant 0 : i32
      %dma_start3A_148 = arith.constant 0 : i32
      %dma_start3A_149 = tpu.memref_slice %arg3[%dma_start3A_147, %dma_start3A_148] : memref<632x128xf32, #tpu.memory_space<hbm>> -> memref<128x128xf32, #tpu.memory_space<hbm>>
      %dma_start3A_150 = arith.constant 0 : i32
      %dma_start3A_151 = arith.constant 0 : i32
      %dma_start3A_152 = tpu.memref_slice %arg11[%dma_start3A_150, %dma_start3A_151] : memref<128x128xf32, #tpu.memory_space<vmem>> -> memref<128x128xf32, #tpu.memory_space<vmem>>
      %dma_start3A_153 = arith.constant 0 : i32
      %dma_start3A_154 = arith.constant 0 : i32
      %dma_start3A_155 = tpu.memref_slice %arg3[%dma_start3A_153, %dma_start3A_154] : memref<632x128xf32, #tpu.memory_space<hbm>> -> memref<128x128xf32, #tpu.memory_space<hbm>>
      tpu.enqueue_dma source(%dma_start3A_155 : memref<128x128xf32, #tpu.memory_space<hbm>>) target(%dma_start3A_152 : memref<128x128xf32, #tpu.memory_space<vmem>>) target_semaphore(%run_scoped3A : memref<!tpu.dma_semaphore, #tpu.memory_space<semaphore_mem>>)
      %dma_wait3A_156 = arith.constant 0 : i32
      %dma_wait3A_157 = arith.constant 0 : i32
      %dma_wait3A_158 = tpu.memref_slice %arg11[%dma_wait3A_156, %dma_wait3A_157] : memref<128x128xf32, #tpu.memory_space<vmem>> -> memref<128x128xf32, #tpu.memory_space<vmem>>
      %dma_wait3A_159 = arith.constant 0 : i32
      %dma_wait3A_160 = arith.constant 0 : i32
      %dma_wait3A_161 = tpu.memref_slice %arg3[%dma_wait3A_159, %dma_wait3A_160] : memref<632x128xf32, #tpu.memory_space<hbm>> -> memref<128x128xf32, #tpu.memory_space<hbm>>
      %dma_wait3A_162 = arith.constant 0 : i32
      %dma_wait3A_163 = arith.constant 0 : i32
      %dma_wait3A_164 = tpu.memref_slice %arg11[%dma_wait3A_162, %dma_wait3A_163] : memref<128x128xf32, #tpu.memory_space<vmem>> -> memref<128x128xf32, #tpu.memory_space<vmem>>
      %dma_wait3A_165 = arith.constant 0 : i32
      %dma_wait3A_166 = arith.constant 0 : i32
      %dma_wait3A_167 = tpu.memref_slice %arg3[%dma_wait3A_165, %dma_wait3A_166] : memref<632x128xf32, #tpu.memory_space<hbm>> -> memref<128x128xf32, #tpu.memory_space<hbm>>
      tpu.wait_dma2 semaphore(%run_scoped3A : memref<!tpu.dma_semaphore, #tpu.memory_space<semaphore_mem>>) src(%dma_wait3A_167 : memref<128x128xf32, #tpu.memory_space<hbm>>) dst(%dma_wait3A_164 : memref<128x128xf32, #tpu.memory_space<vmem>>)
      tpu.yield
    }) : () -> ()
    %mul3A_9 = arith.constant 632 : i32
    %mul3A_10 = arith.muli %arg1, %mul3A_9 : i32
    %add3A_11 = arith.constant 256 : i32
    %add3A_12 = arith.addi %mul3A_10, %add3A_11 : i32
    "tpu.region"() ({
      %run_scoped3A = tpu.sem_alloc : memref<!tpu.dma_semaphore, #tpu.memory_space<semaphore_mem>>
      %dma_start3A_144 = arith.constant 0 : i32
      %dma_start3A_145 = arith.constant 0 : i32
      %dma_start3A_146 = tpu.memref_slice %arg11[%dma_start3A_144, %dma_start3A_145] : memref<128x128xf32, #tpu.memory_space<vmem>> -> memref<128x128xf32, #tpu.memory_space<vmem>>
      %dma_start3A_147 = arith.constant 0 : i32
      %dma_start3A_148 = tpu.memref_slice %arg14[%add3A_12, %dma_start3A_147] : memref<10112x128xf32, #tpu.memory_space<vmem_shared>> -> memref<128x128xf32, #tpu.memory_space<vmem_shared>>
      %dma_start3A_149 = arith.constant 0 : i32
      %dma_start3A_150 = tpu.memref_slice %arg14[%add3A_12, %dma_start3A_149] : memref<10112x128xf32, #tpu.memory_space<vmem_shared>> -> memref<128x128xf32, #tpu.memory_space<vmem_shared>>
      %dma_start3A_151 = arith.constant 0 : i32
      %dma_start3A_152 = arith.constant 0 : i32
      %dma_start3A_153 = tpu.memref_slice %arg11[%dma_start3A_151, %dma_start3A_152] : memref<128x128xf32, #tpu.memory_space<vmem>> -> memref<128x128xf32, #tpu.memory_space<vmem>>
      tpu.enqueue_dma source(%dma_start3A_153 : memref<128x128xf32, #tpu.memory_space<vmem>>) target(%dma_start3A_150 : memref<128x128xf32, #tpu.memory_space<vmem_shared>>) target_semaphore(%run_scoped3A : memref<!tpu.dma_semaphore, #tpu.memory_space<semaphore_mem>>)
      %dma_wait3A_154 = arith.constant 0 : i32
      %dma_wait3A_155 = arith.constant 0 : i32
      %dma_wait3A_156 = tpu.memref_slice %arg11[%dma_wait3A_154, %dma_wait3A_155] : memref<128x128xf32, #tpu.memory_space<vmem>> -> memref<128x128xf32, #tpu.memory_space<vmem>>
      %dma_wait3A_157 = arith.constant 0 : i32
      %dma_wait3A_158 = tpu.memref_slice %arg14[%add3A_12, %dma_wait3A_157] : memref<10112x128xf32, #tpu.memory_space<vmem_shared>> -> memref<128x128xf32, #tpu.memory_space<vmem_shared>>
      %dma_wait3A_159 = arith.constant 0 : i32
      %dma_wait3A_160 = tpu.memref_slice %arg14[%add3A_12, %dma_wait3A_159] : memref<10112x128xf32, #tpu.memory_space<vmem_shared>> -> memref<128x128xf32, #tpu.memory_space<vmem_shared>>
      %dma_wait3A_161 = arith.constant 0 : i32
      %dma_wait3A_162 = arith.constant 0 : i32
      %dma_wait3A_163 = tpu.memref_slice %arg11[%dma_wait3A_161, %dma_wait3A_162] : memref<128x128xf32, #tpu.memory_space<vmem>> -> memref<128x128xf32, #tpu.memory_space<vmem>>
      tpu.wait_dma2 semaphore(%run_scoped3A : memref<!tpu.dma_semaphore, #tpu.memory_space<semaphore_mem>>) src(%dma_wait3A_163 : memref<128x128xf32, #tpu.memory_space<vmem>>) dst(%dma_wait3A_160 : memref<128x128xf32, #tpu.memory_space<vmem_shared>>)
      tpu.yield
    }) : () -> ()
    "tpu.region"() ({
      %run_scoped3A = tpu.sem_alloc : memref<!tpu.dma_semaphore, #tpu.memory_space<semaphore_mem>>
      %dma_start3A_144 = arith.constant 0 : i32
      %dma_start3A_145 = arith.constant 0 : i32
      %dma_start3A_146 = tpu.memref_slice %arg12[%dma_start3A_144, %dma_start3A_145] : memref<128x128xf32, #tpu.memory_space<vmem>> -> memref<128x128xf32, #tpu.memory_space<vmem>>
      %dma_start3A_147 = arith.constant 0 : i32
      %dma_start3A_148 = arith.constant 0 : i32
      %dma_start3A_149 = tpu.memref_slice %arg3[%dma_start3A_147, %dma_start3A_148] : memref<632x128xf32, #tpu.memory_space<hbm>> -> memref<128x128xf32, #tpu.memory_space<hbm>>
      %dma_start3A_150 = arith.constant 0 : i32
      %dma_start3A_151 = arith.constant 0 : i32
      %dma_start3A_152 = tpu.memref_slice %arg12[%dma_start3A_150, %dma_start3A_151] : memref<128x128xf32, #tpu.memory_space<vmem>> -> memref<128x128xf32, #tpu.memory_space<vmem>>
      %dma_start3A_153 = arith.constant 0 : i32
      %dma_start3A_154 = arith.constant 0 : i32
      %dma_start3A_155 = tpu.memref_slice %arg3[%dma_start3A_153, %dma_start3A_154] : memref<632x128xf32, #tpu.memory_space<hbm>> -> memref<128x128xf32, #tpu.memory_space<hbm>>
      tpu.enqueue_dma source(%dma_start3A_155 : memref<128x128xf32, #tpu.memory_space<hbm>>) target(%dma_start3A_152 : memref<128x128xf32, #tpu.memory_space<vmem>>) target_semaphore(%run_scoped3A : memref<!tpu.dma_semaphore, #tpu.memory_space<semaphore_mem>>)
      %dma_wait3A_156 = arith.constant 0 : i32
      %dma_wait3A_157 = arith.constant 0 : i32
      %dma_wait3A_158 = tpu.memref_slice %arg12[%dma_wait3A_156, %dma_wait3A_157] : memref<128x128xf32, #tpu.memory_space<vmem>> -> memref<128x128xf32, #tpu.memory_space<vmem>>
      %dma_wait3A_159 = arith.constant 0 : i32
      %dma_wait3A_160 = arith.constant 0 : i32
      %dma_wait3A_161 = tpu.memref_slice %arg3[%dma_wait3A_159, %dma_wait3A_160] : memref<632x128xf32, #tpu.memory_space<hbm>> -> memref<128x128xf32, #tpu.memory_space<hbm>>
      %dma_wait3A_162 = arith.constant 0 : i32
      %dma_wait3A_163 = arith.constant 0 : i32
      %dma_wait3A_164 = tpu.memref_slice %arg12[%dma_wait3A_162, %dma_wait3A_163] : memref<128x128xf32, #tpu.memory_space<vmem>> -> memref<128x128xf32, #tpu.memory_space<vmem>>
      %dma_wait3A_165 = arith.constant 0 : i32
      %dma_wait3A_166 = arith.constant 0 : i32
      %dma_wait3A_167 = tpu.memref_slice %arg3[%dma_wait3A_165, %dma_wait3A_166] : memref<632x128xf32, #tpu.memory_space<hbm>> -> memref<128x128xf32, #tpu.memory_space<hbm>>
      tpu.wait_dma2 semaphore(%run_scoped3A : memref<!tpu.dma_semaphore, #tpu.memory_space<semaphore_mem>>) src(%dma_wait3A_167 : memref<128x128xf32, #tpu.memory_space<hbm>>) dst(%dma_wait3A_164 : memref<128x128xf32, #tpu.memory_space<vmem>>)
      tpu.yield
    }) : () -> ()
    %mul3A_13 = arith.constant 632 : i32
    %mul3A_14 = arith.muli %arg1, %mul3A_13 : i32
    %add3A_15 = arith.constant 384 : i32
    %add3A_16 = arith.addi %mul3A_14, %add3A_15 : i32
    "tpu.region"() ({
      %run_scoped3A = tpu.sem_alloc : memref<!tpu.dma_semaphore, #tpu.memory_space<semaphore_mem>>
      %dma_start3A_144 = arith.constant 0 : i32
      %dma_start3A_145 = arith.constant 0 : i32
      %dma_start3A_146 = tpu.memref_slice %arg12[%dma_start3A_144, %dma_start3A_145] : memref<128x128xf32, #tpu.memory_space<vmem>> -> memref<128x128xf32, #tpu.memory_space<vmem>>
      %dma_start3A_147 = arith.constant 0 : i32
      %dma_start3A_148 = tpu.memref_slice %arg14[%add3A_16, %dma_start3A_147] : memref<10112x128xf32, #tpu.memory_space<vmem_shared>> -> memref<128x128xf32, #tpu.memory_space<vmem_shared>>
      %dma_start3A_149 = arith.constant 0 : i32
      %dma_start3A_150 = tpu.memref_slice %arg14[%add3A_16, %dma_start3A_149] : memref<10112x128xf32, #tpu.memory_space<vmem_shared>> -> memref<128x128xf32, #tpu.memory_space<vmem_shared>>
      %dma_start3A_151 = arith.constant 0 : i32
      %dma_start3A_152 = arith.constant 0 : i32
      %dma_start3A_153 = tpu.memref_slice %arg12[%dma_start3A_151, %dma_start3A_152] : memref<128x128xf32, #tpu.memory_space<vmem>> -> memref<128x128xf32, #tpu.memory_space<vmem>>
      tpu.enqueue_dma source(%dma_start3A_153 : memref<128x128xf32, #tpu.memory_space<vmem>>) target(%dma_start3A_150 : memref<128x128xf32, #tpu.memory_space<vmem_shared>>) target_semaphore(%run_scoped3A : memref<!tpu.dma_semaphore, #tpu.memory_space<semaphore_mem>>)
      %dma_wait3A_154 = arith.constant 0 : i32
      %dma_wait3A_155 = arith.constant 0 : i32
      %dma_wait3A_156 = tpu.memref_slice %arg12[%dma_wait3A_154, %dma_wait3A_155] : memref<128x128xf32, #tpu.memory_space<vmem>> -> memref<128x128xf32, #tpu.memory_space<vmem>>
      %dma_wait3A_157 = arith.constant 0 : i32
      %dma_wait3A_158 = tpu.memref_slice %arg14[%add3A_16, %dma_wait3A_157] : memref<10112x128xf32, #tpu.memory_space<vmem_shared>> -> memref<128x128xf32, #tpu.memory_space<vmem_shared>>
      %dma_wait3A_159 = arith.constant 0 : i32
      %dma_wait3A_160 = tpu.memref_slice %arg14[%add3A_16, %dma_wait3A_159] : memref<10112x128xf32, #tpu.memory_space<vmem_shared>> -> memref<128x128xf32, #tpu.memory_space<vmem_shared>>
      %dma_wait3A_161 = arith.constant 0 : i32
      %dma_wait3A_162 = arith.constant 0 : i32
      %dma_wait3A_163 = tpu.memref_slice %arg12[%dma_wait3A_161, %dma_wait3A_162] : memref<128x128xf32, #tpu.memory_space<vmem>> -> memref<128x128xf32, #tpu.memory_space<vmem>>
      tpu.wait_dma2 semaphore(%run_scoped3A : memref<!tpu.dma_semaphore, #tpu.memory_space<semaphore_mem>>) src(%dma_wait3A_163 : memref<128x128xf32, #tpu.memory_space<vmem>>) dst(%dma_wait3A_160 : memref<128x128xf32, #tpu.memory_space<vmem_shared>>)
      tpu.yield
    }) : () -> ()
    "tpu.region"() ({
      %run_scoped3A = tpu.sem_alloc : memref<!tpu.dma_semaphore, #tpu.memory_space<semaphore_mem>>
      %dma_start3A_144 = arith.constant 0 : i32
      %dma_start3A_145 = arith.constant 0 : i32
      %dma_start3A_146 = tpu.memref_slice %arg11[%dma_start3A_144, %dma_start3A_145] : memref<128x128xf32, #tpu.memory_space<vmem>> -> memref<120x128xf32, #tpu.memory_space<vmem>>
      %dma_start3A_147 = arith.constant 0 : i32
      %dma_start3A_148 = arith.constant 0 : i32
      %dma_start3A_149 = tpu.memref_slice %arg3[%dma_start3A_147, %dma_start3A_148] : memref<632x128xf32, #tpu.memory_space<hbm>> -> memref<120x128xf32, #tpu.memory_space<hbm>>
      %dma_start3A_150 = arith.constant 0 : i32
      %dma_start3A_151 = arith.constant 0 : i32
      %dma_start3A_152 = tpu.memref_slice %arg11[%dma_start3A_150, %dma_start3A_151] : memref<128x128xf32, #tpu.memory_space<vmem>> -> memref<120x128xf32, #tpu.memory_space<vmem>>
      %dma_start3A_153 = arith.constant 0 : i32
      %dma_start3A_154 = arith.constant 0 : i32
      %dma_start3A_155 = tpu.memref_slice %arg3[%dma_start3A_153, %dma_start3A_154] : memref<632x128xf32, #tpu.memory_space<hbm>> -> memref<120x128xf32, #tpu.memory_space<hbm>>
      tpu.enqueue_dma source(%dma_start3A_155 : memref<120x128xf32, #tpu.memory_space<hbm>>) target(%dma_start3A_152 : memref<120x128xf32, #tpu.memory_space<vmem>>) target_semaphore(%run_scoped3A : memref<!tpu.dma_semaphore, #tpu.memory_space<semaphore_mem>>)
      %dma_wait3A_156 = arith.constant 0 : i32
      %dma_wait3A_157 = arith.constant 0 : i32
      %dma_wait3A_158 = tpu.memref_slice %arg11[%dma_wait3A_156, %dma_wait3A_157] : memref<128x128xf32, #tpu.memory_space<vmem>> -> memref<120x128xf32, #tpu.memory_space<vmem>>
      %dma_wait3A_159 = arith.constant 0 : i32
      %dma_wait3A_160 = arith.constant 0 : i32
      %dma_wait3A_161 = tpu.memref_slice %arg3[%dma_wait3A_159, %dma_wait3A_160] : memref<632x128xf32, #tpu.memory_space<hbm>> -> memref<120x128xf32, #tpu.memory_space<hbm>>
      %dma_wait3A_162 = arith.constant 0 : i32
      %dma_wait3A_163 = arith.constant 0 : i32
      %dma_wait3A_164 = tpu.memref_slice %arg11[%dma_wait3A_162, %dma_wait3A_163] : memref<128x128xf32, #tpu.memory_space<vmem>> -> memref<120x128xf32, #tpu.memory_space<vmem>>
      %dma_wait3A_165 = arith.constant 0 : i32
      %dma_wait3A_166 = arith.constant 0 : i32
      %dma_wait3A_167 = tpu.memref_slice %arg3[%dma_wait3A_165, %dma_wait3A_166] : memref<632x128xf32, #tpu.memory_space<hbm>> -> memref<120x128xf32, #tpu.memory_space<hbm>>
      tpu.wait_dma2 semaphore(%run_scoped3A : memref<!tpu.dma_semaphore, #tpu.memory_space<semaphore_mem>>) src(%dma_wait3A_167 : memref<120x128xf32, #tpu.memory_space<hbm>>) dst(%dma_wait3A_164 : memref<120x128xf32, #tpu.memory_space<vmem>>)
      tpu.yield
    }) : () -> ()
    %mul3A_17 = arith.constant 632 : i32
    %mul3A_18 = arith.muli %arg1, %mul3A_17 : i32
    %add3A_19 = arith.constant 512 : i32
    %add3A_20 = arith.addi %mul3A_18, %add3A_19 : i32
    "tpu.region"() ({
      %run_scoped3A = tpu.sem_alloc : memref<!tpu.dma_semaphore, #tpu.memory_space<semaphore_mem>>
      %dma_start3A_144 = arith.constant 0 : i32
      %dma_start3A_145 = arith.constant 0 : i32
      %dma_start3A_146 = tpu.memref_slice %arg11[%dma_start3A_144, %dma_start3A_145] : memref<128x128xf32, #tpu.memory_space<vmem>> -> memref<120x128xf32, #tpu.memory_space<vmem>>
      %dma_start3A_147 = arith.constant 0 : i32
      %dma_start3A_148 = tpu.memref_slice %arg14[%add3A_20, %dma_start3A_147] : memref<10112x128xf32, #tpu.memory_space<vmem_shared>> -> memref<120x128xf32, #tpu.memory_space<vmem_shared>>
      %dma_start3A_149 = arith.constant 0 : i32
      %dma_start3A_150 = tpu.memref_slice %arg14[%add3A_20, %dma_start3A_149] : memref<10112x128xf32, #tpu.memory_space<vmem_shared>> -> memref<120x128xf32, #tpu.memory_space<vmem_shared>>
      %dma_start3A_151 = arith.constant 0 : i32
      %dma_start3A_152 = arith.constant 0 : i32
      %dma_start3A_153 = tpu.memref_slice %arg11[%dma_start3A_151, %dma_start3A_152] : memref<128x128xf32, #tpu.memory_space<vmem>> -> memref<120x128xf32, #tpu.memory_space<vmem>>
      tpu.enqueue_dma source(%dma_start3A_153 : memref<120x128xf32, #tpu.memory_space<vmem>>) target(%dma_start3A_150 : memref<120x128xf32, #tpu.memory_space<vmem_shared>>) target_semaphore(%run_scoped3A : memref<!tpu.dma_semaphore, #tpu.memory_space<semaphore_mem>>)
      %dma_wait3A_154 = arith.constant 0 : i32
      %dma_wait3A_155 = arith.constant 0 : i32
      %dma_wait3A_156 = tpu.memref_slice %arg11[%dma_wait3A_154, %dma_wait3A_155] : memref<128x128xf32, #tpu.memory_space<vmem>> -> memref<120x128xf32, #tpu.memory_space<vmem>>
      %dma_wait3A_157 = arith.constant 0 : i32
      %dma_wait3A_158 = tpu.memref_slice %arg14[%add3A_20, %dma_wait3A_157] : memref<10112x128xf32, #tpu.memory_space<vmem_shared>> -> memref<120x128xf32, #tpu.memory_space<vmem_shared>>
      %dma_wait3A_159 = arith.constant 0 : i32
      %dma_wait3A_160 = tpu.memref_slice %arg14[%add3A_20, %dma_wait3A_159] : memref<10112x128xf32, #tpu.memory_space<vmem_shared>> -> memref<120x128xf32, #tpu.memory_space<vmem_shared>>
      %dma_wait3A_161 = arith.constant 0 : i32
      %dma_wait3A_162 = arith.constant 0 : i32
      %dma_wait3A_163 = tpu.memref_slice %arg11[%dma_wait3A_161, %dma_wait3A_162] : memref<128x128xf32, #tpu.memory_space<vmem>> -> memref<120x128xf32, #tpu.memory_space<vmem>>
      tpu.wait_dma2 semaphore(%run_scoped3A : memref<!tpu.dma_semaphore, #tpu.memory_space<semaphore_mem>>) src(%dma_wait3A_163 : memref<120x128xf32, #tpu.memory_space<vmem>>) dst(%dma_wait3A_160 : memref<120x128xf32, #tpu.memory_space<vmem_shared>>)
      tpu.yield
    }) : () -> ()
    %eq3A = arith.constant 0 : i32
    %eq3A_21 = arith.cmpi eq, %arg1, %eq3A : i32
    %convert_element_type3A = arith.extui %eq3A_21 : i1 to i32
    %cond3A = arith.constant 0 : i32
    %cond3A_22 = arith.cmpi ne, %convert_element_type3A, %cond3A : i32
    scf.if %cond3A_22 {
      "tpu.region"() ({
        %run_scoped3A = tpu.sem_alloc : memref<!tpu.dma_semaphore, #tpu.memory_space<semaphore_mem>>
        tpu.enqueue_dma source(%arg4 : memref<10112xf32, #tpu.memory_space<hbm>>) target(%arg15 : memref<10112xf32, #tpu.memory_space<vmem_shared>>) target_semaphore(%run_scoped3A : memref<!tpu.dma_semaphore, #tpu.memory_space<semaphore_mem>>)
        tpu.wait_dma2 semaphore(%run_scoped3A : memref<!tpu.dma_semaphore, #tpu.memory_space<semaphore_mem>>) src(%arg4 : memref<10112xf32, #tpu.memory_space<hbm>>) dst(%arg15 : memref<10112xf32, #tpu.memory_space<vmem_shared>>)
        tpu.yield
      }) : () -> ()
    } else {
    }
    %broadcast_in_dim3A = arith.constant 1.000000e+00 : f32
    %broadcast_in_dim3A_23 = vector.broadcast %broadcast_in_dim3A : f32 to vector<16xf32>
    %swap3A = arith.constant 0 : index
    %swap3A_24 = tpu.vector_load %arg13[%swap3A] {strides = array<i32>} : memref<128xf32, #tpu.memory_space<vmem>>, vector<16xf32>,
    %swap3A_25 = vector.shape_cast %swap3A_24 : vector<16xf32> to vector<16xf32>
    %swap3A_26 = vector.shape_cast %broadcast_in_dim3A_23 : vector<16xf32> to vector<16xf32>
    tpu.vector_store %arg13[%swap3A], %swap3A_26 {strides = array<i32>} : memref<128xf32, #tpu.memory_space<vmem>>, vector<16xf32>,
    %broadcast_in_dim3A_27 = arith.constant 1.000000e+00 : f32
    %broadcast_in_dim3A_28 = vector.broadcast %broadcast_in_dim3A_27 : f32 to vector<16xf32>
    %swap3A_29 = arith.constant 16 : index
    %swap3A_30 = tpu.vector_load %arg13[%swap3A_29] {strides = array<i32>} : memref<128xf32, #tpu.memory_space<vmem>>, vector<16xf32>,
    %swap3A_31 = vector.shape_cast %swap3A_30 : vector<16xf32> to vector<16xf32>
    %swap3A_32 = vector.shape_cast %broadcast_in_dim3A_28 : vector<16xf32> to vector<16xf32>
    tpu.vector_store %arg13[%swap3A_29], %swap3A_32 {strides = array<i32>} : memref<128xf32, #tpu.memory_space<vmem>>, vector<16xf32>,
    %broadcast_in_dim3A_33 = arith.constant 1.000000e+00 : f32
    %broadcast_in_dim3A_34 = vector.broadcast %broadcast_in_dim3A_33 : f32 to vector<16xf32>
    %swap3A_35 = arith.constant 32 : index
    %swap3A_36 = tpu.vector_load %arg13[%swap3A_35] {strides = array<i32>} : memref<128xf32, #tpu.memory_space<vmem>>, vector<16xf32>,
    %swap3A_37 = vector.shape_cast %swap3A_36 : vector<16xf32> to vector<16xf32>
    %swap3A_38 = vector.shape_cast %broadcast_in_dim3A_34 : vector<16xf32> to vector<16xf32>
    tpu.vector_store %arg13[%swap3A_35], %swap3A_38 {strides = array<i32>} : memref<128xf32, #tpu.memory_space<vmem>>, vector<16xf32>,
    %broadcast_in_dim3A_39 = arith.constant 1.000000e+00 : f32
    %broadcast_in_dim3A_40 = vector.broadcast %broadcast_in_dim3A_39 : f32 to vector<16xf32>
    %swap3A_41 = arith.constant 48 : index
    %swap3A_42 = tpu.vector_load %arg13[%swap3A_41] {strides = array<i32>} : memref<128xf32, #tpu.memory_space<vmem>>, vector<16xf32>,
    %swap3A_43 = vector.shape_cast %swap3A_42 : vector<16xf32> to vector<16xf32>
    %swap3A_44 = vector.shape_cast %broadcast_in_dim3A_40 : vector<16xf32> to vector<16xf32>
    tpu.vector_store %arg13[%swap3A_41], %swap3A_44 {strides = array<i32>} : memref<128xf32, #tpu.memory_space<vmem>>, vector<16xf32>,
    %broadcast_in_dim3A_45 = arith.constant 1.000000e+00 : f32
    %broadcast_in_dim3A_46 = vector.broadcast %broadcast_in_dim3A_45 : f32 to vector<16xf32>
    %swap3A_47 = arith.constant 64 : index
    %swap3A_48 = tpu.vector_load %arg13[%swap3A_47] {strides = array<i32>} : memref<128xf32, #tpu.memory_space<vmem>>, vector<16xf32>,
    %swap3A_49 = vector.shape_cast %swap3A_48 : vector<16xf32> to vector<16xf32>
    %swap3A_50 = vector.shape_cast %broadcast_in_dim3A_46 : vector<16xf32> to vector<16xf32>
    tpu.vector_store %arg13[%swap3A_47], %swap3A_50 {strides = array<i32>} : memref<128xf32, #tpu.memory_space<vmem>>, vector<16xf32>,
    %broadcast_in_dim3A_51 = arith.constant 1.000000e+00 : f32
    %broadcast_in_dim3A_52 = vector.broadcast %broadcast_in_dim3A_51 : f32 to vector<16xf32>
    %swap3A_53 = arith.constant 80 : index
    %swap3A_54 = tpu.vector_load %arg13[%swap3A_53] {strides = array<i32>} : memref<128xf32, #tpu.memory_space<vmem>>, vector<16xf32>,
    %swap3A_55 = vector.shape_cast %swap3A_54 : vector<16xf32> to vector<16xf32>
    %swap3A_56 = vector.shape_cast %broadcast_in_dim3A_52 : vector<16xf32> to vector<16xf32>
    tpu.vector_store %arg13[%swap3A_53], %swap3A_56 {strides = array<i32>} : memref<128xf32, #tpu.memory_space<vmem>>, vector<16xf32>,
    %broadcast_in_dim3A_57 = arith.constant 1.000000e+00 : f32
    %broadcast_in_dim3A_58 = vector.broadcast %broadcast_in_dim3A_57 : f32 to vector<16xf32>
    %swap3A_59 = arith.constant 96 : index
    %swap3A_60 = tpu.vector_load %arg13[%swap3A_59] {strides = array<i32>} : memref<128xf32, #tpu.memory_space<vmem>>, vector<16xf32>,
    %swap3A_61 = vector.shape_cast %swap3A_60 : vector<16xf32> to vector<16xf32>
    %swap3A_62 = vector.shape_cast %broadcast_in_dim3A_58 : vector<16xf32> to vector<16xf32>
    tpu.vector_store %arg13[%swap3A_59], %swap3A_62 {strides = array<i32>} : memref<128xf32, #tpu.memory_space<vmem>>, vector<16xf32>,
    %broadcast_in_dim3A_63 = arith.constant 1.000000e+00 : f32
    %broadcast_in_dim3A_64 = vector.broadcast %broadcast_in_dim3A_63 : f32 to vector<16xf32>
    %swap3A_65 = arith.constant 112 : index
    %swap3A_66 = tpu.vector_load %arg13[%swap3A_65] {strides = array<i32>} : memref<128xf32, #tpu.memory_space<vmem>>, vector<16xf32>,
    %swap3A_67 = vector.shape_cast %swap3A_66 : vector<16xf32> to vector<16xf32>
    %swap3A_68 = vector.shape_cast %broadcast_in_dim3A_64 : vector<16xf32> to vector<16xf32>
    tpu.vector_store %arg13[%swap3A_65], %swap3A_68 {strides = array<i32>} : memref<128xf32, #tpu.memory_space<vmem>>, vector<16xf32>,
    %barrier3A = arith.constant 0 : index
    tpu.barrier barrier_id(%barrier3A)
    "tpu.region"() ({
      %run_scoped3A = tpu.sem_alloc : memref<!tpu.dma_semaphore, #tpu.memory_space<semaphore_mem>>
      %dma_start3A_144 = arith.constant 0 : i32
      %dma_start3A_145 = arith.constant 0 : i32
      %dma_start3A_146 = tpu.memref_slice %arg5[%add3A, %dma_start3A_144, %dma_start3A_145] : memref<32x80x128xi32, #tpu.memory_space<hbm>> -> memref<1x40x128xi32, #tpu.memory_space<hbm>>
      %dma_start3A_147 = tpu.memref_squeeze %dma_start3A_146 : memref<1x40x128xi32, #tpu.memory_space<hbm>> -> memref<40x128xi32, #tpu.memory_space<hbm>>
      %dma_start3A_148 = arith.constant 0 : i32
      %dma_start3A_149 = arith.constant 0 : i32
      %dma_start3A_150 = tpu.memref_slice %arg5[%add3A, %dma_start3A_148, %dma_start3A_149] : memref<32x80x128xi32, #tpu.memory_space<hbm>> -> memref<1x40x128xi32, #tpu.memory_space<hbm>>
      %dma_start3A_151 = tpu.memref_squeeze %dma_start3A_150 : memref<1x40x128xi32, #tpu.memory_space<hbm>> -> memref<40x128xi32, #tpu.memory_space<hbm>>
      tpu.enqueue_dma source(%dma_start3A_151 : memref<40x128xi32, #tpu.memory_space<hbm>>) target(%arg9 : memref<40x128xi32, #tpu.memory_space<vmem>>) target_semaphore(%run_scoped3A : memref<!tpu.dma_semaphore, #tpu.memory_space<semaphore_mem>>)
      %dma_wait3A_152 = arith.constant 0 : i32
      %dma_wait3A_153 = arith.constant 0 : i32
      %dma_wait3A_154 = tpu.memref_slice %arg5[%add3A, %dma_wait3A_152, %dma_wait3A_153] : memref<32x80x128xi32, #tpu.memory_space<hbm>> -> memref<1x40x128xi32, #tpu.memory_space<hbm>>
      %dma_wait3A_155 = tpu.memref_squeeze %dma_wait3A_154 : memref<1x40x128xi32, #tpu.memory_space<hbm>> -> memref<40x128xi32, #tpu.memory_space<hbm>>
      %dma_wait3A_156 = arith.constant 0 : i32
      %dma_wait3A_157 = arith.constant 0 : i32
      %dma_wait3A_158 = tpu.memref_slice %arg5[%add3A, %dma_wait3A_156, %dma_wait3A_157] : memref<32x80x128xi32, #tpu.memory_space<hbm>> -> memref<1x40x128xi32, #tpu.memory_space<hbm>>
      %dma_wait3A_159 = tpu.memref_squeeze %dma_wait3A_158 : memref<1x40x128xi32, #tpu.memory_space<hbm>> -> memref<40x128xi32, #tpu.memory_space<hbm>>
      tpu.wait_dma2 semaphore(%run_scoped3A : memref<!tpu.dma_semaphore, #tpu.memory_space<semaphore_mem>>) src(%dma_wait3A_159 : memref<40x128xi32, #tpu.memory_space<hbm>>) dst(%arg9 : memref<40x128xi32, #tpu.memory_space<vmem>>)
      tpu.yield
    }) : () -> ()
    "tpu.region"() ({
      %run_scoped3A = tpu.sem_alloc : memref<!tpu.dma_semaphore, #tpu.memory_space<semaphore_mem>>
      %dma_start3A_144 = arith.constant 0 : i32
      %dma_start3A_145 = arith.constant 0 : i32
      %dma_start3A_146 = tpu.memref_slice %arg6[%add3A, %dma_start3A_144, %dma_start3A_145] : memref<32x80x128xi32, #tpu.memory_space<hbm>> -> memref<1x40x128xi32, #tpu.memory_space<hbm>>
      %dma_start3A_147 = tpu.memref_squeeze %dma_start3A_146 : memref<1x40x128xi32, #tpu.memory_space<hbm>> -> memref<40x128xi32, #tpu.memory_space<hbm>>
      %dma_start3A_148 = arith.constant 0 : i32
      %dma_start3A_149 = arith.constant 0 : i32
      %dma_start3A_150 = tpu.memref_slice %arg6[%add3A, %dma_start3A_148, %dma_start3A_149] : memref<32x80x128xi32, #tpu.memory_space<hbm>> -> memref<1x40x128xi32, #tpu.memory_space<hbm>>
      %dma_start3A_151 = tpu.memref_squeeze %dma_start3A_150 : memref<1x40x128xi32, #tpu.memory_space<hbm>> -> memref<40x128xi32, #tpu.memory_space<hbm>>
      tpu.enqueue_dma source(%dma_start3A_151 : memref<40x128xi32, #tpu.memory_space<hbm>>) target(%arg10 : memref<40x128xi32, #tpu.memory_space<vmem>>) target_semaphore(%run_scoped3A : memref<!tpu.dma_semaphore, #tpu.memory_space<semaphore_mem>>)
      %dma_wait3A_152 = arith.constant 0 : i32
      %dma_wait3A_153 = arith.constant 0 : i32
      %dma_wait3A_154 = tpu.memref_slice %arg6[%add3A, %dma_wait3A_152, %dma_wait3A_153] : memref<32x80x128xi32, #tpu.memory_space<hbm>> -> memref<1x40x128xi32, #tpu.memory_space<hbm>>
      %dma_wait3A_155 = tpu.memref_squeeze %dma_wait3A_154 : memref<1x40x128xi32, #tpu.memory_space<hbm>> -> memref<40x128xi32, #tpu.memory_space<hbm>>
      %dma_wait3A_156 = arith.constant 0 : i32
      %dma_wait3A_157 = arith.constant 0 : i32
      %dma_wait3A_158 = tpu.memref_slice %arg6[%add3A, %dma_wait3A_156, %dma_wait3A_157] : memref<32x80x128xi32, #tpu.memory_space<hbm>> -> memref<1x40x128xi32, #tpu.memory_space<hbm>>
      %dma_wait3A_159 = tpu.memref_squeeze %dma_wait3A_158 : memref<1x40x128xi32, #tpu.memory_space<hbm>> -> memref<40x128xi32, #tpu.memory_space<hbm>>
      tpu.wait_dma2 semaphore(%run_scoped3A : memref<!tpu.dma_semaphore, #tpu.memory_space<semaphore_mem>>) src(%dma_wait3A_159 : memref<40x128xi32, #tpu.memory_space<hbm>>) dst(%arg10 : memref<40x128xi32, #tpu.memory_space<vmem>>)
      tpu.yield
    }) : () -> ()
    %dma_start3A = arith.constant 0 : i32
    %dma_start3A_69 = arith.constant 0 : i32
    %dma_start3A_70 = tpu.memref_slice %arg9[%dma_start3A, %dma_start3A_69] : memref<40x128xi32, #tpu.memory_space<vmem>> -> memref<1x128xi32, #tpu.memory_space<vmem>>
    %dma_start3A_71 = tpu.memref_squeeze %dma_start3A_70 : memref<1x128xi32, #tpu.memory_space<vmem>> -> memref<128xi32, #tpu.memory_space<vmem>>
    %dma_start3A_72 = arith.constant 0 : i32
    %dma_start3A_73 = arith.constant 0 : i32
    %dma_start3A_74 = tpu.memref_slice %arg2[%dma_start3A_72, %dma_start3A_73] : memref<10000x128xf32, #tpu.memory_space<hbm>> -> memref<10000x128xf32, #tpu.memory_space<hbm>>
    tpu.enqueue_indirect_dma source(%dma_start3A_74 : memref<10000x128xf32, #tpu.memory_space<hbm>>) target(%arg11 : memref<128x128xf32, #tpu.memory_space<vmem>>) offsets(%dma_start3A_71 : memref<128xi32, #tpu.memory_space<vmem>>) semaphore(%arg16 : memref<!tpu.dma_semaphore, #tpu.memory_space<semaphore_mem>>)
    %dma_start3A_75 = arith.constant 0 : i32
    %dma_start3A_76 = arith.constant 0 : i32
    %dma_start3A_77 = tpu.memref_slice %arg10[%dma_start3A_75, %dma_start3A_76] : memref<40x128xi32, #tpu.memory_space<vmem>> -> memref<1x128xi32, #tpu.memory_space<vmem>>
    %dma_start3A_78 = tpu.memref_squeeze %dma_start3A_77 : memref<1x128xi32, #tpu.memory_space<vmem>> -> memref<128xi32, #tpu.memory_space<vmem>>
    %dma_start3A_79 = arith.constant 0 : i32
    %dma_start3A_80 = tpu.memref_slice %arg15[%dma_start3A_79] : memref<10112xf32, #tpu.memory_space<vmem_shared>> -> memref<10112xf32, #tpu.memory_space<vmem_shared>>
    tpu.enqueue_indirect_dma source(%arg13 : memref<128xf32, #tpu.memory_space<vmem>>) target(%dma_start3A_80 : memref<10112xf32, #tpu.memory_space<vmem_shared>>) offsets(%dma_start3A_78 : memref<128xi32, #tpu.memory_space<vmem>>) semaphore(%arg20 : memref<!tpu.dma_semaphore, #tpu.memory_space<semaphore_mem>>) {add = true}
    %scan3A = arith.constant 0 : i32
    %scan3A_81 = arith.constant 0 : i32
    %scan3A_82 = arith.constant 20 : i32
    %scan3A_83 = arith.addi %scan3A_81, %scan3A_82 : i32
    %scan3A_84 = arith.constant 1 : i32
    scf.for %scan3A_144 = %scan3A_81 to %scan3A_83 step %scan3A_84  : i32 {
      %mul3A_145 = arith.constant 2 : i32
      %mul3A_146 = arith.muli %mul3A_145, %scan3A_144 : i32
      %gt3A = arith.constant 0 : i32
      %gt3A_147 = arith.cmpi sgt, %scan3A_144, %gt3A : i32
      %convert_element_type3A_148 = arith.extui %gt3A_147 : i1 to i32
      %cond3A_149 = arith.constant 0 : i32
      %cond3A_150 = arith.cmpi ne, %convert_element_type3A_148, %cond3A_149 : i32
      scf.if %cond3A_150 {
        %dma_wait3A_215 = arith.constant 0 : i32
        %dma_wait3A_216 = arith.constant 0 : i32
        %dma_wait3A_217 = tpu.memref_slice %arg10[%dma_wait3A_215, %dma_wait3A_216] : memref<40x128xi32, #tpu.memory_space<vmem>> -> memref<1x128xi32, #tpu.memory_space<vmem>>
        %dma_wait3A_218 = tpu.memref_squeeze %dma_wait3A_217 : memref<1x128xi32, #tpu.memory_space<vmem>> -> memref<128xi32, #tpu.memory_space<vmem>>
        %dma_wait3A_219 = arith.constant 0 : i32
        %dma_wait3A_220 = arith.constant 0 : i32
        %dma_wait3A_221 = tpu.memref_slice %arg14[%dma_wait3A_219, %dma_wait3A_220] : memref<10112x128xf32, #tpu.memory_space<vmem_shared>> -> memref<10112x128xf32, #tpu.memory_space<vmem_shared>>
        tpu.wait_indirect_dma semaphore(%arg19 : memref<!tpu.dma_semaphore, #tpu.memory_space<semaphore_mem>>) src(%arg12 : memref<128x128xf32, #tpu.memory_space<vmem>>) dst(%dma_wait3A_221 : memref<10112x128xf32, #tpu.memory_space<vmem_shared>>)
      } else {
      }
      %add3A_151 = arith.constant 1 : i32
      %add3A_152 = arith.addi %mul3A_146, %add3A_151 : i32
      %dma_start3A_153 = arith.constant 0 : i32
      %dma_start3A_154 = tpu.memref_slice %arg9[%add3A_152, %dma_start3A_153] : memref<40x128xi32, #tpu.memory_space<vmem>> -> memref<1x128xi32, #tpu.memory_space<vmem>>
      %dma_start3A_155 = tpu.memref_squeeze %dma_start3A_154 : memref<1x128xi32, #tpu.memory_space<vmem>> -> memref<128xi32, #tpu.memory_space<vmem>>
      %dma_start3A_156 = arith.constant 0 : i32
      %dma_start3A_157 = arith.constant 0 : i32
      %dma_start3A_158 = tpu.memref_slice %arg2[%dma_start3A_156, %dma_start3A_157] : memref<10000x128xf32, #tpu.memory_space<hbm>> -> memref<10000x128xf32, #tpu.memory_space<hbm>>
      tpu.enqueue_indirect_dma source(%dma_start3A_158 : memref<10000x128xf32, #tpu.memory_space<hbm>>) target(%arg12 : memref<128x128xf32, #tpu.memory_space<vmem>>) offsets(%dma_start3A_155 : memref<128xi32, #tpu.memory_space<vmem>>) semaphore(%arg17 : memref<!tpu.dma_semaphore, #tpu.memory_space<semaphore_mem>>)
      %dma_start3A_159 = arith.constant 0 : i32
      %dma_start3A_160 = tpu.memref_slice %arg10[%add3A_152, %dma_start3A_159] : memref<40x128xi32, #tpu.memory_space<vmem>> -> memref<1x128xi32, #tpu.memory_space<vmem>>
      %dma_start3A_161 = tpu.memref_squeeze %dma_start3A_160 : memref<1x128xi32, #tpu.memory_space<vmem>> -> memref<128xi32, #tpu.memory_space<vmem>>
      %dma_start3A_162 = arith.constant 0 : i32
      %dma_start3A_163 = tpu.memref_slice %arg15[%dma_start3A_162] : memref<10112xf32, #tpu.memory_space<vmem_shared>> -> memref<10112xf32, #tpu.memory_space<vmem_shared>>
      tpu.enqueue_indirect_dma source(%arg13 : memref<128xf32, #tpu.memory_space<vmem>>) target(%dma_start3A_163 : memref<10112xf32, #tpu.memory_space<vmem_shared>>) offsets(%dma_start3A_161 : memref<128xi32, #tpu.memory_space<vmem>>) semaphore(%arg20 : memref<!tpu.dma_semaphore, #tpu.memory_space<semaphore_mem>>) {add = true}
      %dma_wait3A_164 = arith.constant 0 : i32
      %dma_wait3A_165 = arith.constant 0 : i32
      %dma_wait3A_166 = tpu.memref_slice %arg9[%dma_wait3A_164, %dma_wait3A_165] : memref<40x128xi32, #tpu.memory_space<vmem>> -> memref<1x128xi32, #tpu.memory_space<vmem>>
      %dma_wait3A_167 = tpu.memref_squeeze %dma_wait3A_166 : memref<1x128xi32, #tpu.memory_space<vmem>> -> memref<128xi32, #tpu.memory_space<vmem>>
      %dma_wait3A_168 = arith.constant 0 : i32
      %dma_wait3A_169 = arith.constant 0 : i32
      %dma_wait3A_170 = tpu.memref_slice %arg2[%dma_wait3A_168, %dma_wait3A_169] : memref<10000x128xf32, #tpu.memory_space<hbm>> -> memref<10000x128xf32, #tpu.memory_space<hbm>>
      tpu.wait_indirect_dma semaphore(%arg16 : memref<!tpu.dma_semaphore, #tpu.memory_space<semaphore_mem>>) src(%dma_wait3A_170 : memref<10000x128xf32, #tpu.memory_space<hbm>>) dst(%arg11 : memref<128x128xf32, #tpu.memory_space<vmem>>)
      %dma_wait3A_171 = arith.constant 0 : i32
      %dma_wait3A_172 = arith.constant 0 : i32
      %dma_wait3A_173 = tpu.memref_slice %arg10[%dma_wait3A_171, %dma_wait3A_172] : memref<40x128xi32, #tpu.memory_space<vmem>> -> memref<1x128xi32, #tpu.memory_space<vmem>>
      %dma_wait3A_174 = tpu.memref_squeeze %dma_wait3A_173 : memref<1x128xi32, #tpu.memory_space<vmem>> -> memref<128xi32, #tpu.memory_space<vmem>>
      %dma_wait3A_175 = arith.constant 0 : i32
      %dma_wait3A_176 = tpu.memref_slice %arg15[%dma_wait3A_175] : memref<10112xf32, #tpu.memory_space<vmem_shared>> -> memref<10112xf32, #tpu.memory_space<vmem_shared>>
      tpu.wait_indirect_dma semaphore(%arg20 : memref<!tpu.dma_semaphore, #tpu.memory_space<semaphore_mem>>) src(%arg13 : memref<128xf32, #tpu.memory_space<vmem>>) dst(%dma_wait3A_176 : memref<10112xf32, #tpu.memory_space<vmem_shared>>)
      %dma_start3A_177 = arith.constant 0 : i32
      %dma_start3A_178 = tpu.memref_slice %arg10[%mul3A_146, %dma_start3A_177] : memref<40x128xi32, #tpu.memory_space<vmem>> -> memref<1x128xi32, #tpu.memory_space<vmem>>
      %dma_start3A_179 = tpu.memref_squeeze %dma_start3A_178 : memref<1x128xi32, #tpu.memory_space<vmem>> -> memref<128xi32, #tpu.memory_space<vmem>>
      %dma_start3A_180 = arith.constant 0 : i32
      %dma_start3A_181 = arith.constant 0 : i32
      %dma_start3A_182 = tpu.memref_slice %arg14[%dma_start3A_180, %dma_start3A_181] : memref<10112x128xf32, #tpu.memory_space<vmem_shared>> -> memref<10112x128xf32, #tpu.memory_space<vmem_shared>>
      tpu.enqueue_indirect_dma source(%arg11 : memref<128x128xf32, #tpu.memory_space<vmem>>) target(%dma_start3A_182 : memref<10112x128xf32, #tpu.memory_space<vmem_shared>>) offsets(%dma_start3A_179 : memref<128xi32, #tpu.memory_space<vmem>>) semaphore(%arg18 : memref<!tpu.dma_semaphore, #tpu.memory_space<semaphore_mem>>) {add = true}
      %dma_wait3A_183 = arith.constant 0 : i32
      %dma_wait3A_184 = arith.constant 0 : i32
      %dma_wait3A_185 = tpu.memref_slice %arg9[%dma_wait3A_183, %dma_wait3A_184] : memref<40x128xi32, #tpu.memory_space<vmem>> -> memref<1x128xi32, #tpu.memory_space<vmem>>
      %dma_wait3A_186 = tpu.memref_squeeze %dma_wait3A_185 : memref<1x128xi32, #tpu.memory_space<vmem>> -> memref<128xi32, #tpu.memory_space<vmem>>
      %dma_wait3A_187 = arith.constant 0 : i32
      %dma_wait3A_188 = arith.constant 0 : i32
      %dma_wait3A_189 = tpu.memref_slice %arg2[%dma_wait3A_187, %dma_wait3A_188] : memref<10000x128xf32, #tpu.memory_space<hbm>> -> memref<10000x128xf32, #tpu.memory_space<hbm>>
      tpu.wait_indirect_dma semaphore(%arg17 : memref<!tpu.dma_semaphore, #tpu.memory_space<semaphore_mem>>) src(%dma_wait3A_189 : memref<10000x128xf32, #tpu.memory_space<hbm>>) dst(%arg12 : memref<128x128xf32, #tpu.memory_space<vmem>>)
      %dma_wait3A_190 = arith.constant 0 : i32
      %dma_wait3A_191 = arith.constant 0 : i32
      %dma_wait3A_192 = tpu.memref_slice %arg10[%dma_wait3A_190, %dma_wait3A_191] : memref<40x128xi32, #tpu.memory_space<vmem>> -> memref<1x128xi32, #tpu.memory_space<vmem>>
      %dma_wait3A_193 = tpu.memref_squeeze %dma_wait3A_192 : memref<1x128xi32, #tpu.memory_space<vmem>> -> memref<128xi32, #tpu.memory_space<vmem>>
      %dma_wait3A_194 = arith.constant 0 : i32
      %dma_wait3A_195 = tpu.memref_slice %arg15[%dma_wait3A_194] : memref<10112xf32, #tpu.memory_space<vmem_shared>> -> memref<10112xf32, #tpu.memory_space<vmem_shared>>
      tpu.wait_indirect_dma semaphore(%arg20 : memref<!tpu.dma_semaphore, #tpu.memory_space<semaphore_mem>>) src(%arg13 : memref<128xf32, #tpu.memory_space<vmem>>) dst(%dma_wait3A_195 : memref<10112xf32, #tpu.memory_space<vmem_shared>>)
      %add3A_196 = arith.constant 1 : i32
      %add3A_197 = arith.addi %mul3A_146, %add3A_196 : i32
      %dma_start3A_198 = arith.constant 0 : i32
      %dma_start3A_199 = tpu.memref_slice %arg10[%add3A_197, %dma_start3A_198] : memref<40x128xi32, #tpu.memory_space<vmem>> -> memref<1x128xi32, #tpu.memory_space<vmem>>
      %dma_start3A_200 = tpu.memref_squeeze %dma_start3A_199 : memref<1x128xi32, #tpu.memory_space<vmem>> -> memref<128xi32, #tpu.memory_space<vmem>>
      %dma_start3A_201 = arith.constant 0 : i32
      %dma_start3A_202 = arith.constant 0 : i32
      %dma_start3A_203 = tpu.memref_slice %arg14[%dma_start3A_201, %dma_start3A_202] : memref<10112x128xf32, #tpu.memory_space<vmem_shared>> -> memref<10112x128xf32, #tpu.memory_space<vmem_shared>>
      tpu.enqueue_indirect_dma source(%arg12 : memref<128x128xf32, #tpu.memory_space<vmem>>) target(%dma_start3A_203 : memref<10112x128xf32, #tpu.memory_space<vmem_shared>>) offsets(%dma_start3A_200 : memref<128xi32, #tpu.memory_space<vmem>>) semaphore(%arg19 : memref<!tpu.dma_semaphore, #tpu.memory_space<semaphore_mem>>) {add = true}
      %dma_wait3A_204 = arith.constant 0 : i32
      %dma_wait3A_205 = arith.constant 0 : i32
      %dma_wait3A_206 = tpu.memref_slice %arg10[%dma_wait3A_204, %dma_wait3A_205] : memref<40x128xi32, #tpu.memory_space<vmem>> -> memref<1x128xi32, #tpu.memory_space<vmem>>
      %dma_wait3A_207 = tpu.memref_squeeze %dma_wait3A_206 : memref<1x128xi32, #tpu.memory_space<vmem>> -> memref<128xi32, #tpu.memory_space<vmem>>
      %dma_wait3A_208 = arith.constant 0 : i32
      %dma_wait3A_209 = arith.constant 0 : i32
      %dma_wait3A_210 = tpu.memref_slice %arg14[%dma_wait3A_208, %dma_wait3A_209] : memref<10112x128xf32, #tpu.memory_space<vmem_shared>> -> memref<10112x128xf32, #tpu.memory_space<vmem_shared>>
      tpu.wait_indirect_dma semaphore(%arg18 : memref<!tpu.dma_semaphore, #tpu.memory_space<semaphore_mem>>) src(%arg11 : memref<128x128xf32, #tpu.memory_space<vmem>>) dst(%dma_wait3A_210 : memref<10112x128xf32, #tpu.memory_space<vmem_shared>>)
      %lt3A = arith.constant 19 : i32
      %lt3A_211 = arith.cmpi slt, %scan3A_144, %lt3A : i32
      %convert_element_type3A_212 = arith.extui %lt3A_211 : i1 to i32
      %cond3A_213 = arith.constant 0 : i32
      %cond3A_214 = arith.cmpi ne, %convert_element_type3A_212, %cond3A_213 : i32
      scf.if %cond3A_214 {
        %add3A_215 = arith.constant 2 : i32
        %add3A_216 = arith.addi %mul3A_146, %add3A_215 : i32
        %dma_start3A_217 = arith.constant 0 : i32
        %dma_start3A_218 = tpu.memref_slice %arg9[%add3A_216, %dma_start3A_217] : memref<40x128xi32, #tpu.memory_space<vmem>> -> memref<1x128xi32, #tpu.memory_space<vmem>>
        %dma_start3A_219 = tpu.memref_squeeze %dma_start3A_218 : memref<1x128xi32, #tpu.memory_space<vmem>> -> memref<128xi32, #tpu.memory_space<vmem>>
        %dma_start3A_220 = arith.constant 0 : i32
        %dma_start3A_221 = arith.constant 0 : i32
        %dma_start3A_222 = tpu.memref_slice %arg2[%dma_start3A_220, %dma_start3A_221] : memref<10000x128xf32, #tpu.memory_space<hbm>> -> memref<10000x128xf32, #tpu.memory_space<hbm>>
        tpu.enqueue_indirect_dma source(%dma_start3A_222 : memref<10000x128xf32, #tpu.memory_space<hbm>>) target(%arg11 : memref<128x128xf32, #tpu.memory_space<vmem>>) offsets(%dma_start3A_219 : memref<128xi32, #tpu.memory_space<vmem>>) semaphore(%arg16 : memref<!tpu.dma_semaphore, #tpu.memory_space<semaphore_mem>>)
        %dma_start3A_223 = arith.constant 0 : i32
        %dma_start3A_224 = tpu.memref_slice %arg10[%add3A_216, %dma_start3A_223] : memref<40x128xi32, #tpu.memory_space<vmem>> -> memref<1x128xi32, #tpu.memory_space<vmem>>
        %dma_start3A_225 = tpu.memref_squeeze %dma_start3A_224 : memref<1x128xi32, #tpu.memory_space<vmem>> -> memref<128xi32, #tpu.memory_space<vmem>>
        %dma_start3A_226 = arith.constant 0 : i32
        %dma_start3A_227 = tpu.memref_slice %arg15[%dma_start3A_226] : memref<10112xf32, #tpu.memory_space<vmem_shared>> -> memref<10112xf32, #tpu.memory_space<vmem_shared>>
        tpu.enqueue_indirect_dma source(%arg13 : memref<128xf32, #tpu.memory_space<vmem>>) target(%dma_start3A_227 : memref<10112xf32, #tpu.memory_space<vmem_shared>>) offsets(%dma_start3A_225 : memref<128xi32, #tpu.memory_space<vmem>>) semaphore(%arg20 : memref<!tpu.dma_semaphore, #tpu.memory_space<semaphore_mem>>) {add = true}
      } else {
      }
    }
    %scan3A_85 = arith.constant 20 : i32
    %dma_wait3A = arith.constant 0 : i32
    %dma_wait3A_86 = arith.constant 0 : i32
    %dma_wait3A_87 = tpu.memref_slice %arg10[%dma_wait3A, %dma_wait3A_86] : memref<40x128xi32, #tpu.memory_space<vmem>> -> memref<1x128xi32, #tpu.memory_space<vmem>>
    %dma_wait3A_88 = tpu.memref_squeeze %dma_wait3A_87 : memref<1x128xi32, #tpu.memory_space<vmem>> -> memref<128xi32, #tpu.memory_space<vmem>>
    %dma_wait3A_89 = arith.constant 0 : i32
    %dma_wait3A_90 = arith.constant 0 : i32
    %dma_wait3A_91 = tpu.memref_slice %arg14[%dma_wait3A_89, %dma_wait3A_90] : memref<10112x128xf32, #tpu.memory_space<vmem_shared>> -> memref<10112x128xf32, #tpu.memory_space<vmem_shared>>
    tpu.wait_indirect_dma semaphore(%arg19 : memref<!tpu.dma_semaphore, #tpu.memory_space<semaphore_mem>>) src(%arg12 : memref<128x128xf32, #tpu.memory_space<vmem>>) dst(%dma_wait3A_91 : memref<10112x128xf32, #tpu.memory_space<vmem_shared>>)
    "tpu.region"() ({
      %run_scoped3A = tpu.sem_alloc : memref<!tpu.dma_semaphore, #tpu.memory_space<semaphore_mem>>
      %dma_start3A_144 = arith.constant 40 : i32
      %dma_start3A_145 = arith.constant 0 : i32
      %dma_start3A_146 = tpu.memref_slice %arg5[%add3A, %dma_start3A_144, %dma_start3A_145] : memref<32x80x128xi32, #tpu.memory_space<hbm>> -> memref<1x40x128xi32, #tpu.memory_space<hbm>>
      %dma_start3A_147 = tpu.memref_squeeze %dma_start3A_146 : memref<1x40x128xi32, #tpu.memory_space<hbm>> -> memref<40x128xi32, #tpu.memory_space<hbm>>
      %dma_start3A_148 = arith.constant 40 : i32
      %dma_start3A_149 = arith.constant 0 : i32
      %dma_start3A_150 = tpu.memref_slice %arg5[%add3A, %dma_start3A_148, %dma_start3A_149] : memref<32x80x128xi32, #tpu.memory_space<hbm>> -> memref<1x40x128xi32, #tpu.memory_space<hbm>>
      %dma_start3A_151 = tpu.memref_squeeze %dma_start3A_150 : memref<1x40x128xi32, #tpu.memory_space<hbm>> -> memref<40x128xi32, #tpu.memory_space<hbm>>
      tpu.enqueue_dma source(%dma_start3A_151 : memref<40x128xi32, #tpu.memory_space<hbm>>) target(%arg9 : memref<40x128xi32, #tpu.memory_space<vmem>>) target_semaphore(%run_scoped3A : memref<!tpu.dma_semaphore, #tpu.memory_space<semaphore_mem>>)
      %dma_wait3A_152 = arith.constant 40 : i32
      %dma_wait3A_153 = arith.constant 0 : i32
      %dma_wait3A_154 = tpu.memref_slice %arg5[%add3A, %dma_wait3A_152, %dma_wait3A_153] : memref<32x80x128xi32, #tpu.memory_space<hbm>> -> memref<1x40x128xi32, #tpu.memory_space<hbm>>
      %dma_wait3A_155 = tpu.memref_squeeze %dma_wait3A_154 : memref<1x40x128xi32, #tpu.memory_space<hbm>> -> memref<40x128xi32, #tpu.memory_space<hbm>>
      %dma_wait3A_156 = arith.constant 40 : i32
      %dma_wait3A_157 = arith.constant 0 : i32
      %dma_wait3A_158 = tpu.memref_slice %arg5[%add3A, %dma_wait3A_156, %dma_wait3A_157] : memref<32x80x128xi32, #tpu.memory_space<hbm>> -> memref<1x40x128xi32, #tpu.memory_space<hbm>>
      %dma_wait3A_159 = tpu.memref_squeeze %dma_wait3A_158 : memref<1x40x128xi32, #tpu.memory_space<hbm>> -> memref<40x128xi32, #tpu.memory_space<hbm>>
      tpu.wait_dma2 semaphore(%run_scoped3A : memref<!tpu.dma_semaphore, #tpu.memory_space<semaphore_mem>>) src(%dma_wait3A_159 : memref<40x128xi32, #tpu.memory_space<hbm>>) dst(%arg9 : memref<40x128xi32, #tpu.memory_space<vmem>>)
      tpu.yield
    }) : () -> ()
    "tpu.region"() ({
      %run_scoped3A = tpu.sem_alloc : memref<!tpu.dma_semaphore, #tpu.memory_space<semaphore_mem>>
      %dma_start3A_144 = arith.constant 40 : i32
      %dma_start3A_145 = arith.constant 0 : i32
      %dma_start3A_146 = tpu.memref_slice %arg6[%add3A, %dma_start3A_144, %dma_start3A_145] : memref<32x80x128xi32, #tpu.memory_space<hbm>> -> memref<1x40x128xi32, #tpu.memory_space<hbm>>
      %dma_start3A_147 = tpu.memref_squeeze %dma_start3A_146 : memref<1x40x128xi32, #tpu.memory_space<hbm>> -> memref<40x128xi32, #tpu.memory_space<hbm>>
      %dma_start3A_148 = arith.constant 40 : i32
      %dma_start3A_149 = arith.constant 0 : i32
      %dma_start3A_150 = tpu.memref_slice %arg6[%add3A, %dma_start3A_148, %dma_start3A_149] : memref<32x80x128xi32, #tpu.memory_space<hbm>> -> memref<1x40x128xi32, #tpu.memory_space<hbm>>
      %dma_start3A_151 = tpu.memref_squeeze %dma_start3A_150 : memref<1x40x128xi32, #tpu.memory_space<hbm>> -> memref<40x128xi32, #tpu.memory_space<hbm>>
      tpu.enqueue_dma source(%dma_start3A_151 : memref<40x128xi32, #tpu.memory_space<hbm>>) target(%arg10 : memref<40x128xi32, #tpu.memory_space<vmem>>) target_semaphore(%run_scoped3A : memref<!tpu.dma_semaphore, #tpu.memory_space<semaphore_mem>>)
      %dma_wait3A_152 = arith.constant 40 : i32
      %dma_wait3A_153 = arith.constant 0 : i32
      %dma_wait3A_154 = tpu.memref_slice %arg6[%add3A, %dma_wait3A_152, %dma_wait3A_153] : memref<32x80x128xi32, #tpu.memory_space<hbm>> -> memref<1x40x128xi32, #tpu.memory_space<hbm>>
      %dma_wait3A_155 = tpu.memref_squeeze %dma_wait3A_154 : memref<1x40x128xi32, #tpu.memory_space<hbm>> -> memref<40x128xi32, #tpu.memory_space<hbm>>
      %dma_wait3A_156 = arith.constant 40 : i32
      %dma_wait3A_157 = arith.constant 0 : i32
      %dma_wait3A_158 = tpu.memref_slice %arg6[%add3A, %dma_wait3A_156, %dma_wait3A_157] : memref<32x80x128xi32, #tpu.memory_space<hbm>> -> memref<1x40x128xi32, #tpu.memory_space<hbm>>
      %dma_wait3A_159 = tpu.memref_squeeze %dma_wait3A_158 : memref<1x40x128xi32, #tpu.memory_space<hbm>> -> memref<40x128xi32, #tpu.memory_space<hbm>>
      tpu.wait_dma2 semaphore(%run_scoped3A : memref<!tpu.dma_semaphore, #tpu.memory_space<semaphore_mem>>) src(%dma_wait3A_159 : memref<40x128xi32, #tpu.memory_space<hbm>>) dst(%arg10 : memref<40x128xi32, #tpu.memory_space<vmem>>)
      tpu.yield
    }) : () -> ()
    %dma_start3A_92 = arith.constant 0 : i32
    %dma_start3A_93 = arith.constant 0 : i32
    %dma_start3A_94 = tpu.memref_slice %arg9[%dma_start3A_92, %dma_start3A_93] : memref<40x128xi32, #tpu.memory_space<vmem>> -> memref<1x128xi32, #tpu.memory_space<vmem>>
    %dma_start3A_95 = tpu.memref_squeeze %dma_start3A_94 : memref<1x128xi32, #tpu.memory_space<vmem>> -> memref<128xi32, #tpu.memory_space<vmem>>
    %dma_start3A_96 = arith.constant 0 : i32
    %dma_start3A_97 = arith.constant 0 : i32
    %dma_start3A_98 = tpu.memref_slice %arg2[%dma_start3A_96, %dma_start3A_97] : memref<10000x128xf32, #tpu.memory_space<hbm>> -> memref<10000x128xf32, #tpu.memory_space<hbm>>
    tpu.enqueue_indirect_dma source(%dma_start3A_98 : memref<10000x128xf32, #tpu.memory_space<hbm>>) target(%arg11 : memref<128x128xf32, #tpu.memory_space<vmem>>) offsets(%dma_start3A_95 : memref<128xi32, #tpu.memory_space<vmem>>) semaphore(%arg16 : memref<!tpu.dma_semaphore, #tpu.memory_space<semaphore_mem>>)
    %dma_start3A_99 = arith.constant 0 : i32
    %dma_start3A_100 = arith.constant 0 : i32
    %dma_start3A_101 = tpu.memref_slice %arg10[%dma_start3A_99, %dma_start3A_100] : memref<40x128xi32, #tpu.memory_space<vmem>> -> memref<1x128xi32, #tpu.memory_space<vmem>>
    %dma_start3A_102 = tpu.memref_squeeze %dma_start3A_101 : memref<1x128xi32, #tpu.memory_space<vmem>> -> memref<128xi32, #tpu.memory_space<vmem>>
    %dma_start3A_103 = arith.constant 0 : i32
    %dma_start3A_104 = tpu.memref_slice %arg15[%dma_start3A_103] : memref<10112xf32, #tpu.memory_space<vmem_shared>> -> memref<10112xf32, #tpu.memory_space<vmem_shared>>
    tpu.enqueue_indirect_dma source(%arg13 : memref<128xf32, #tpu.memory_space<vmem>>) target(%dma_start3A_104 : memref<10112xf32, #tpu.memory_space<vmem_shared>>) offsets(%dma_start3A_102 : memref<128xi32, #tpu.memory_space<vmem>>) semaphore(%arg20 : memref<!tpu.dma_semaphore, #tpu.memory_space<semaphore_mem>>) {add = true}
    %scan3A_105 = arith.constant 0 : i32
    %scan3A_106 = arith.constant 0 : i32
    %scan3A_107 = arith.constant 20 : i32
    %scan3A_108 = arith.addi %scan3A_106, %scan3A_107 : i32
    %scan3A_109 = arith.constant 1 : i32
    scf.for %scan3A_144 = %scan3A_106 to %scan3A_108 step %scan3A_109  : i32 {
      %mul3A_145 = arith.constant 2 : i32
      %mul3A_146 = arith.muli %mul3A_145, %scan3A_144 : i32
      %gt3A = arith.constant 0 : i32
      %gt3A_147 = arith.cmpi sgt, %scan3A_144, %gt3A : i32
      %convert_element_type3A_148 = arith.extui %gt3A_147 : i1 to i32
      %cond3A_149 = arith.constant 0 : i32
      %cond3A_150 = arith.cmpi ne, %convert_element_type3A_148, %cond3A_149 : i32
      scf.if %cond3A_150 {
        %dma_wait3A_215 = arith.constant 0 : i32
        %dma_wait3A_216 = arith.constant 0 : i32
        %dma_wait3A_217 = tpu.memref_slice %arg10[%dma_wait3A_215, %dma_wait3A_216] : memref<40x128xi32, #tpu.memory_space<vmem>> -> memref<1x128xi32, #tpu.memory_space<vmem>>
        %dma_wait3A_218 = tpu.memref_squeeze %dma_wait3A_217 : memref<1x128xi32, #tpu.memory_space<vmem>> -> memref<128xi32, #tpu.memory_space<vmem>>
        %dma_wait3A_219 = arith.constant 0 : i32
        %dma_wait3A_220 = arith.constant 0 : i32
        %dma_wait3A_221 = tpu.memref_slice %arg14[%dma_wait3A_219, %dma_wait3A_220] : memref<10112x128xf32, #tpu.memory_space<vmem_shared>> -> memref<10112x128xf32, #tpu.memory_space<vmem_shared>>
        tpu.wait_indirect_dma semaphore(%arg19 : memref<!tpu.dma_semaphore, #tpu.memory_space<semaphore_mem>>) src(%arg12 : memref<128x128xf32, #tpu.memory_space<vmem>>) dst(%dma_wait3A_221 : memref<10112x128xf32, #tpu.memory_space<vmem_shared>>)
      } else {
      }
      %add3A_151 = arith.constant 1 : i32
      %add3A_152 = arith.addi %mul3A_146, %add3A_151 : i32
      %dma_start3A_153 = arith.constant 0 : i32
      %dma_start3A_154 = tpu.memref_slice %arg9[%add3A_152, %dma_start3A_153] : memref<40x128xi32, #tpu.memory_space<vmem>> -> memref<1x128xi32, #tpu.memory_space<vmem>>
      %dma_start3A_155 = tpu.memref_squeeze %dma_start3A_154 : memref<1x128xi32, #tpu.memory_space<vmem>> -> memref<128xi32, #tpu.memory_space<vmem>>
      %dma_start3A_156 = arith.constant 0 : i32
      %dma_start3A_157 = arith.constant 0 : i32
      %dma_start3A_158 = tpu.memref_slice %arg2[%dma_start3A_156, %dma_start3A_157] : memref<10000x128xf32, #tpu.memory_space<hbm>> -> memref<10000x128xf32, #tpu.memory_space<hbm>>
      tpu.enqueue_indirect_dma source(%dma_start3A_158 : memref<10000x128xf32, #tpu.memory_space<hbm>>) target(%arg12 : memref<128x128xf32, #tpu.memory_space<vmem>>) offsets(%dma_start3A_155 : memref<128xi32, #tpu.memory_space<vmem>>) semaphore(%arg17 : memref<!tpu.dma_semaphore, #tpu.memory_space<semaphore_mem>>)
      %dma_start3A_159 = arith.constant 0 : i32
      %dma_start3A_160 = tpu.memref_slice %arg10[%add3A_152, %dma_start3A_159] : memref<40x128xi32, #tpu.memory_space<vmem>> -> memref<1x128xi32, #tpu.memory_space<vmem>>
      %dma_start3A_161 = tpu.memref_squeeze %dma_start3A_160 : memref<1x128xi32, #tpu.memory_space<vmem>> -> memref<128xi32, #tpu.memory_space<vmem>>
      %dma_start3A_162 = arith.constant 0 : i32
      %dma_start3A_163 = tpu.memref_slice %arg15[%dma_start3A_162] : memref<10112xf32, #tpu.memory_space<vmem_shared>> -> memref<10112xf32, #tpu.memory_space<vmem_shared>>
      tpu.enqueue_indirect_dma source(%arg13 : memref<128xf32, #tpu.memory_space<vmem>>) target(%dma_start3A_163 : memref<10112xf32, #tpu.memory_space<vmem_shared>>) offsets(%dma_start3A_161 : memref<128xi32, #tpu.memory_space<vmem>>) semaphore(%arg20 : memref<!tpu.dma_semaphore, #tpu.memory_space<semaphore_mem>>) {add = true}
      %dma_wait3A_164 = arith.constant 0 : i32
      %dma_wait3A_165 = arith.constant 0 : i32
      %dma_wait3A_166 = tpu.memref_slice %arg9[%dma_wait3A_164, %dma_wait3A_165] : memref<40x128xi32, #tpu.memory_space<vmem>> -> memref<1x128xi32, #tpu.memory_space<vmem>>
      %dma_wait3A_167 = tpu.memref_squeeze %dma_wait3A_166 : memref<1x128xi32, #tpu.memory_space<vmem>> -> memref<128xi32, #tpu.memory_space<vmem>>
      %dma_wait3A_168 = arith.constant 0 : i32
      %dma_wait3A_169 = arith.constant 0 : i32
      %dma_wait3A_170 = tpu.memref_slice %arg2[%dma_wait3A_168, %dma_wait3A_169] : memref<10000x128xf32, #tpu.memory_space<hbm>> -> memref<10000x128xf32, #tpu.memory_space<hbm>>
      tpu.wait_indirect_dma semaphore(%arg16 : memref<!tpu.dma_semaphore, #tpu.memory_space<semaphore_mem>>) src(%dma_wait3A_170 : memref<10000x128xf32, #tpu.memory_space<hbm>>) dst(%arg11 : memref<128x128xf32, #tpu.memory_space<vmem>>)
      %dma_wait3A_171 = arith.constant 0 : i32
      %dma_wait3A_172 = arith.constant 0 : i32
      %dma_wait3A_173 = tpu.memref_slice %arg10[%dma_wait3A_171, %dma_wait3A_172] : memref<40x128xi32, #tpu.memory_space<vmem>> -> memref<1x128xi32, #tpu.memory_space<vmem>>
      %dma_wait3A_174 = tpu.memref_squeeze %dma_wait3A_173 : memref<1x128xi32, #tpu.memory_space<vmem>> -> memref<128xi32, #tpu.memory_space<vmem>>
      %dma_wait3A_175 = arith.constant 0 : i32
      %dma_wait3A_176 = tpu.memref_slice %arg15[%dma_wait3A_175] : memref<10112xf32, #tpu.memory_space<vmem_shared>> -> memref<10112xf32, #tpu.memory_space<vmem_shared>>
      tpu.wait_indirect_dma semaphore(%arg20 : memref<!tpu.dma_semaphore, #tpu.memory_space<semaphore_mem>>) src(%arg13 : memref<128xf32, #tpu.memory_space<vmem>>) dst(%dma_wait3A_176 : memref<10112xf32, #tpu.memory_space<vmem_shared>>)
      %dma_start3A_177 = arith.constant 0 : i32
      %dma_start3A_178 = tpu.memref_slice %arg10[%mul3A_146, %dma_start3A_177] : memref<40x128xi32, #tpu.memory_space<vmem>> -> memref<1x128xi32, #tpu.memory_space<vmem>>
      %dma_start3A_179 = tpu.memref_squeeze %dma_start3A_178 : memref<1x128xi32, #tpu.memory_space<vmem>> -> memref<128xi32, #tpu.memory_space<vmem>>
      %dma_start3A_180 = arith.constant 0 : i32
      %dma_start3A_181 = arith.constant 0 : i32
      %dma_start3A_182 = tpu.memref_slice %arg14[%dma_start3A_180, %dma_start3A_181] : memref<10112x128xf32, #tpu.memory_space<vmem_shared>> -> memref<10112x128xf32, #tpu.memory_space<vmem_shared>>
      tpu.enqueue_indirect_dma source(%arg11 : memref<128x128xf32, #tpu.memory_space<vmem>>) target(%dma_start3A_182 : memref<10112x128xf32, #tpu.memory_space<vmem_shared>>) offsets(%dma_start3A_179 : memref<128xi32, #tpu.memory_space<vmem>>) semaphore(%arg18 : memref<!tpu.dma_semaphore, #tpu.memory_space<semaphore_mem>>) {add = true}
      %dma_wait3A_183 = arith.constant 0 : i32
      %dma_wait3A_184 = arith.constant 0 : i32
      %dma_wait3A_185 = tpu.memref_slice %arg9[%dma_wait3A_183, %dma_wait3A_184] : memref<40x128xi32, #tpu.memory_space<vmem>> -> memref<1x128xi32, #tpu.memory_space<vmem>>
      %dma_wait3A_186 = tpu.memref_squeeze %dma_wait3A_185 : memref<1x128xi32, #tpu.memory_space<vmem>> -> memref<128xi32, #tpu.memory_space<vmem>>
      %dma_wait3A_187 = arith.constant 0 : i32
      %dma_wait3A_188 = arith.constant 0 : i32
      %dma_wait3A_189 = tpu.memref_slice %arg2[%dma_wait3A_187, %dma_wait3A_188] : memref<10000x128xf32, #tpu.memory_space<hbm>> -> memref<10000x128xf32, #tpu.memory_space<hbm>>
      tpu.wait_indirect_dma semaphore(%arg17 : memref<!tpu.dma_semaphore, #tpu.memory_space<semaphore_mem>>) src(%dma_wait3A_189 : memref<10000x128xf32, #tpu.memory_space<hbm>>) dst(%arg12 : memref<128x128xf32, #tpu.memory_space<vmem>>)
      %dma_wait3A_190 = arith.constant 0 : i32
      %dma_wait3A_191 = arith.constant 0 : i32
      %dma_wait3A_192 = tpu.memref_slice %arg10[%dma_wait3A_190, %dma_wait3A_191] : memref<40x128xi32, #tpu.memory_space<vmem>> -> memref<1x128xi32, #tpu.memory_space<vmem>>
      %dma_wait3A_193 = tpu.memref_squeeze %dma_wait3A_192 : memref<1x128xi32, #tpu.memory_space<vmem>> -> memref<128xi32, #tpu.memory_space<vmem>>
      %dma_wait3A_194 = arith.constant 0 : i32
      %dma_wait3A_195 = tpu.memref_slice %arg15[%dma_wait3A_194] : memref<10112xf32, #tpu.memory_space<vmem_shared>> -> memref<10112xf32, #tpu.memory_space<vmem_shared>>
      tpu.wait_indirect_dma semaphore(%arg20 : memref<!tpu.dma_semaphore, #tpu.memory_space<semaphore_mem>>) src(%arg13 : memref<128xf32, #tpu.memory_space<vmem>>) dst(%dma_wait3A_195 : memref<10112xf32, #tpu.memory_space<vmem_shared>>)
      %add3A_196 = arith.constant 1 : i32
      %add3A_197 = arith.addi %mul3A_146, %add3A_196 : i32
      %dma_start3A_198 = arith.constant 0 : i32
      %dma_start3A_199 = tpu.memref_slice %arg10[%add3A_197, %dma_start3A_198] : memref<40x128xi32, #tpu.memory_space<vmem>> -> memref<1x128xi32, #tpu.memory_space<vmem>>
      %dma_start3A_200 = tpu.memref_squeeze %dma_start3A_199 : memref<1x128xi32, #tpu.memory_space<vmem>> -> memref<128xi32, #tpu.memory_space<vmem>>
      %dma_start3A_201 = arith.constant 0 : i32
      %dma_start3A_202 = arith.constant 0 : i32
      %dma_start3A_203 = tpu.memref_slice %arg14[%dma_start3A_201, %dma_start3A_202] : memref<10112x128xf32, #tpu.memory_space<vmem_shared>> -> memref<10112x128xf32, #tpu.memory_space<vmem_shared>>
      tpu.enqueue_indirect_dma source(%arg12 : memref<128x128xf32, #tpu.memory_space<vmem>>) target(%dma_start3A_203 : memref<10112x128xf32, #tpu.memory_space<vmem_shared>>) offsets(%dma_start3A_200 : memref<128xi32, #tpu.memory_space<vmem>>) semaphore(%arg19 : memref<!tpu.dma_semaphore, #tpu.memory_space<semaphore_mem>>) {add = true}
      %dma_wait3A_204 = arith.constant 0 : i32
      %dma_wait3A_205 = arith.constant 0 : i32
      %dma_wait3A_206 = tpu.memref_slice %arg10[%dma_wait3A_204, %dma_wait3A_205] : memref<40x128xi32, #tpu.memory_space<vmem>> -> memref<1x128xi32, #tpu.memory_space<vmem>>
      %dma_wait3A_207 = tpu.memref_squeeze %dma_wait3A_206 : memref<1x128xi32, #tpu.memory_space<vmem>> -> memref<128xi32, #tpu.memory_space<vmem>>
      %dma_wait3A_208 = arith.constant 0 : i32
      %dma_wait3A_209 = arith.constant 0 : i32
      %dma_wait3A_210 = tpu.memref_slice %arg14[%dma_wait3A_208, %dma_wait3A_209] : memref<10112x128xf32, #tpu.memory_space<vmem_shared>> -> memref<10112x128xf32, #tpu.memory_space<vmem_shared>>
      tpu.wait_indirect_dma semaphore(%arg18 : memref<!tpu.dma_semaphore, #tpu.memory_space<semaphore_mem>>) src(%arg11 : memref<128x128xf32, #tpu.memory_space<vmem>>) dst(%dma_wait3A_210 : memref<10112x128xf32, #tpu.memory_space<vmem_shared>>)
      %lt3A = arith.constant 19 : i32
      %lt3A_211 = arith.cmpi slt, %scan3A_144, %lt3A : i32
      %convert_element_type3A_212 = arith.extui %lt3A_211 : i1 to i32
      %cond3A_213 = arith.constant 0 : i32
      %cond3A_214 = arith.cmpi ne, %convert_element_type3A_212, %cond3A_213 : i32
      scf.if %cond3A_214 {
        %add3A_215 = arith.constant 2 : i32
        %add3A_216 = arith.addi %mul3A_146, %add3A_215 : i32
        %dma_start3A_217 = arith.constant 0 : i32
        %dma_start3A_218 = tpu.memref_slice %arg9[%add3A_216, %dma_start3A_217] : memref<40x128xi32, #tpu.memory_space<vmem>> -> memref<1x128xi32, #tpu.memory_space<vmem>>
        %dma_start3A_219 = tpu.memref_squeeze %dma_start3A_218 : memref<1x128xi32, #tpu.memory_space<vmem>> -> memref<128xi32, #tpu.memory_space<vmem>>
        %dma_start3A_220 = arith.constant 0 : i32
        %dma_start3A_221 = arith.constant 0 : i32
        %dma_start3A_222 = tpu.memref_slice %arg2[%dma_start3A_220, %dma_start3A_221] : memref<10000x128xf32, #tpu.memory_space<hbm>> -> memref<10000x128xf32, #tpu.memory_space<hbm>>
        tpu.enqueue_indirect_dma source(%dma_start3A_222 : memref<10000x128xf32, #tpu.memory_space<hbm>>) target(%arg11 : memref<128x128xf32, #tpu.memory_space<vmem>>) offsets(%dma_start3A_219 : memref<128xi32, #tpu.memory_space<vmem>>) semaphore(%arg16 : memref<!tpu.dma_semaphore, #tpu.memory_space<semaphore_mem>>)
        %dma_start3A_223 = arith.constant 0 : i32
        %dma_start3A_224 = tpu.memref_slice %arg10[%add3A_216, %dma_start3A_223] : memref<40x128xi32, #tpu.memory_space<vmem>> -> memref<1x128xi32, #tpu.memory_space<vmem>>
        %dma_start3A_225 = tpu.memref_squeeze %dma_start3A_224 : memref<1x128xi32, #tpu.memory_space<vmem>> -> memref<128xi32, #tpu.memory_space<vmem>>
        %dma_start3A_226 = arith.constant 0 : i32
        %dma_start3A_227 = tpu.memref_slice %arg15[%dma_start3A_226] : memref<10112xf32, #tpu.memory_space<vmem_shared>> -> memref<10112xf32, #tpu.memory_space<vmem_shared>>
        tpu.enqueue_indirect_dma source(%arg13 : memref<128xf32, #tpu.memory_space<vmem>>) target(%dma_start3A_227 : memref<10112xf32, #tpu.memory_space<vmem_shared>>) offsets(%dma_start3A_225 : memref<128xi32, #tpu.memory_space<vmem>>) semaphore(%arg20 : memref<!tpu.dma_semaphore, #tpu.memory_space<semaphore_mem>>) {add = true}
      } else {
      }
    }
    %scan3A_110 = arith.constant 20 : i32
    %dma_wait3A_111 = arith.constant 0 : i32
    %dma_wait3A_112 = arith.constant 0 : i32
    %dma_wait3A_113 = tpu.memref_slice %arg10[%dma_wait3A_111, %dma_wait3A_112] : memref<40x128xi32, #tpu.memory_space<vmem>> -> memref<1x128xi32, #tpu.memory_space<vmem>>
    %dma_wait3A_114 = tpu.memref_squeeze %dma_wait3A_113 : memref<1x128xi32, #tpu.memory_space<vmem>> -> memref<128xi32, #tpu.memory_space<vmem>>
    %dma_wait3A_115 = arith.constant 0 : i32
    %dma_wait3A_116 = arith.constant 0 : i32
    %dma_wait3A_117 = tpu.memref_slice %arg14[%dma_wait3A_115, %dma_wait3A_116] : memref<10112x128xf32, #tpu.memory_space<vmem_shared>> -> memref<10112x128xf32, #tpu.memory_space<vmem_shared>>
    tpu.wait_indirect_dma semaphore(%arg19 : memref<!tpu.dma_semaphore, #tpu.memory_space<semaphore_mem>>) src(%arg12 : memref<128x128xf32, #tpu.memory_space<vmem>>) dst(%dma_wait3A_117 : memref<10112x128xf32, #tpu.memory_space<vmem_shared>>)
    %barrier3A_118 = arith.constant 0 : index
    tpu.barrier barrier_id(%barrier3A_118)
    %mul3A_119 = arith.constant 632 : i32
    %mul3A_120 = arith.muli %arg1, %mul3A_119 : i32
    %add3A_121 = arith.constant 0 : i32
    %add3A_122 = arith.addi %mul3A_120, %add3A_121 : i32
    "tpu.region"() ({
      %run_scoped3A = tpu.sem_alloc : memref<!tpu.dma_semaphore, #tpu.memory_space<semaphore_mem>>
      %dma_start3A_144 = arith.constant 0 : i32
      %dma_start3A_145 = arith.constant 0 : i32
      %dma_start3A_146 = tpu.memref_slice %arg11[%dma_start3A_144, %dma_start3A_145] : memref<128x128xf32, #tpu.memory_space<vmem>> -> memref<128x128xf32, #tpu.memory_space<vmem>>
      %dma_start3A_147 = arith.constant 0 : i32
      %dma_start3A_148 = tpu.memref_slice %arg14[%add3A_122, %dma_start3A_147] : memref<10112x128xf32, #tpu.memory_space<vmem_shared>> -> memref<128x128xf32, #tpu.memory_space<vmem_shared>>
      %dma_start3A_149 = arith.constant 0 : i32
      %dma_start3A_150 = arith.constant 0 : i32
      %dma_start3A_151 = tpu.memref_slice %arg11[%dma_start3A_149, %dma_start3A_150] : memref<128x128xf32, #tpu.memory_space<vmem>> -> memref<128x128xf32, #tpu.memory_space<vmem>>
      %dma_start3A_152 = arith.constant 0 : i32
      %dma_start3A_153 = tpu.memref_slice %arg14[%add3A_122, %dma_start3A_152] : memref<10112x128xf32, #tpu.memory_space<vmem_shared>> -> memref<128x128xf32, #tpu.memory_space<vmem_shared>>
      tpu.enqueue_dma source(%dma_start3A_153 : memref<128x128xf32, #tpu.memory_space<vmem_shared>>) target(%dma_start3A_151 : memref<128x128xf32, #tpu.memory_space<vmem>>) target_semaphore(%run_scoped3A : memref<!tpu.dma_semaphore, #tpu.memory_space<semaphore_mem>>)
      %dma_wait3A_154 = arith.constant 0 : i32
      %dma_wait3A_155 = arith.constant 0 : i32
      %dma_wait3A_156 = tpu.memref_slice %arg11[%dma_wait3A_154, %dma_wait3A_155] : memref<128x128xf32, #tpu.memory_space<vmem>> -> memref<128x128xf32, #tpu.memory_space<vmem>>
      %dma_wait3A_157 = arith.constant 0 : i32
      %dma_wait3A_158 = tpu.memref_slice %arg14[%add3A_122, %dma_wait3A_157] : memref<10112x128xf32, #tpu.memory_space<vmem_shared>> -> memref<128x128xf32, #tpu.memory_space<vmem_shared>>
      %dma_wait3A_159 = arith.constant 0 : i32
      %dma_wait3A_160 = arith.constant 0 : i32
      %dma_wait3A_161 = tpu.memref_slice %arg11[%dma_wait3A_159, %dma_wait3A_160] : memref<128x128xf32, #tpu.memory_space<vmem>> -> memref<128x128xf32, #tpu.memory_space<vmem>>
      %dma_wait3A_162 = arith.constant 0 : i32
      %dma_wait3A_163 = tpu.memref_slice %arg14[%add3A_122, %dma_wait3A_162] : memref<10112x128xf32, #tpu.memory_space<vmem_shared>> -> memref<128x128xf32, #tpu.memory_space<vmem_shared>>
      tpu.wait_dma2 semaphore(%run_scoped3A : memref<!tpu.dma_semaphore, #tpu.memory_space<semaphore_mem>>) src(%dma_wait3A_163 : memref<128x128xf32, #tpu.memory_space<vmem_shared>>) dst(%dma_wait3A_161 : memref<128x128xf32, #tpu.memory_space<vmem>>)
      tpu.yield
    }) : () -> ()
    "tpu.region"() ({
      %run_scoped3A = tpu.sem_alloc : memref<!tpu.dma_semaphore, #tpu.memory_space<semaphore_mem>>
      %dma_start3A_144 = arith.constant 0 : i32
      %dma_start3A_145 = arith.constant 0 : i32
      %dma_start3A_146 = tpu.memref_slice %arg11[%dma_start3A_144, %dma_start3A_145] : memref<128x128xf32, #tpu.memory_space<vmem>> -> memref<128x128xf32, #tpu.memory_space<vmem>>
      %dma_start3A_147 = arith.constant 0 : i32
      %dma_start3A_148 = tpu.memref_slice %arg7[%arg0, %add3A_122, %dma_start3A_147] : memref<2x10112x128xf32, #tpu.memory_space<hbm>> -> memref<1x128x128xf32, #tpu.memory_space<hbm>>
      %dma_start3A_149 = tpu.memref_squeeze %dma_start3A_148 : memref<1x128x128xf32, #tpu.memory_space<hbm>> -> memref<128x128xf32, #tpu.memory_space<hbm>>
      %dma_start3A_150 = arith.constant 0 : i32
      %dma_start3A_151 = tpu.memref_slice %arg7[%arg0, %add3A_122, %dma_start3A_150] : memref<2x10112x128xf32, #tpu.memory_space<hbm>> -> memref<1x128x128xf32, #tpu.memory_space<hbm>>
      %dma_start3A_152 = tpu.memref_squeeze %dma_start3A_151 : memref<1x128x128xf32, #tpu.memory_space<hbm>> -> memref<128x128xf32, #tpu.memory_space<hbm>>
      %dma_start3A_153 = arith.constant 0 : i32
      %dma_start3A_154 = arith.constant 0 : i32
      %dma_start3A_155 = tpu.memref_slice %arg11[%dma_start3A_153, %dma_start3A_154] : memref<128x128xf32, #tpu.memory_space<vmem>> -> memref<128x128xf32, #tpu.memory_space<vmem>>
      tpu.enqueue_dma source(%dma_start3A_155 : memref<128x128xf32, #tpu.memory_space<vmem>>) target(%dma_start3A_152 : memref<128x128xf32, #tpu.memory_space<hbm>>) target_semaphore(%run_scoped3A : memref<!tpu.dma_semaphore, #tpu.memory_space<semaphore_mem>>)
      %dma_wait3A_156 = arith.constant 0 : i32
      %dma_wait3A_157 = arith.constant 0 : i32
      %dma_wait3A_158 = tpu.memref_slice %arg11[%dma_wait3A_156, %dma_wait3A_157] : memref<128x128xf32, #tpu.memory_space<vmem>> -> memref<128x128xf32, #tpu.memory_space<vmem>>
      %dma_wait3A_159 = arith.constant 0 : i32
      %dma_wait3A_160 = tpu.memref_slice %arg7[%arg0, %add3A_122, %dma_wait3A_159] : memref<2x10112x128xf32, #tpu.memory_space<hbm>> -> memref<1x128x128xf32, #tpu.memory_space<hbm>>
      %dma_wait3A_161 = tpu.memref_squeeze %dma_wait3A_160 : memref<1x128x128xf32, #tpu.memory_space<hbm>> -> memref<128x128xf32, #tpu.memory_space<hbm>>
      %dma_wait3A_162 = arith.constant 0 : i32
      %dma_wait3A_163 = tpu.memref_slice %arg7[%arg0, %add3A_122, %dma_wait3A_162] : memref<2x10112x128xf32, #tpu.memory_space<hbm>> -> memref<1x128x128xf32, #tpu.memory_space<hbm>>
      %dma_wait3A_164 = tpu.memref_squeeze %dma_wait3A_163 : memref<1x128x128xf32, #tpu.memory_space<hbm>> -> memref<128x128xf32, #tpu.memory_space<hbm>>
      %dma_wait3A_165 = arith.constant 0 : i32
      %dma_wait3A_166 = arith.constant 0 : i32
      %dma_wait3A_167 = tpu.memref_slice %arg11[%dma_wait3A_165, %dma_wait3A_166] : memref<128x128xf32, #tpu.memory_space<vmem>> -> memref<128x128xf32, #tpu.memory_space<vmem>>
      tpu.wait_dma2 semaphore(%run_scoped3A : memref<!tpu.dma_semaphore, #tpu.memory_space<semaphore_mem>>) src(%dma_wait3A_167 : memref<128x128xf32, #tpu.memory_space<vmem>>) dst(%dma_wait3A_164 : memref<128x128xf32, #tpu.memory_space<hbm>>)
      tpu.yield
    }) : () -> ()
    %mul3A_123 = arith.constant 632 : i32
    %mul3A_124 = arith.muli %arg1, %mul3A_123 : i32
    %add3A_125 = arith.constant 128 : i32
    %add3A_126 = arith.addi %mul3A_124, %add3A_125 : i32
    "tpu.region"() ({
      %run_scoped3A = tpu.sem_alloc : memref<!tpu.dma_semaphore, #tpu.memory_space<semaphore_mem>>
      %dma_start3A_144 = arith.constant 0 : i32
      %dma_start3A_145 = arith.constant 0 : i32
      %dma_start3A_146 = tpu.memref_slice %arg12[%dma_start3A_144, %dma_start3A_145] : memref<128x128xf32, #tpu.memory_space<vmem>> -> memref<128x128xf32, #tpu.memory_space<vmem>>
      %dma_start3A_147 = arith.constant 0 : i32
      %dma_start3A_148 = tpu.memref_slice %arg14[%add3A_126, %dma_start3A_147] : memref<10112x128xf32, #tpu.memory_space<vmem_shared>> -> memref<128x128xf32, #tpu.memory_space<vmem_shared>>
      %dma_start3A_149 = arith.constant 0 : i32
      %dma_start3A_150 = arith.constant 0 : i32
      %dma_start3A_151 = tpu.memref_slice %arg12[%dma_start3A_149, %dma_start3A_150] : memref<128x128xf32, #tpu.memory_space<vmem>> -> memref<128x128xf32, #tpu.memory_space<vmem>>
      %dma_start3A_152 = arith.constant 0 : i32
      %dma_start3A_153 = tpu.memref_slice %arg14[%add3A_126, %dma_start3A_152] : memref<10112x128xf32, #tpu.memory_space<vmem_shared>> -> memref<128x128xf32, #tpu.memory_space<vmem_shared>>
      tpu.enqueue_dma source(%dma_start3A_153 : memref<128x128xf32, #tpu.memory_space<vmem_shared>>) target(%dma_start3A_151 : memref<128x128xf32, #tpu.memory_space<vmem>>) target_semaphore(%run_scoped3A : memref<!tpu.dma_semaphore, #tpu.memory_space<semaphore_mem>>)
      %dma_wait3A_154 = arith.constant 0 : i32
      %dma_wait3A_155 = arith.constant 0 : i32
      %dma_wait3A_156 = tpu.memref_slice %arg12[%dma_wait3A_154, %dma_wait3A_155] : memref<128x128xf32, #tpu.memory_space<vmem>> -> memref<128x128xf32, #tpu.memory_space<vmem>>
      %dma_wait3A_157 = arith.constant 0 : i32
      %dma_wait3A_158 = tpu.memref_slice %arg14[%add3A_126, %dma_wait3A_157] : memref<10112x128xf32, #tpu.memory_space<vmem_shared>> -> memref<128x128xf32, #tpu.memory_space<vmem_shared>>
      %dma_wait3A_159 = arith.constant 0 : i32
      %dma_wait3A_160 = arith.constant 0 : i32
      %dma_wait3A_161 = tpu.memref_slice %arg12[%dma_wait3A_159, %dma_wait3A_160] : memref<128x128xf32, #tpu.memory_space<vmem>> -> memref<128x128xf32, #tpu.memory_space<vmem>>
      %dma_wait3A_162 = arith.constant 0 : i32
      %dma_wait3A_163 = tpu.memref_slice %arg14[%add3A_126, %dma_wait3A_162] : memref<10112x128xf32, #tpu.memory_space<vmem_shared>> -> memref<128x128xf32, #tpu.memory_space<vmem_shared>>
      tpu.wait_dma2 semaphore(%run_scoped3A : memref<!tpu.dma_semaphore, #tpu.memory_space<semaphore_mem>>) src(%dma_wait3A_163 : memref<128x128xf32, #tpu.memory_space<vmem_shared>>) dst(%dma_wait3A_161 : memref<128x128xf32, #tpu.memory_space<vmem>>)
      tpu.yield
    }) : () -> ()
    "tpu.region"() ({
      %run_scoped3A = tpu.sem_alloc : memref<!tpu.dma_semaphore, #tpu.memory_space<semaphore_mem>>
      %dma_start3A_144 = arith.constant 0 : i32
      %dma_start3A_145 = arith.constant 0 : i32
      %dma_start3A_146 = tpu.memref_slice %arg12[%dma_start3A_144, %dma_start3A_145] : memref<128x128xf32, #tpu.memory_space<vmem>> -> memref<128x128xf32, #tpu.memory_space<vmem>>
      %dma_start3A_147 = arith.constant 0 : i32
      %dma_start3A_148 = tpu.memref_slice %arg7[%arg0, %add3A_126, %dma_start3A_147] : memref<2x10112x128xf32, #tpu.memory_space<hbm>> -> memref<1x128x128xf32, #tpu.memory_space<hbm>>
      %dma_start3A_149 = tpu.memref_squeeze %dma_start3A_148 : memref<1x128x128xf32, #tpu.memory_space<hbm>> -> memref<128x128xf32, #tpu.memory_space<hbm>>
      %dma_start3A_150 = arith.constant 0 : i32
      %dma_start3A_151 = tpu.memref_slice %arg7[%arg0, %add3A_126, %dma_start3A_150] : memref<2x10112x128xf32, #tpu.memory_space<hbm>> -> memref<1x128x128xf32, #tpu.memory_space<hbm>>
      %dma_start3A_152 = tpu.memref_squeeze %dma_start3A_151 : memref<1x128x128xf32, #tpu.memory_space<hbm>> -> memref<128x128xf32, #tpu.memory_space<hbm>>
      %dma_start3A_153 = arith.constant 0 : i32
      %dma_start3A_154 = arith.constant 0 : i32
      %dma_start3A_155 = tpu.memref_slice %arg12[%dma_start3A_153, %dma_start3A_154] : memref<128x128xf32, #tpu.memory_space<vmem>> -> memref<128x128xf32, #tpu.memory_space<vmem>>
      tpu.enqueue_dma source(%dma_start3A_155 : memref<128x128xf32, #tpu.memory_space<vmem>>) target(%dma_start3A_152 : memref<128x128xf32, #tpu.memory_space<hbm>>) target_semaphore(%run_scoped3A : memref<!tpu.dma_semaphore, #tpu.memory_space<semaphore_mem>>)
      %dma_wait3A_156 = arith.constant 0 : i32
      %dma_wait3A_157 = arith.constant 0 : i32
      %dma_wait3A_158 = tpu.memref_slice %arg12[%dma_wait3A_156, %dma_wait3A_157] : memref<128x128xf32, #tpu.memory_space<vmem>> -> memref<128x128xf32, #tpu.memory_space<vmem>>
      %dma_wait3A_159 = arith.constant 0 : i32
      %dma_wait3A_160 = tpu.memref_slice %arg7[%arg0, %add3A_126, %dma_wait3A_159] : memref<2x10112x128xf32, #tpu.memory_space<hbm>> -> memref<1x128x128xf32, #tpu.memory_space<hbm>>
      %dma_wait3A_161 = tpu.memref_squeeze %dma_wait3A_160 : memref<1x128x128xf32, #tpu.memory_space<hbm>> -> memref<128x128xf32, #tpu.memory_space<hbm>>
      %dma_wait3A_162 = arith.constant 0 : i32
      %dma_wait3A_163 = tpu.memref_slice %arg7[%arg0, %add3A_126, %dma_wait3A_162] : memref<2x10112x128xf32, #tpu.memory_space<hbm>> -> memref<1x128x128xf32, #tpu.memory_space<hbm>>
      %dma_wait3A_164 = tpu.memref_squeeze %dma_wait3A_163 : memref<1x128x128xf32, #tpu.memory_space<hbm>> -> memref<128x128xf32, #tpu.memory_space<hbm>>
      %dma_wait3A_165 = arith.constant 0 : i32
      %dma_wait3A_166 = arith.constant 0 : i32
      %dma_wait3A_167 = tpu.memref_slice %arg12[%dma_wait3A_165, %dma_wait3A_166] : memref<128x128xf32, #tpu.memory_space<vmem>> -> memref<128x128xf32, #tpu.memory_space<vmem>>
      tpu.wait_dma2 semaphore(%run_scoped3A : memref<!tpu.dma_semaphore, #tpu.memory_space<semaphore_mem>>) src(%dma_wait3A_167 : memref<128x128xf32, #tpu.memory_space<vmem>>) dst(%dma_wait3A_164 : memref<128x128xf32, #tpu.memory_space<hbm>>)
      tpu.yield
    }) : () -> ()
    %mul3A_127 = arith.constant 632 : i32
    %mul3A_128 = arith.muli %arg1, %mul3A_127 : i32
    %add3A_129 = arith.constant 256 : i32
    %add3A_130 = arith.addi %mul3A_128, %add3A_129 : i32
    "tpu.region"() ({
      %run_scoped3A = tpu.sem_alloc : memref<!tpu.dma_semaphore, #tpu.memory_space<semaphore_mem>>
      %dma_start3A_144 = arith.constant 0 : i32
      %dma_start3A_145 = arith.constant 0 : i32
      %dma_start3A_146 = tpu.memref_slice %arg11[%dma_start3A_144, %dma_start3A_145] : memref<128x128xf32, #tpu.memory_space<vmem>> -> memref<128x128xf32, #tpu.memory_space<vmem>>
      %dma_start3A_147 = arith.constant 0 : i32
      %dma_start3A_148 = tpu.memref_slice %arg14[%add3A_130, %dma_start3A_147] : memref<10112x128xf32, #tpu.memory_space<vmem_shared>> -> memref<128x128xf32, #tpu.memory_space<vmem_shared>>
      %dma_start3A_149 = arith.constant 0 : i32
      %dma_start3A_150 = arith.constant 0 : i32
      %dma_start3A_151 = tpu.memref_slice %arg11[%dma_start3A_149, %dma_start3A_150] : memref<128x128xf32, #tpu.memory_space<vmem>> -> memref<128x128xf32, #tpu.memory_space<vmem>>
      %dma_start3A_152 = arith.constant 0 : i32
      %dma_start3A_153 = tpu.memref_slice %arg14[%add3A_130, %dma_start3A_152] : memref<10112x128xf32, #tpu.memory_space<vmem_shared>> -> memref<128x128xf32, #tpu.memory_space<vmem_shared>>
      tpu.enqueue_dma source(%dma_start3A_153 : memref<128x128xf32, #tpu.memory_space<vmem_shared>>) target(%dma_start3A_151 : memref<128x128xf32, #tpu.memory_space<vmem>>) target_semaphore(%run_scoped3A : memref<!tpu.dma_semaphore, #tpu.memory_space<semaphore_mem>>)
      %dma_wait3A_154 = arith.constant 0 : i32
      %dma_wait3A_155 = arith.constant 0 : i32
      %dma_wait3A_156 = tpu.memref_slice %arg11[%dma_wait3A_154, %dma_wait3A_155] : memref<128x128xf32, #tpu.memory_space<vmem>> -> memref<128x128xf32, #tpu.memory_space<vmem>>
      %dma_wait3A_157 = arith.constant 0 : i32
      %dma_wait3A_158 = tpu.memref_slice %arg14[%add3A_130, %dma_wait3A_157] : memref<10112x128xf32, #tpu.memory_space<vmem_shared>> -> memref<128x128xf32, #tpu.memory_space<vmem_shared>>
      %dma_wait3A_159 = arith.constant 0 : i32
      %dma_wait3A_160 = arith.constant 0 : i32
      %dma_wait3A_161 = tpu.memref_slice %arg11[%dma_wait3A_159, %dma_wait3A_160] : memref<128x128xf32, #tpu.memory_space<vmem>> -> memref<128x128xf32, #tpu.memory_space<vmem>>
      %dma_wait3A_162 = arith.constant 0 : i32
      %dma_wait3A_163 = tpu.memref_slice %arg14[%add3A_130, %dma_wait3A_162] : memref<10112x128xf32, #tpu.memory_space<vmem_shared>> -> memref<128x128xf32, #tpu.memory_space<vmem_shared>>
      tpu.wait_dma2 semaphore(%run_scoped3A : memref<!tpu.dma_semaphore, #tpu.memory_space<semaphore_mem>>) src(%dma_wait3A_163 : memref<128x128xf32, #tpu.memory_space<vmem_shared>>) dst(%dma_wait3A_161 : memref<128x128xf32, #tpu.memory_space<vmem>>)
      tpu.yield
    }) : () -> ()
    "tpu.region"() ({
      %run_scoped3A = tpu.sem_alloc : memref<!tpu.dma_semaphore, #tpu.memory_space<semaphore_mem>>
      %dma_start3A_144 = arith.constant 0 : i32
      %dma_start3A_145 = arith.constant 0 : i32
      %dma_start3A_146 = tpu.memref_slice %arg11[%dma_start3A_144, %dma_start3A_145] : memref<128x128xf32, #tpu.memory_space<vmem>> -> memref<128x128xf32, #tpu.memory_space<vmem>>
      %dma_start3A_147 = arith.constant 0 : i32
      %dma_start3A_148 = tpu.memref_slice %arg7[%arg0, %add3A_130, %dma_start3A_147] : memref<2x10112x128xf32, #tpu.memory_space<hbm>> -> memref<1x128x128xf32, #tpu.memory_space<hbm>>
      %dma_start3A_149 = tpu.memref_squeeze %dma_start3A_148 : memref<1x128x128xf32, #tpu.memory_space<hbm>> -> memref<128x128xf32, #tpu.memory_space<hbm>>
      %dma_start3A_150 = arith.constant 0 : i32
      %dma_start3A_151 = tpu.memref_slice %arg7[%arg0, %add3A_130, %dma_start3A_150] : memref<2x10112x128xf32, #tpu.memory_space<hbm>> -> memref<1x128x128xf32, #tpu.memory_space<hbm>>
      %dma_start3A_152 = tpu.memref_squeeze %dma_start3A_151 : memref<1x128x128xf32, #tpu.memory_space<hbm>> -> memref<128x128xf32, #tpu.memory_space<hbm>>
      %dma_start3A_153 = arith.constant 0 : i32
      %dma_start3A_154 = arith.constant 0 : i32
      %dma_start3A_155 = tpu.memref_slice %arg11[%dma_start3A_153, %dma_start3A_154] : memref<128x128xf32, #tpu.memory_space<vmem>> -> memref<128x128xf32, #tpu.memory_space<vmem>>
      tpu.enqueue_dma source(%dma_start3A_155 : memref<128x128xf32, #tpu.memory_space<vmem>>) target(%dma_start3A_152 : memref<128x128xf32, #tpu.memory_space<hbm>>) target_semaphore(%run_scoped3A : memref<!tpu.dma_semaphore, #tpu.memory_space<semaphore_mem>>)
      %dma_wait3A_156 = arith.constant 0 : i32
      %dma_wait3A_157 = arith.constant 0 : i32
      %dma_wait3A_158 = tpu.memref_slice %arg11[%dma_wait3A_156, %dma_wait3A_157] : memref<128x128xf32, #tpu.memory_space<vmem>> -> memref<128x128xf32, #tpu.memory_space<vmem>>
      %dma_wait3A_159 = arith.constant 0 : i32
      %dma_wait3A_160 = tpu.memref_slice %arg7[%arg0, %add3A_130, %dma_wait3A_159] : memref<2x10112x128xf32, #tpu.memory_space<hbm>> -> memref<1x128x128xf32, #tpu.memory_space<hbm>>
      %dma_wait3A_161 = tpu.memref_squeeze %dma_wait3A_160 : memref<1x128x128xf32, #tpu.memory_space<hbm>> -> memref<128x128xf32, #tpu.memory_space<hbm>>
      %dma_wait3A_162 = arith.constant 0 : i32
      %dma_wait3A_163 = tpu.memref_slice %arg7[%arg0, %add3A_130, %dma_wait3A_162] : memref<2x10112x128xf32, #tpu.memory_space<hbm>> -> memref<1x128x128xf32, #tpu.memory_space<hbm>>
      %dma_wait3A_164 = tpu.memref_squeeze %dma_wait3A_163 : memref<1x128x128xf32, #tpu.memory_space<hbm>> -> memref<128x128xf32, #tpu.memory_space<hbm>>
      %dma_wait3A_165 = arith.constant 0 : i32
      %dma_wait3A_166 = arith.constant 0 : i32
      %dma_wait3A_167 = tpu.memref_slice %arg11[%dma_wait3A_165, %dma_wait3A_166] : memref<128x128xf32, #tpu.memory_space<vmem>> -> memref<128x128xf32, #tpu.memory_space<vmem>>
      tpu.wait_dma2 semaphore(%run_scoped3A : memref<!tpu.dma_semaphore, #tpu.memory_space<semaphore_mem>>) src(%dma_wait3A_167 : memref<128x128xf32, #tpu.memory_space<vmem>>) dst(%dma_wait3A_164 : memref<128x128xf32, #tpu.memory_space<hbm>>)
      tpu.yield
    }) : () -> ()
    %mul3A_131 = arith.constant 632 : i32
    %mul3A_132 = arith.muli %arg1, %mul3A_131 : i32
    %add3A_133 = arith.constant 384 : i32
    %add3A_134 = arith.addi %mul3A_132, %add3A_133 : i32
    "tpu.region"() ({
      %run_scoped3A = tpu.sem_alloc : memref<!tpu.dma_semaphore, #tpu.memory_space<semaphore_mem>>
      %dma_start3A_144 = arith.constant 0 : i32
      %dma_start3A_145 = arith.constant 0 : i32
      %dma_start3A_146 = tpu.memref_slice %arg12[%dma_start3A_144, %dma_start3A_145] : memref<128x128xf32, #tpu.memory_space<vmem>> -> memref<128x128xf32, #tpu.memory_space<vmem>>
      %dma_start3A_147 = arith.constant 0 : i32
      %dma_start3A_148 = tpu.memref_slice %arg14[%add3A_134, %dma_start3A_147] : memref<10112x128xf32, #tpu.memory_space<vmem_shared>> -> memref<128x128xf32, #tpu.memory_space<vmem_shared>>
      %dma_start3A_149 = arith.constant 0 : i32
      %dma_start3A_150 = arith.constant 0 : i32
      %dma_start3A_151 = tpu.memref_slice %arg12[%dma_start3A_149, %dma_start3A_150] : memref<128x128xf32, #tpu.memory_space<vmem>> -> memref<128x128xf32, #tpu.memory_space<vmem>>
      %dma_start3A_152 = arith.constant 0 : i32
      %dma_start3A_153 = tpu.memref_slice %arg14[%add3A_134, %dma_start3A_152] : memref<10112x128xf32, #tpu.memory_space<vmem_shared>> -> memref<128x128xf32, #tpu.memory_space<vmem_shared>>
      tpu.enqueue_dma source(%dma_start3A_153 : memref<128x128xf32, #tpu.memory_space<vmem_shared>>) target(%dma_start3A_151 : memref<128x128xf32, #tpu.memory_space<vmem>>) target_semaphore(%run_scoped3A : memref<!tpu.dma_semaphore, #tpu.memory_space<semaphore_mem>>)
      %dma_wait3A_154 = arith.constant 0 : i32
      %dma_wait3A_155 = arith.constant 0 : i32
      %dma_wait3A_156 = tpu.memref_slice %arg12[%dma_wait3A_154, %dma_wait3A_155] : memref<128x128xf32, #tpu.memory_space<vmem>> -> memref<128x128xf32, #tpu.memory_space<vmem>>
      %dma_wait3A_157 = arith.constant 0 : i32
      %dma_wait3A_158 = tpu.memref_slice %arg14[%add3A_134, %dma_wait3A_157] : memref<10112x128xf32, #tpu.memory_space<vmem_shared>> -> memref<128x128xf32, #tpu.memory_space<vmem_shared>>
      %dma_wait3A_159 = arith.constant 0 : i32
      %dma_wait3A_160 = arith.constant 0 : i32
      %dma_wait3A_161 = tpu.memref_slice %arg12[%dma_wait3A_159, %dma_wait3A_160] : memref<128x128xf32, #tpu.memory_space<vmem>> -> memref<128x128xf32, #tpu.memory_space<vmem>>
      %dma_wait3A_162 = arith.constant 0 : i32
      %dma_wait3A_163 = tpu.memref_slice %arg14[%add3A_134, %dma_wait3A_162] : memref<10112x128xf32, #tpu.memory_space<vmem_shared>> -> memref<128x128xf32, #tpu.memory_space<vmem_shared>>
      tpu.wait_dma2 semaphore(%run_scoped3A : memref<!tpu.dma_semaphore, #tpu.memory_space<semaphore_mem>>) src(%dma_wait3A_163 : memref<128x128xf32, #tpu.memory_space<vmem_shared>>) dst(%dma_wait3A_161 : memref<128x128xf32, #tpu.memory_space<vmem>>)
      tpu.yield
    }) : () -> ()
    "tpu.region"() ({
      %run_scoped3A = tpu.sem_alloc : memref<!tpu.dma_semaphore, #tpu.memory_space<semaphore_mem>>
      %dma_start3A_144 = arith.constant 0 : i32
      %dma_start3A_145 = arith.constant 0 : i32
      %dma_start3A_146 = tpu.memref_slice %arg12[%dma_start3A_144, %dma_start3A_145] : memref<128x128xf32, #tpu.memory_space<vmem>> -> memref<128x128xf32, #tpu.memory_space<vmem>>
      %dma_start3A_147 = arith.constant 0 : i32
      %dma_start3A_148 = tpu.memref_slice %arg7[%arg0, %add3A_134, %dma_start3A_147] : memref<2x10112x128xf32, #tpu.memory_space<hbm>> -> memref<1x128x128xf32, #tpu.memory_space<hbm>>
      %dma_start3A_149 = tpu.memref_squeeze %dma_start3A_148 : memref<1x128x128xf32, #tpu.memory_space<hbm>> -> memref<128x128xf32, #tpu.memory_space<hbm>>
      %dma_start3A_150 = arith.constant 0 : i32
      %dma_start3A_151 = tpu.memref_slice %arg7[%arg0, %add3A_134, %dma_start3A_150] : memref<2x10112x128xf32, #tpu.memory_space<hbm>> -> memref<1x128x128xf32, #tpu.memory_space<hbm>>
      %dma_start3A_152 = tpu.memref_squeeze %dma_start3A_151 : memref<1x128x128xf32, #tpu.memory_space<hbm>> -> memref<128x128xf32, #tpu.memory_space<hbm>>
      %dma_start3A_153 = arith.constant 0 : i32
      %dma_start3A_154 = arith.constant 0 : i32
      %dma_start3A_155 = tpu.memref_slice %arg12[%dma_start3A_153, %dma_start3A_154] : memref<128x128xf32, #tpu.memory_space<vmem>> -> memref<128x128xf32, #tpu.memory_space<vmem>>
      tpu.enqueue_dma source(%dma_start3A_155 : memref<128x128xf32, #tpu.memory_space<vmem>>) target(%dma_start3A_152 : memref<128x128xf32, #tpu.memory_space<hbm>>) target_semaphore(%run_scoped3A : memref<!tpu.dma_semaphore, #tpu.memory_space<semaphore_mem>>)
      %dma_wait3A_156 = arith.constant 0 : i32
      %dma_wait3A_157 = arith.constant 0 : i32
      %dma_wait3A_158 = tpu.memref_slice %arg12[%dma_wait3A_156, %dma_wait3A_157] : memref<128x128xf32, #tpu.memory_space<vmem>> -> memref<128x128xf32, #tpu.memory_space<vmem>>
      %dma_wait3A_159 = arith.constant 0 : i32
      %dma_wait3A_160 = tpu.memref_slice %arg7[%arg0, %add3A_134, %dma_wait3A_159] : memref<2x10112x128xf32, #tpu.memory_space<hbm>> -> memref<1x128x128xf32, #tpu.memory_space<hbm>>
      %dma_wait3A_161 = tpu.memref_squeeze %dma_wait3A_160 : memref<1x128x128xf32, #tpu.memory_space<hbm>> -> memref<128x128xf32, #tpu.memory_space<hbm>>
      %dma_wait3A_162 = arith.constant 0 : i32
      %dma_wait3A_163 = tpu.memref_slice %arg7[%arg0, %add3A_134, %dma_wait3A_162] : memref<2x10112x128xf32, #tpu.memory_space<hbm>> -> memref<1x128x128xf32, #tpu.memory_space<hbm>>
      %dma_wait3A_164 = tpu.memref_squeeze %dma_wait3A_163 : memref<1x128x128xf32, #tpu.memory_space<hbm>> -> memref<128x128xf32, #tpu.memory_space<hbm>>
      %dma_wait3A_165 = arith.constant 0 : i32
      %dma_wait3A_166 = arith.constant 0 : i32
      %dma_wait3A_167 = tpu.memref_slice %arg12[%dma_wait3A_165, %dma_wait3A_166] : memref<128x128xf32, #tpu.memory_space<vmem>> -> memref<128x128xf32, #tpu.memory_space<vmem>>
      tpu.wait_dma2 semaphore(%run_scoped3A : memref<!tpu.dma_semaphore, #tpu.memory_space<semaphore_mem>>) src(%dma_wait3A_167 : memref<128x128xf32, #tpu.memory_space<vmem>>) dst(%dma_wait3A_164 : memref<128x128xf32, #tpu.memory_space<hbm>>)
      tpu.yield
    }) : () -> ()
    %mul3A_135 = arith.constant 632 : i32
    %mul3A_136 = arith.muli %arg1, %mul3A_135 : i32
    %add3A_137 = arith.constant 512 : i32
    %add3A_138 = arith.addi %mul3A_136, %add3A_137 : i32
    "tpu.region"() ({
      %run_scoped3A = tpu.sem_alloc : memref<!tpu.dma_semaphore, #tpu.memory_space<semaphore_mem>>
      %dma_start3A_144 = arith.constant 0 : i32
      %dma_start3A_145 = arith.constant 0 : i32
      %dma_start3A_146 = tpu.memref_slice %arg11[%dma_start3A_144, %dma_start3A_145] : memref<128x128xf32, #tpu.memory_space<vmem>> -> memref<120x128xf32, #tpu.memory_space<vmem>>
      %dma_start3A_147 = arith.constant 0 : i32
      %dma_start3A_148 = tpu.memref_slice %arg14[%add3A_138, %dma_start3A_147] : memref<10112x128xf32, #tpu.memory_space<vmem_shared>> -> memref<120x128xf32, #tpu.memory_space<vmem_shared>>
      %dma_start3A_149 = arith.constant 0 : i32
      %dma_start3A_150 = arith.constant 0 : i32
      %dma_start3A_151 = tpu.memref_slice %arg11[%dma_start3A_149, %dma_start3A_150] : memref<128x128xf32, #tpu.memory_space<vmem>> -> memref<120x128xf32, #tpu.memory_space<vmem>>
      %dma_start3A_152 = arith.constant 0 : i32
      %dma_start3A_153 = tpu.memref_slice %arg14[%add3A_138, %dma_start3A_152] : memref<10112x128xf32, #tpu.memory_space<vmem_shared>> -> memref<120x128xf32, #tpu.memory_space<vmem_shared>>
      tpu.enqueue_dma source(%dma_start3A_153 : memref<120x128xf32, #tpu.memory_space<vmem_shared>>) target(%dma_start3A_151 : memref<120x128xf32, #tpu.memory_space<vmem>>) target_semaphore(%run_scoped3A : memref<!tpu.dma_semaphore, #tpu.memory_space<semaphore_mem>>)
      %dma_wait3A_154 = arith.constant 0 : i32
      %dma_wait3A_155 = arith.constant 0 : i32
      %dma_wait3A_156 = tpu.memref_slice %arg11[%dma_wait3A_154, %dma_wait3A_155] : memref<128x128xf32, #tpu.memory_space<vmem>> -> memref<120x128xf32, #tpu.memory_space<vmem>>
      %dma_wait3A_157 = arith.constant 0 : i32
      %dma_wait3A_158 = tpu.memref_slice %arg14[%add3A_138, %dma_wait3A_157] : memref<10112x128xf32, #tpu.memory_space<vmem_shared>> -> memref<120x128xf32, #tpu.memory_space<vmem_shared>>
      %dma_wait3A_159 = arith.constant 0 : i32
      %dma_wait3A_160 = arith.constant 0 : i32
      %dma_wait3A_161 = tpu.memref_slice %arg11[%dma_wait3A_159, %dma_wait3A_160] : memref<128x128xf32, #tpu.memory_space<vmem>> -> memref<120x128xf32, #tpu.memory_space<vmem>>
      %dma_wait3A_162 = arith.constant 0 : i32
      %dma_wait3A_163 = tpu.memref_slice %arg14[%add3A_138, %dma_wait3A_162] : memref<10112x128xf32, #tpu.memory_space<vmem_shared>> -> memref<120x128xf32, #tpu.memory_space<vmem_shared>>
      tpu.wait_dma2 semaphore(%run_scoped3A : memref<!tpu.dma_semaphore, #tpu.memory_space<semaphore_mem>>) src(%dma_wait3A_163 : memref<120x128xf32, #tpu.memory_space<vmem_shared>>) dst(%dma_wait3A_161 : memref<120x128xf32, #tpu.memory_space<vmem>>)
      tpu.yield
    }) : () -> ()
    "tpu.region"() ({
      %run_scoped3A = tpu.sem_alloc : memref<!tpu.dma_semaphore, #tpu.memory_space<semaphore_mem>>
      %dma_start3A_144 = arith.constant 0 : i32
      %dma_start3A_145 = arith.constant 0 : i32
      %dma_start3A_146 = tpu.memref_slice %arg11[%dma_start3A_144, %dma_start3A_145] : memref<128x128xf32, #tpu.memory_space<vmem>> -> memref<120x128xf32, #tpu.memory_space<vmem>>
      %dma_start3A_147 = arith.constant 0 : i32
      %dma_start3A_148 = tpu.memref_slice %arg7[%arg0, %add3A_138, %dma_start3A_147] : memref<2x10112x128xf32, #tpu.memory_space<hbm>> -> memref<1x120x128xf32, #tpu.memory_space<hbm>>
      %dma_start3A_149 = tpu.memref_squeeze %dma_start3A_148 : memref<1x120x128xf32, #tpu.memory_space<hbm>> -> memref<120x128xf32, #tpu.memory_space<hbm>>
      %dma_start3A_150 = arith.constant 0 : i32
      %dma_start3A_151 = tpu.memref_slice %arg7[%arg0, %add3A_138, %dma_start3A_150] : memref<2x10112x128xf32, #tpu.memory_space<hbm>> -> memref<1x120x128xf32, #tpu.memory_space<hbm>>
      %dma_start3A_152 = tpu.memref_squeeze %dma_start3A_151 : memref<1x120x128xf32, #tpu.memory_space<hbm>> -> memref<120x128xf32, #tpu.memory_space<hbm>>
      %dma_start3A_153 = arith.constant 0 : i32
      %dma_start3A_154 = arith.constant 0 : i32
      %dma_start3A_155 = tpu.memref_slice %arg11[%dma_start3A_153, %dma_start3A_154] : memref<128x128xf32, #tpu.memory_space<vmem>> -> memref<120x128xf32, #tpu.memory_space<vmem>>
      tpu.enqueue_dma source(%dma_start3A_155 : memref<120x128xf32, #tpu.memory_space<vmem>>) target(%dma_start3A_152 : memref<120x128xf32, #tpu.memory_space<hbm>>) target_semaphore(%run_scoped3A : memref<!tpu.dma_semaphore, #tpu.memory_space<semaphore_mem>>)
      %dma_wait3A_156 = arith.constant 0 : i32
      %dma_wait3A_157 = arith.constant 0 : i32
      %dma_wait3A_158 = tpu.memref_slice %arg11[%dma_wait3A_156, %dma_wait3A_157] : memref<128x128xf32, #tpu.memory_space<vmem>> -> memref<120x128xf32, #tpu.memory_space<vmem>>
      %dma_wait3A_159 = arith.constant 0 : i32
      %dma_wait3A_160 = tpu.memref_slice %arg7[%arg0, %add3A_138, %dma_wait3A_159] : memref<2x10112x128xf32, #tpu.memory_space<hbm>> -> memref<1x120x128xf32, #tpu.memory_space<hbm>>
      %dma_wait3A_161 = tpu.memref_squeeze %dma_wait3A_160 : memref<1x120x128xf32, #tpu.memory_space<hbm>> -> memref<120x128xf32, #tpu.memory_space<hbm>>
      %dma_wait3A_162 = arith.constant 0 : i32
      %dma_wait3A_163 = tpu.memref_slice %arg7[%arg0, %add3A_138, %dma_wait3A_162] : memref<2x10112x128xf32, #tpu.memory_space<hbm>> -> memref<1x120x128xf32, #tpu.memory_space<hbm>>
      %dma_wait3A_164 = tpu.memref_squeeze %dma_wait3A_163 : memref<1x120x128xf32, #tpu.memory_space<hbm>> -> memref<120x128xf32, #tpu.memory_space<hbm>>
      %dma_wait3A_165 = arith.constant 0 : i32
      %dma_wait3A_166 = arith.constant 0 : i32
      %dma_wait3A_167 = tpu.memref_slice %arg11[%dma_wait3A_165, %dma_wait3A_166] : memref<128x128xf32, #tpu.memory_space<vmem>> -> memref<120x128xf32, #tpu.memory_space<vmem>>
      tpu.wait_dma2 semaphore(%run_scoped3A : memref<!tpu.dma_semaphore, #tpu.memory_space<semaphore_mem>>) src(%dma_wait3A_167 : memref<120x128xf32, #tpu.memory_space<vmem>>) dst(%dma_wait3A_164 : memref<120x128xf32, #tpu.memory_space<hbm>>)
      tpu.yield
    }) : () -> ()
    %eq3A_139 = arith.constant 0 : i32
    %eq3A_140 = arith.cmpi eq, %arg1, %eq3A_139 : i32
    %convert_element_type3A_141 = arith.extui %eq3A_140 : i1 to i32
    %cond3A_142 = arith.constant 0 : i32
    %cond3A_143 = arith.cmpi ne, %convert_element_type3A_141, %cond3A_142 : i32
    scf.if %cond3A_143 {
      "tpu.region"() ({
        %run_scoped3A = tpu.sem_alloc : memref<!tpu.dma_semaphore, #tpu.memory_space<semaphore_mem>>
        %dma_start3A_144 = arith.constant 0 : i32
        %dma_start3A_145 = tpu.memref_slice %arg8[%arg0, %dma_start3A_144] : memref<2x10112xf32, #tpu.memory_space<hbm>> -> memref<1x10112xf32, #tpu.memory_space<hbm>>
        %dma_start3A_146 = tpu.memref_squeeze %dma_start3A_145 : memref<1x10112xf32, #tpu.memory_space<hbm>> -> memref<10112xf32, #tpu.memory_space<hbm>>
        tpu.enqueue_dma source(%arg15 : memref<10112xf32, #tpu.memory_space<vmem_shared>>) target(%dma_start3A_146 : memref<10112xf32, #tpu.memory_space<hbm>>) target_semaphore(%run_scoped3A : memref<!tpu.dma_semaphore, #tpu.memory_space<semaphore_mem>>)
        %dma_wait3A_147 = arith.constant 0 : i32
        %dma_wait3A_148 = tpu.memref_slice %arg8[%arg0, %dma_wait3A_147] : memref<2x10112xf32, #tpu.memory_space<hbm>> -> memref<1x10112xf32, #tpu.memory_space<hbm>>
        %dma_wait3A_149 = tpu.memref_squeeze %dma_wait3A_148 : memref<1x10112xf32, #tpu.memory_space<hbm>> -> memref<10112xf32, #tpu.memory_space<hbm>>
        tpu.wait_dma2 semaphore(%run_scoped3A : memref<!tpu.dma_semaphore, #tpu.memory_space<semaphore_mem>>) src(%arg15 : memref<10112xf32, #tpu.memory_space<vmem_shared>>) dst(%dma_wait3A_149 : memref<10112xf32, #tpu.memory_space<hbm>>)
        tpu.yield
      }) : () -> ()
    } else {
    }
    return
  }
}

#map = affine_map<(d0, d1) -> (0, 0)>
#map1 = affine_map<(d0, d1) -> (0)>
#map2 = affine_map<(d0, d1) -> (0, 0, 0)>
module attributes {stable_mosaic.version = 14 : i64} {
  func.func @body(%arg0: i32, %arg1: i32, %arg2: memref<10000x128xf32, #tpu.memory_space<hbm>>, %arg3: memref<632x128xf32, #tpu.memory_space<hbm>>, %arg4: memref<10112xf32, #tpu.memory_space<hbm>>, %arg5: memref<32x80x128xi32, #tpu.memory_space<hbm>>, %arg6: memref<32x80x128xi32, #tpu.memory_space<hbm>>, %arg7: memref<2x10112x128xf32, #tpu.memory_space<hbm>>, %arg8: memref<40x128xi32, #tpu.memory_space<vmem>>, %arg9: memref<40x128xi32, #tpu.memory_space<vmem>>, %arg10: memref<128x128xf32, #tpu.memory_space<vmem>>, %arg11: memref<128x128xf32, #tpu.memory_space<vmem>>, %arg12: memref<128xf32, #tpu.memory_space<vmem>>, %arg13: memref<10112x128xf32, #tpu.memory_space<vmem_shared>>, %arg14: memref<10112xf32, #tpu.memory_space<vmem_shared>>, %arg15: memref<!tpu.dma_semaphore, #tpu.memory_space<semaphore_mem>>, %arg16: memref<!tpu.dma_semaphore, #tpu.memory_space<semaphore_mem>>, %arg17: memref<!tpu.dma_semaphore, #tpu.memory_space<semaphore_mem>>, %arg18: memref<!tpu.dma_semaphore, #tpu.memory_space<semaphore_mem>>, %arg19: memref<!tpu.dma_semaphore, #tpu.memory_space<semaphore_mem>>) attributes {dimension_semantics = [#tpu.dimension_semantics<core_parallel>, #tpu.dimension_semantics<subcore_parallel>], iteration_bounds = array<i64: 2, 16>, scalar_prefetch = 0 : i64, scratch_operands = 12 : i64, tpu.core_type = #tpu.core_type<sc_vector_subcore>, window_params = [{transform_indices = #map}, {transform_indices = #map}, {transform_indices = #map1}, {transform_indices = #map2}, {transform_indices = #map2}, {transform_indices = #map2}]} {
    %mul3A = arith.constant 2 : i32
    %mul3A_0 = arith.muli %arg1, %mul3A : i32
    %add3A = arith.addi %mul3A_0, %arg0 : i32
    "tpu.region"() ({
      %run_scoped3A = tpu.sem_alloc : memref<!tpu.dma_semaphore, #tpu.memory_space<semaphore_mem>>
      %dma_start3A_79 = arith.constant 0 : i32
      %dma_start3A_80 = arith.constant 0 : i32
      %dma_start3A_81 = tpu.memref_slice %arg10[%dma_start3A_79, %dma_start3A_80] : memref<128x128xf32, #tpu.memory_space<vmem>> -> memref<128x128xf32, #tpu.memory_space<vmem>>
      %dma_start3A_82 = arith.constant 0 : i32
      %dma_start3A_83 = arith.constant 0 : i32
      %dma_start3A_84 = tpu.memref_slice %arg3[%dma_start3A_82, %dma_start3A_83] : memref<632x128xf32, #tpu.memory_space<hbm>> -> memref<128x128xf32, #tpu.memory_space<hbm>>
      %dma_start3A_85 = arith.constant 0 : i32
      %dma_start3A_86 = arith.constant 0 : i32
      %dma_start3A_87 = tpu.memref_slice %arg10[%dma_start3A_85, %dma_start3A_86] : memref<128x128xf32, #tpu.memory_space<vmem>> -> memref<128x128xf32, #tpu.memory_space<vmem>>
      %dma_start3A_88 = arith.constant 0 : i32
      %dma_start3A_89 = arith.constant 0 : i32
      %dma_start3A_90 = tpu.memref_slice %arg3[%dma_start3A_88, %dma_start3A_89] : memref<632x128xf32, #tpu.memory_space<hbm>> -> memref<128x128xf32, #tpu.memory_space<hbm>>
      tpu.enqueue_dma source(%dma_start3A_90 : memref<128x128xf32, #tpu.memory_space<hbm>>) target(%dma_start3A_87 : memref<128x128xf32, #tpu.memory_space<vmem>>) target_semaphore(%run_scoped3A : memref<!tpu.dma_semaphore, #tpu.memory_space<semaphore_mem>>)
      %dma_wait3A_91 = arith.constant 0 : i32
      %dma_wait3A_92 = arith.constant 0 : i32
      %dma_wait3A_93 = tpu.memref_slice %arg10[%dma_wait3A_91, %dma_wait3A_92] : memref<128x128xf32, #tpu.memory_space<vmem>> -> memref<128x128xf32, #tpu.memory_space<vmem>>
      %dma_wait3A_94 = arith.constant 0 : i32
      %dma_wait3A_95 = arith.constant 0 : i32
      %dma_wait3A_96 = tpu.memref_slice %arg3[%dma_wait3A_94, %dma_wait3A_95] : memref<632x128xf32, #tpu.memory_space<hbm>> -> memref<128x128xf32, #tpu.memory_space<hbm>>
      %dma_wait3A_97 = arith.constant 0 : i32
      %dma_wait3A_98 = arith.constant 0 : i32
      %dma_wait3A_99 = tpu.memref_slice %arg10[%dma_wait3A_97, %dma_wait3A_98] : memref<128x128xf32, #tpu.memory_space<vmem>> -> memref<128x128xf32, #tpu.memory_space<vmem>>
      %dma_wait3A_100 = arith.constant 0 : i32
      %dma_wait3A_101 = arith.constant 0 : i32
      %dma_wait3A_102 = tpu.memref_slice %arg3[%dma_wait3A_100, %dma_wait3A_101] : memref<632x128xf32, #tpu.memory_space<hbm>> -> memref<128x128xf32, #tpu.memory_space<hbm>>
      tpu.wait_dma2 semaphore(%run_scoped3A : memref<!tpu.dma_semaphore, #tpu.memory_space<semaphore_mem>>) src(%dma_wait3A_102 : memref<128x128xf32, #tpu.memory_space<hbm>>) dst(%dma_wait3A_99 : memref<128x128xf32, #tpu.memory_space<vmem>>)
      tpu.yield
    }) : () -> ()
    %mul3A_1 = arith.constant 632 : i32
    %mul3A_2 = arith.muli %arg1, %mul3A_1 : i32
    %add3A_3 = arith.constant 0 : i32
    %add3A_4 = arith.addi %mul3A_2, %add3A_3 : i32
    "tpu.region"() ({
      %run_scoped3A = tpu.sem_alloc : memref<!tpu.dma_semaphore, #tpu.memory_space<semaphore_mem>>
      %dma_start3A_79 = arith.constant 0 : i32
      %dma_start3A_80 = arith.constant 0 : i32
      %dma_start3A_81 = tpu.memref_slice %arg10[%dma_start3A_79, %dma_start3A_80] : memref<128x128xf32, #tpu.memory_space<vmem>> -> memref<128x128xf32, #tpu.memory_space<vmem>>
      %dma_start3A_82 = arith.constant 0 : i32
      %dma_start3A_83 = tpu.memref_slice %arg13[%add3A_4, %dma_start3A_82] : memref<10112x128xf32, #tpu.memory_space<vmem_shared>> -> memref<128x128xf32, #tpu.memory_space<vmem_shared>>
      %dma_start3A_84 = arith.constant 0 : i32
      %dma_start3A_85 = tpu.memref_slice %arg13[%add3A_4, %dma_start3A_84] : memref<10112x128xf32, #tpu.memory_space<vmem_shared>> -> memref<128x128xf32, #tpu.memory_space<vmem_shared>>
      %dma_start3A_86 = arith.constant 0 : i32
      %dma_start3A_87 = arith.constant 0 : i32
      %dma_start3A_88 = tpu.memref_slice %arg10[%dma_start3A_86, %dma_start3A_87] : memref<128x128xf32, #tpu.memory_space<vmem>> -> memref<128x128xf32, #tpu.memory_space<vmem>>
      tpu.enqueue_dma source(%dma_start3A_88 : memref<128x128xf32, #tpu.memory_space<vmem>>) target(%dma_start3A_85 : memref<128x128xf32, #tpu.memory_space<vmem_shared>>) target_semaphore(%run_scoped3A : memref<!tpu.dma_semaphore, #tpu.memory_space<semaphore_mem>>)
      %dma_wait3A_89 = arith.constant 0 : i32
      %dma_wait3A_90 = arith.constant 0 : i32
      %dma_wait3A_91 = tpu.memref_slice %arg10[%dma_wait3A_89, %dma_wait3A_90] : memref<128x128xf32, #tpu.memory_space<vmem>> -> memref<128x128xf32, #tpu.memory_space<vmem>>
      %dma_wait3A_92 = arith.constant 0 : i32
      %dma_wait3A_93 = tpu.memref_slice %arg13[%add3A_4, %dma_wait3A_92] : memref<10112x128xf32, #tpu.memory_space<vmem_shared>> -> memref<128x128xf32, #tpu.memory_space<vmem_shared>>
      %dma_wait3A_94 = arith.constant 0 : i32
      %dma_wait3A_95 = tpu.memref_slice %arg13[%add3A_4, %dma_wait3A_94] : memref<10112x128xf32, #tpu.memory_space<vmem_shared>> -> memref<128x128xf32, #tpu.memory_space<vmem_shared>>
      %dma_wait3A_96 = arith.constant 0 : i32
      %dma_wait3A_97 = arith.constant 0 : i32
      %dma_wait3A_98 = tpu.memref_slice %arg10[%dma_wait3A_96, %dma_wait3A_97] : memref<128x128xf32, #tpu.memory_space<vmem>> -> memref<128x128xf32, #tpu.memory_space<vmem>>
      tpu.wait_dma2 semaphore(%run_scoped3A : memref<!tpu.dma_semaphore, #tpu.memory_space<semaphore_mem>>) src(%dma_wait3A_98 : memref<128x128xf32, #tpu.memory_space<vmem>>) dst(%dma_wait3A_95 : memref<128x128xf32, #tpu.memory_space<vmem_shared>>)
      tpu.yield
    }) : () -> ()
    "tpu.region"() ({
      %run_scoped3A = tpu.sem_alloc : memref<!tpu.dma_semaphore, #tpu.memory_space<semaphore_mem>>
      %dma_start3A_79 = arith.constant 0 : i32
      %dma_start3A_80 = arith.constant 0 : i32
      %dma_start3A_81 = tpu.memref_slice %arg11[%dma_start3A_79, %dma_start3A_80] : memref<128x128xf32, #tpu.memory_space<vmem>> -> memref<128x128xf32, #tpu.memory_space<vmem>>
      %dma_start3A_82 = arith.constant 0 : i32
      %dma_start3A_83 = arith.constant 0 : i32
      %dma_start3A_84 = tpu.memref_slice %arg3[%dma_start3A_82, %dma_start3A_83] : memref<632x128xf32, #tpu.memory_space<hbm>> -> memref<128x128xf32, #tpu.memory_space<hbm>>
      %dma_start3A_85 = arith.constant 0 : i32
      %dma_start3A_86 = arith.constant 0 : i32
      %dma_start3A_87 = tpu.memref_slice %arg11[%dma_start3A_85, %dma_start3A_86] : memref<128x128xf32, #tpu.memory_space<vmem>> -> memref<128x128xf32, #tpu.memory_space<vmem>>
      %dma_start3A_88 = arith.constant 0 : i32
      %dma_start3A_89 = arith.constant 0 : i32
      %dma_start3A_90 = tpu.memref_slice %arg3[%dma_start3A_88, %dma_start3A_89] : memref<632x128xf32, #tpu.memory_space<hbm>> -> memref<128x128xf32, #tpu.memory_space<hbm>>
      tpu.enqueue_dma source(%dma_start3A_90 : memref<128x128xf32, #tpu.memory_space<hbm>>) target(%dma_start3A_87 : memref<128x128xf32, #tpu.memory_space<vmem>>) target_semaphore(%run_scoped3A : memref<!tpu.dma_semaphore, #tpu.memory_space<semaphore_mem>>)
      %dma_wait3A_91 = arith.constant 0 : i32
      %dma_wait3A_92 = arith.constant 0 : i32
      %dma_wait3A_93 = tpu.memref_slice %arg11[%dma_wait3A_91, %dma_wait3A_92] : memref<128x128xf32, #tpu.memory_space<vmem>> -> memref<128x128xf32, #tpu.memory_space<vmem>>
      %dma_wait3A_94 = arith.constant 0 : i32
      %dma_wait3A_95 = arith.constant 0 : i32
      %dma_wait3A_96 = tpu.memref_slice %arg3[%dma_wait3A_94, %dma_wait3A_95] : memref<632x128xf32, #tpu.memory_space<hbm>> -> memref<128x128xf32, #tpu.memory_space<hbm>>
      %dma_wait3A_97 = arith.constant 0 : i32
      %dma_wait3A_98 = arith.constant 0 : i32
      %dma_wait3A_99 = tpu.memref_slice %arg11[%dma_wait3A_97, %dma_wait3A_98] : memref<128x128xf32, #tpu.memory_space<vmem>> -> memref<128x128xf32, #tpu.memory_space<vmem>>
      %dma_wait3A_100 = arith.constant 0 : i32
      %dma_wait3A_101 = arith.constant 0 : i32
      %dma_wait3A_102 = tpu.memref_slice %arg3[%dma_wait3A_100, %dma_wait3A_101] : memref<632x128xf32, #tpu.memory_space<hbm>> -> memref<128x128xf32, #tpu.memory_space<hbm>>
      tpu.wait_dma2 semaphore(%run_scoped3A : memref<!tpu.dma_semaphore, #tpu.memory_space<semaphore_mem>>) src(%dma_wait3A_102 : memref<128x128xf32, #tpu.memory_space<hbm>>) dst(%dma_wait3A_99 : memref<128x128xf32, #tpu.memory_space<vmem>>)
      tpu.yield
    }) : () -> ()
    %mul3A_5 = arith.constant 632 : i32
    %mul3A_6 = arith.muli %arg1, %mul3A_5 : i32
    %add3A_7 = arith.constant 128 : i32
    %add3A_8 = arith.addi %mul3A_6, %add3A_7 : i32
    "tpu.region"() ({
      %run_scoped3A = tpu.sem_alloc : memref<!tpu.dma_semaphore, #tpu.memory_space<semaphore_mem>>
      %dma_start3A_79 = arith.constant 0 : i32
      %dma_start3A_80 = arith.constant 0 : i32
      %dma_start3A_81 = tpu.memref_slice %arg11[%dma_start3A_79, %dma_start3A_80] : memref<128x128xf32, #tpu.memory_space<vmem>> -> memref<128x128xf32, #tpu.memory_space<vmem>>
      %dma_start3A_82 = arith.constant 0 : i32
      %dma_start3A_83 = tpu.memref_slice %arg13[%add3A_8, %dma_start3A_82] : memref<10112x128xf32, #tpu.memory_space<vmem_shared>> -> memref<128x128xf32, #tpu.memory_space<vmem_shared>>
      %dma_start3A_84 = arith.constant 0 : i32
      %dma_start3A_85 = tpu.memref_slice %arg13[%add3A_8, %dma_start3A_84] : memref<10112x128xf32, #tpu.memory_space<vmem_shared>> -> memref<128x128xf32, #tpu.memory_space<vmem_shared>>
      %dma_start3A_86 = arith.constant 0 : i32
      %dma_start3A_87 = arith.constant 0 : i32
      %dma_start3A_88 = tpu.memref_slice %arg11[%dma_start3A_86, %dma_start3A_87] : memref<128x128xf32, #tpu.memory_space<vmem>> -> memref<128x128xf32, #tpu.memory_space<vmem>>
      tpu.enqueue_dma source(%dma_start3A_88 : memref<128x128xf32, #tpu.memory_space<vmem>>) target(%dma_start3A_85 : memref<128x128xf32, #tpu.memory_space<vmem_shared>>) target_semaphore(%run_scoped3A : memref<!tpu.dma_semaphore, #tpu.memory_space<semaphore_mem>>)
      %dma_wait3A_89 = arith.constant 0 : i32
      %dma_wait3A_90 = arith.constant 0 : i32
      %dma_wait3A_91 = tpu.memref_slice %arg11[%dma_wait3A_89, %dma_wait3A_90] : memref<128x128xf32, #tpu.memory_space<vmem>> -> memref<128x128xf32, #tpu.memory_space<vmem>>
      %dma_wait3A_92 = arith.constant 0 : i32
      %dma_wait3A_93 = tpu.memref_slice %arg13[%add3A_8, %dma_wait3A_92] : memref<10112x128xf32, #tpu.memory_space<vmem_shared>> -> memref<128x128xf32, #tpu.memory_space<vmem_shared>>
      %dma_wait3A_94 = arith.constant 0 : i32
      %dma_wait3A_95 = tpu.memref_slice %arg13[%add3A_8, %dma_wait3A_94] : memref<10112x128xf32, #tpu.memory_space<vmem_shared>> -> memref<128x128xf32, #tpu.memory_space<vmem_shared>>
      %dma_wait3A_96 = arith.constant 0 : i32
      %dma_wait3A_97 = arith.constant 0 : i32
      %dma_wait3A_98 = tpu.memref_slice %arg11[%dma_wait3A_96, %dma_wait3A_97] : memref<128x128xf32, #tpu.memory_space<vmem>> -> memref<128x128xf32, #tpu.memory_space<vmem>>
      tpu.wait_dma2 semaphore(%run_scoped3A : memref<!tpu.dma_semaphore, #tpu.memory_space<semaphore_mem>>) src(%dma_wait3A_98 : memref<128x128xf32, #tpu.memory_space<vmem>>) dst(%dma_wait3A_95 : memref<128x128xf32, #tpu.memory_space<vmem_shared>>)
      tpu.yield
    }) : () -> ()
    "tpu.region"() ({
      %run_scoped3A = tpu.sem_alloc : memref<!tpu.dma_semaphore, #tpu.memory_space<semaphore_mem>>
      %dma_start3A_79 = arith.constant 0 : i32
      %dma_start3A_80 = arith.constant 0 : i32
      %dma_start3A_81 = tpu.memref_slice %arg10[%dma_start3A_79, %dma_start3A_80] : memref<128x128xf32, #tpu.memory_space<vmem>> -> memref<128x128xf32, #tpu.memory_space<vmem>>
      %dma_start3A_82 = arith.constant 0 : i32
      %dma_start3A_83 = arith.constant 0 : i32
      %dma_start3A_84 = tpu.memref_slice %arg3[%dma_start3A_82, %dma_start3A_83] : memref<632x128xf32, #tpu.memory_space<hbm>> -> memref<128x128xf32, #tpu.memory_space<hbm>>
      %dma_start3A_85 = arith.constant 0 : i32
      %dma_start3A_86 = arith.constant 0 : i32
      %dma_start3A_87 = tpu.memref_slice %arg10[%dma_start3A_85, %dma_start3A_86] : memref<128x128xf32, #tpu.memory_space<vmem>> -> memref<128x128xf32, #tpu.memory_space<vmem>>
      %dma_start3A_88 = arith.constant 0 : i32
      %dma_start3A_89 = arith.constant 0 : i32
      %dma_start3A_90 = tpu.memref_slice %arg3[%dma_start3A_88, %dma_start3A_89] : memref<632x128xf32, #tpu.memory_space<hbm>> -> memref<128x128xf32, #tpu.memory_space<hbm>>
      tpu.enqueue_dma source(%dma_start3A_90 : memref<128x128xf32, #tpu.memory_space<hbm>>) target(%dma_start3A_87 : memref<128x128xf32, #tpu.memory_space<vmem>>) target_semaphore(%run_scoped3A : memref<!tpu.dma_semaphore, #tpu.memory_space<semaphore_mem>>)
      %dma_wait3A_91 = arith.constant 0 : i32
      %dma_wait3A_92 = arith.constant 0 : i32
      %dma_wait3A_93 = tpu.memref_slice %arg10[%dma_wait3A_91, %dma_wait3A_92] : memref<128x128xf32, #tpu.memory_space<vmem>> -> memref<128x128xf32, #tpu.memory_space<vmem>>
      %dma_wait3A_94 = arith.constant 0 : i32
      %dma_wait3A_95 = arith.constant 0 : i32
      %dma_wait3A_96 = tpu.memref_slice %arg3[%dma_wait3A_94, %dma_wait3A_95] : memref<632x128xf32, #tpu.memory_space<hbm>> -> memref<128x128xf32, #tpu.memory_space<hbm>>
      %dma_wait3A_97 = arith.constant 0 : i32
      %dma_wait3A_98 = arith.constant 0 : i32
      %dma_wait3A_99 = tpu.memref_slice %arg10[%dma_wait3A_97, %dma_wait3A_98] : memref<128x128xf32, #tpu.memory_space<vmem>> -> memref<128x128xf32, #tpu.memory_space<vmem>>
      %dma_wait3A_100 = arith.constant 0 : i32
      %dma_wait3A_101 = arith.constant 0 : i32
      %dma_wait3A_102 = tpu.memref_slice %arg3[%dma_wait3A_100, %dma_wait3A_101] : memref<632x128xf32, #tpu.memory_space<hbm>> -> memref<128x128xf32, #tpu.memory_space<hbm>>
      tpu.wait_dma2 semaphore(%run_scoped3A : memref<!tpu.dma_semaphore, #tpu.memory_space<semaphore_mem>>) src(%dma_wait3A_102 : memref<128x128xf32, #tpu.memory_space<hbm>>) dst(%dma_wait3A_99 : memref<128x128xf32, #tpu.memory_space<vmem>>)
      tpu.yield
    }) : () -> ()
    %mul3A_9 = arith.constant 632 : i32
    %mul3A_10 = arith.muli %arg1, %mul3A_9 : i32
    %add3A_11 = arith.constant 256 : i32
    %add3A_12 = arith.addi %mul3A_10, %add3A_11 : i32
    "tpu.region"() ({
      %run_scoped3A = tpu.sem_alloc : memref<!tpu.dma_semaphore, #tpu.memory_space<semaphore_mem>>
      %dma_start3A_79 = arith.constant 0 : i32
      %dma_start3A_80 = arith.constant 0 : i32
      %dma_start3A_81 = tpu.memref_slice %arg10[%dma_start3A_79, %dma_start3A_80] : memref<128x128xf32, #tpu.memory_space<vmem>> -> memref<128x128xf32, #tpu.memory_space<vmem>>
      %dma_start3A_82 = arith.constant 0 : i32
      %dma_start3A_83 = tpu.memref_slice %arg13[%add3A_12, %dma_start3A_82] : memref<10112x128xf32, #tpu.memory_space<vmem_shared>> -> memref<128x128xf32, #tpu.memory_space<vmem_shared>>
      %dma_start3A_84 = arith.constant 0 : i32
      %dma_start3A_85 = tpu.memref_slice %arg13[%add3A_12, %dma_start3A_84] : memref<10112x128xf32, #tpu.memory_space<vmem_shared>> -> memref<128x128xf32, #tpu.memory_space<vmem_shared>>
      %dma_start3A_86 = arith.constant 0 : i32
      %dma_start3A_87 = arith.constant 0 : i32
      %dma_start3A_88 = tpu.memref_slice %arg10[%dma_start3A_86, %dma_start3A_87] : memref<128x128xf32, #tpu.memory_space<vmem>> -> memref<128x128xf32, #tpu.memory_space<vmem>>
      tpu.enqueue_dma source(%dma_start3A_88 : memref<128x128xf32, #tpu.memory_space<vmem>>) target(%dma_start3A_85 : memref<128x128xf32, #tpu.memory_space<vmem_shared>>) target_semaphore(%run_scoped3A : memref<!tpu.dma_semaphore, #tpu.memory_space<semaphore_mem>>)
      %dma_wait3A_89 = arith.constant 0 : i32
      %dma_wait3A_90 = arith.constant 0 : i32
      %dma_wait3A_91 = tpu.memref_slice %arg10[%dma_wait3A_89, %dma_wait3A_90] : memref<128x128xf32, #tpu.memory_space<vmem>> -> memref<128x128xf32, #tpu.memory_space<vmem>>
      %dma_wait3A_92 = arith.constant 0 : i32
      %dma_wait3A_93 = tpu.memref_slice %arg13[%add3A_12, %dma_wait3A_92] : memref<10112x128xf32, #tpu.memory_space<vmem_shared>> -> memref<128x128xf32, #tpu.memory_space<vmem_shared>>
      %dma_wait3A_94 = arith.constant 0 : i32
      %dma_wait3A_95 = tpu.memref_slice %arg13[%add3A_12, %dma_wait3A_94] : memref<10112x128xf32, #tpu.memory_space<vmem_shared>> -> memref<128x128xf32, #tpu.memory_space<vmem_shared>>
      %dma_wait3A_96 = arith.constant 0 : i32
      %dma_wait3A_97 = arith.constant 0 : i32
      %dma_wait3A_98 = tpu.memref_slice %arg10[%dma_wait3A_96, %dma_wait3A_97] : memref<128x128xf32, #tpu.memory_space<vmem>> -> memref<128x128xf32, #tpu.memory_space<vmem>>
      tpu.wait_dma2 semaphore(%run_scoped3A : memref<!tpu.dma_semaphore, #tpu.memory_space<semaphore_mem>>) src(%dma_wait3A_98 : memref<128x128xf32, #tpu.memory_space<vmem>>) dst(%dma_wait3A_95 : memref<128x128xf32, #tpu.memory_space<vmem_shared>>)
      tpu.yield
    }) : () -> ()
    "tpu.region"() ({
      %run_scoped3A = tpu.sem_alloc : memref<!tpu.dma_semaphore, #tpu.memory_space<semaphore_mem>>
      %dma_start3A_79 = arith.constant 0 : i32
      %dma_start3A_80 = arith.constant 0 : i32
      %dma_start3A_81 = tpu.memref_slice %arg11[%dma_start3A_79, %dma_start3A_80] : memref<128x128xf32, #tpu.memory_space<vmem>> -> memref<128x128xf32, #tpu.memory_space<vmem>>
      %dma_start3A_82 = arith.constant 0 : i32
      %dma_start3A_83 = arith.constant 0 : i32
      %dma_start3A_84 = tpu.memref_slice %arg3[%dma_start3A_82, %dma_start3A_83] : memref<632x128xf32, #tpu.memory_space<hbm>> -> memref<128x128xf32, #tpu.memory_space<hbm>>
      %dma_start3A_85 = arith.constant 0 : i32
      %dma_start3A_86 = arith.constant 0 : i32
      %dma_start3A_87 = tpu.memref_slice %arg11[%dma_start3A_85, %dma_start3A_86] : memref<128x128xf32, #tpu.memory_space<vmem>> -> memref<128x128xf32, #tpu.memory_space<vmem>>
      %dma_start3A_88 = arith.constant 0 : i32
      %dma_start3A_89 = arith.constant 0 : i32
      %dma_start3A_90 = tpu.memref_slice %arg3[%dma_start3A_88, %dma_start3A_89] : memref<632x128xf32, #tpu.memory_space<hbm>> -> memref<128x128xf32, #tpu.memory_space<hbm>>
      tpu.enqueue_dma source(%dma_start3A_90 : memref<128x128xf32, #tpu.memory_space<hbm>>) target(%dma_start3A_87 : memref<128x128xf32, #tpu.memory_space<vmem>>) target_semaphore(%run_scoped3A : memref<!tpu.dma_semaphore, #tpu.memory_space<semaphore_mem>>)
      %dma_wait3A_91 = arith.constant 0 : i32
      %dma_wait3A_92 = arith.constant 0 : i32
      %dma_wait3A_93 = tpu.memref_slice %arg11[%dma_wait3A_91, %dma_wait3A_92] : memref<128x128xf32, #tpu.memory_space<vmem>> -> memref<128x128xf32, #tpu.memory_space<vmem>>
      %dma_wait3A_94 = arith.constant 0 : i32
      %dma_wait3A_95 = arith.constant 0 : i32
      %dma_wait3A_96 = tpu.memref_slice %arg3[%dma_wait3A_94, %dma_wait3A_95] : memref<632x128xf32, #tpu.memory_space<hbm>> -> memref<128x128xf32, #tpu.memory_space<hbm>>
      %dma_wait3A_97 = arith.constant 0 : i32
      %dma_wait3A_98 = arith.constant 0 : i32
      %dma_wait3A_99 = tpu.memref_slice %arg11[%dma_wait3A_97, %dma_wait3A_98] : memref<128x128xf32, #tpu.memory_space<vmem>> -> memref<128x128xf32, #tpu.memory_space<vmem>>
      %dma_wait3A_100 = arith.constant 0 : i32
      %dma_wait3A_101 = arith.constant 0 : i32
      %dma_wait3A_102 = tpu.memref_slice %arg3[%dma_wait3A_100, %dma_wait3A_101] : memref<632x128xf32, #tpu.memory_space<hbm>> -> memref<128x128xf32, #tpu.memory_space<hbm>>
      tpu.wait_dma2 semaphore(%run_scoped3A : memref<!tpu.dma_semaphore, #tpu.memory_space<semaphore_mem>>) src(%dma_wait3A_102 : memref<128x128xf32, #tpu.memory_space<hbm>>) dst(%dma_wait3A_99 : memref<128x128xf32, #tpu.memory_space<vmem>>)
      tpu.yield
    }) : () -> ()
    %mul3A_13 = arith.constant 632 : i32
    %mul3A_14 = arith.muli %arg1, %mul3A_13 : i32
    %add3A_15 = arith.constant 384 : i32
    %add3A_16 = arith.addi %mul3A_14, %add3A_15 : i32
    "tpu.region"() ({
      %run_scoped3A = tpu.sem_alloc : memref<!tpu.dma_semaphore, #tpu.memory_space<semaphore_mem>>
      %dma_start3A_79 = arith.constant 0 : i32
      %dma_start3A_80 = arith.constant 0 : i32
      %dma_start3A_81 = tpu.memref_slice %arg11[%dma_start3A_79, %dma_start3A_80] : memref<128x128xf32, #tpu.memory_space<vmem>> -> memref<128x128xf32, #tpu.memory_space<vmem>>
      %dma_start3A_82 = arith.constant 0 : i32
      %dma_start3A_83 = tpu.memref_slice %arg13[%add3A_16, %dma_start3A_82] : memref<10112x128xf32, #tpu.memory_space<vmem_shared>> -> memref<128x128xf32, #tpu.memory_space<vmem_shared>>
      %dma_start3A_84 = arith.constant 0 : i32
      %dma_start3A_85 = tpu.memref_slice %arg13[%add3A_16, %dma_start3A_84] : memref<10112x128xf32, #tpu.memory_space<vmem_shared>> -> memref<128x128xf32, #tpu.memory_space<vmem_shared>>
      %dma_start3A_86 = arith.constant 0 : i32
      %dma_start3A_87 = arith.constant 0 : i32
      %dma_start3A_88 = tpu.memref_slice %arg11[%dma_start3A_86, %dma_start3A_87] : memref<128x128xf32, #tpu.memory_space<vmem>> -> memref<128x128xf32, #tpu.memory_space<vmem>>
      tpu.enqueue_dma source(%dma_start3A_88 : memref<128x128xf32, #tpu.memory_space<vmem>>) target(%dma_start3A_85 : memref<128x128xf32, #tpu.memory_space<vmem_shared>>) target_semaphore(%run_scoped3A : memref<!tpu.dma_semaphore, #tpu.memory_space<semaphore_mem>>)
      %dma_wait3A_89 = arith.constant 0 : i32
      %dma_wait3A_90 = arith.constant 0 : i32
      %dma_wait3A_91 = tpu.memref_slice %arg11[%dma_wait3A_89, %dma_wait3A_90] : memref<128x128xf32, #tpu.memory_space<vmem>> -> memref<128x128xf32, #tpu.memory_space<vmem>>
      %dma_wait3A_92 = arith.constant 0 : i32
      %dma_wait3A_93 = tpu.memref_slice %arg13[%add3A_16, %dma_wait3A_92] : memref<10112x128xf32, #tpu.memory_space<vmem_shared>> -> memref<128x128xf32, #tpu.memory_space<vmem_shared>>
      %dma_wait3A_94 = arith.constant 0 : i32
      %dma_wait3A_95 = tpu.memref_slice %arg13[%add3A_16, %dma_wait3A_94] : memref<10112x128xf32, #tpu.memory_space<vmem_shared>> -> memref<128x128xf32, #tpu.memory_space<vmem_shared>>
      %dma_wait3A_96 = arith.constant 0 : i32
      %dma_wait3A_97 = arith.constant 0 : i32
      %dma_wait3A_98 = tpu.memref_slice %arg11[%dma_wait3A_96, %dma_wait3A_97] : memref<128x128xf32, #tpu.memory_space<vmem>> -> memref<128x128xf32, #tpu.memory_space<vmem>>
      tpu.wait_dma2 semaphore(%run_scoped3A : memref<!tpu.dma_semaphore, #tpu.memory_space<semaphore_mem>>) src(%dma_wait3A_98 : memref<128x128xf32, #tpu.memory_space<vmem>>) dst(%dma_wait3A_95 : memref<128x128xf32, #tpu.memory_space<vmem_shared>>)
      tpu.yield
    }) : () -> ()
    "tpu.region"() ({
      %run_scoped3A = tpu.sem_alloc : memref<!tpu.dma_semaphore, #tpu.memory_space<semaphore_mem>>
      %dma_start3A_79 = arith.constant 0 : i32
      %dma_start3A_80 = arith.constant 0 : i32
      %dma_start3A_81 = tpu.memref_slice %arg10[%dma_start3A_79, %dma_start3A_80] : memref<128x128xf32, #tpu.memory_space<vmem>> -> memref<120x128xf32, #tpu.memory_space<vmem>>
      %dma_start3A_82 = arith.constant 0 : i32
      %dma_start3A_83 = arith.constant 0 : i32
      %dma_start3A_84 = tpu.memref_slice %arg3[%dma_start3A_82, %dma_start3A_83] : memref<632x128xf32, #tpu.memory_space<hbm>> -> memref<120x128xf32, #tpu.memory_space<hbm>>
      %dma_start3A_85 = arith.constant 0 : i32
      %dma_start3A_86 = arith.constant 0 : i32
      %dma_start3A_87 = tpu.memref_slice %arg10[%dma_start3A_85, %dma_start3A_86] : memref<128x128xf32, #tpu.memory_space<vmem>> -> memref<120x128xf32, #tpu.memory_space<vmem>>
      %dma_start3A_88 = arith.constant 0 : i32
      %dma_start3A_89 = arith.constant 0 : i32
      %dma_start3A_90 = tpu.memref_slice %arg3[%dma_start3A_88, %dma_start3A_89] : memref<632x128xf32, #tpu.memory_space<hbm>> -> memref<120x128xf32, #tpu.memory_space<hbm>>
      tpu.enqueue_dma source(%dma_start3A_90 : memref<120x128xf32, #tpu.memory_space<hbm>>) target(%dma_start3A_87 : memref<120x128xf32, #tpu.memory_space<vmem>>) target_semaphore(%run_scoped3A : memref<!tpu.dma_semaphore, #tpu.memory_space<semaphore_mem>>)
      %dma_wait3A_91 = arith.constant 0 : i32
      %dma_wait3A_92 = arith.constant 0 : i32
      %dma_wait3A_93 = tpu.memref_slice %arg10[%dma_wait3A_91, %dma_wait3A_92] : memref<128x128xf32, #tpu.memory_space<vmem>> -> memref<120x128xf32, #tpu.memory_space<vmem>>
      %dma_wait3A_94 = arith.constant 0 : i32
      %dma_wait3A_95 = arith.constant 0 : i32
      %dma_wait3A_96 = tpu.memref_slice %arg3[%dma_wait3A_94, %dma_wait3A_95] : memref<632x128xf32, #tpu.memory_space<hbm>> -> memref<120x128xf32, #tpu.memory_space<hbm>>
      %dma_wait3A_97 = arith.constant 0 : i32
      %dma_wait3A_98 = arith.constant 0 : i32
      %dma_wait3A_99 = tpu.memref_slice %arg10[%dma_wait3A_97, %dma_wait3A_98] : memref<128x128xf32, #tpu.memory_space<vmem>> -> memref<120x128xf32, #tpu.memory_space<vmem>>
      %dma_wait3A_100 = arith.constant 0 : i32
      %dma_wait3A_101 = arith.constant 0 : i32
      %dma_wait3A_102 = tpu.memref_slice %arg3[%dma_wait3A_100, %dma_wait3A_101] : memref<632x128xf32, #tpu.memory_space<hbm>> -> memref<120x128xf32, #tpu.memory_space<hbm>>
      tpu.wait_dma2 semaphore(%run_scoped3A : memref<!tpu.dma_semaphore, #tpu.memory_space<semaphore_mem>>) src(%dma_wait3A_102 : memref<120x128xf32, #tpu.memory_space<hbm>>) dst(%dma_wait3A_99 : memref<120x128xf32, #tpu.memory_space<vmem>>)
      tpu.yield
    }) : () -> ()
    %mul3A_17 = arith.constant 632 : i32
    %mul3A_18 = arith.muli %arg1, %mul3A_17 : i32
    %add3A_19 = arith.constant 512 : i32
    %add3A_20 = arith.addi %mul3A_18, %add3A_19 : i32
    "tpu.region"() ({
      %run_scoped3A = tpu.sem_alloc : memref<!tpu.dma_semaphore, #tpu.memory_space<semaphore_mem>>
      %dma_start3A_79 = arith.constant 0 : i32
      %dma_start3A_80 = arith.constant 0 : i32
      %dma_start3A_81 = tpu.memref_slice %arg10[%dma_start3A_79, %dma_start3A_80] : memref<128x128xf32, #tpu.memory_space<vmem>> -> memref<120x128xf32, #tpu.memory_space<vmem>>
      %dma_start3A_82 = arith.constant 0 : i32
      %dma_start3A_83 = tpu.memref_slice %arg13[%add3A_20, %dma_start3A_82] : memref<10112x128xf32, #tpu.memory_space<vmem_shared>> -> memref<120x128xf32, #tpu.memory_space<vmem_shared>>
      %dma_start3A_84 = arith.constant 0 : i32
      %dma_start3A_85 = tpu.memref_slice %arg13[%add3A_20, %dma_start3A_84] : memref<10112x128xf32, #tpu.memory_space<vmem_shared>> -> memref<120x128xf32, #tpu.memory_space<vmem_shared>>
      %dma_start3A_86 = arith.constant 0 : i32
      %dma_start3A_87 = arith.constant 0 : i32
      %dma_start3A_88 = tpu.memref_slice %arg10[%dma_start3A_86, %dma_start3A_87] : memref<128x128xf32, #tpu.memory_space<vmem>> -> memref<120x128xf32, #tpu.memory_space<vmem>>
      tpu.enqueue_dma source(%dma_start3A_88 : memref<120x128xf32, #tpu.memory_space<vmem>>) target(%dma_start3A_85 : memref<120x128xf32, #tpu.memory_space<vmem_shared>>) target_semaphore(%run_scoped3A : memref<!tpu.dma_semaphore, #tpu.memory_space<semaphore_mem>>)
      %dma_wait3A_89 = arith.constant 0 : i32
      %dma_wait3A_90 = arith.constant 0 : i32
      %dma_wait3A_91 = tpu.memref_slice %arg10[%dma_wait3A_89, %dma_wait3A_90] : memref<128x128xf32, #tpu.memory_space<vmem>> -> memref<120x128xf32, #tpu.memory_space<vmem>>
      %dma_wait3A_92 = arith.constant 0 : i32
      %dma_wait3A_93 = tpu.memref_slice %arg13[%add3A_20, %dma_wait3A_92] : memref<10112x128xf32, #tpu.memory_space<vmem_shared>> -> memref<120x128xf32, #tpu.memory_space<vmem_shared>>
      %dma_wait3A_94 = arith.constant 0 : i32
      %dma_wait3A_95 = tpu.memref_slice %arg13[%add3A_20, %dma_wait3A_94] : memref<10112x128xf32, #tpu.memory_space<vmem_shared>> -> memref<120x128xf32, #tpu.memory_space<vmem_shared>>
      %dma_wait3A_96 = arith.constant 0 : i32
      %dma_wait3A_97 = arith.constant 0 : i32
      %dma_wait3A_98 = tpu.memref_slice %arg10[%dma_wait3A_96, %dma_wait3A_97] : memref<128x128xf32, #tpu.memory_space<vmem>> -> memref<120x128xf32, #tpu.memory_space<vmem>>
      tpu.wait_dma2 semaphore(%run_scoped3A : memref<!tpu.dma_semaphore, #tpu.memory_space<semaphore_mem>>) src(%dma_wait3A_98 : memref<120x128xf32, #tpu.memory_space<vmem>>) dst(%dma_wait3A_95 : memref<120x128xf32, #tpu.memory_space<vmem_shared>>)
      tpu.yield
    }) : () -> ()
    %barrier3A = arith.constant 0 : index
    tpu.barrier barrier_id(%barrier3A)
    "tpu.region"() ({
      %run_scoped3A = tpu.sem_alloc : memref<!tpu.dma_semaphore, #tpu.memory_space<semaphore_mem>>
      %dma_start3A_79 = arith.constant 0 : i32
      %dma_start3A_80 = arith.constant 0 : i32
      %dma_start3A_81 = tpu.memref_slice %arg5[%add3A, %dma_start3A_79, %dma_start3A_80] : memref<32x80x128xi32, #tpu.memory_space<hbm>> -> memref<1x40x128xi32, #tpu.memory_space<hbm>>
      %dma_start3A_82 = tpu.memref_squeeze %dma_start3A_81 : memref<1x40x128xi32, #tpu.memory_space<hbm>> -> memref<40x128xi32, #tpu.memory_space<hbm>>
      %dma_start3A_83 = arith.constant 0 : i32
      %dma_start3A_84 = arith.constant 0 : i32
      %dma_start3A_85 = tpu.memref_slice %arg5[%add3A, %dma_start3A_83, %dma_start3A_84] : memref<32x80x128xi32, #tpu.memory_space<hbm>> -> memref<1x40x128xi32, #tpu.memory_space<hbm>>
      %dma_start3A_86 = tpu.memref_squeeze %dma_start3A_85 : memref<1x40x128xi32, #tpu.memory_space<hbm>> -> memref<40x128xi32, #tpu.memory_space<hbm>>
      tpu.enqueue_dma source(%dma_start3A_86 : memref<40x128xi32, #tpu.memory_space<hbm>>) target(%arg8 : memref<40x128xi32, #tpu.memory_space<vmem>>) target_semaphore(%run_scoped3A : memref<!tpu.dma_semaphore, #tpu.memory_space<semaphore_mem>>)
      %dma_wait3A_87 = arith.constant 0 : i32
      %dma_wait3A_88 = arith.constant 0 : i32
      %dma_wait3A_89 = tpu.memref_slice %arg5[%add3A, %dma_wait3A_87, %dma_wait3A_88] : memref<32x80x128xi32, #tpu.memory_space<hbm>> -> memref<1x40x128xi32, #tpu.memory_space<hbm>>
      %dma_wait3A_90 = tpu.memref_squeeze %dma_wait3A_89 : memref<1x40x128xi32, #tpu.memory_space<hbm>> -> memref<40x128xi32, #tpu.memory_space<hbm>>
      %dma_wait3A_91 = arith.constant 0 : i32
      %dma_wait3A_92 = arith.constant 0 : i32
      %dma_wait3A_93 = tpu.memref_slice %arg5[%add3A, %dma_wait3A_91, %dma_wait3A_92] : memref<32x80x128xi32, #tpu.memory_space<hbm>> -> memref<1x40x128xi32, #tpu.memory_space<hbm>>
      %dma_wait3A_94 = tpu.memref_squeeze %dma_wait3A_93 : memref<1x40x128xi32, #tpu.memory_space<hbm>> -> memref<40x128xi32, #tpu.memory_space<hbm>>
      tpu.wait_dma2 semaphore(%run_scoped3A : memref<!tpu.dma_semaphore, #tpu.memory_space<semaphore_mem>>) src(%dma_wait3A_94 : memref<40x128xi32, #tpu.memory_space<hbm>>) dst(%arg8 : memref<40x128xi32, #tpu.memory_space<vmem>>)
      tpu.yield
    }) : () -> ()
    "tpu.region"() ({
      %run_scoped3A = tpu.sem_alloc : memref<!tpu.dma_semaphore, #tpu.memory_space<semaphore_mem>>
      %dma_start3A_79 = arith.constant 0 : i32
      %dma_start3A_80 = arith.constant 0 : i32
      %dma_start3A_81 = tpu.memref_slice %arg6[%add3A, %dma_start3A_79, %dma_start3A_80] : memref<32x80x128xi32, #tpu.memory_space<hbm>> -> memref<1x40x128xi32, #tpu.memory_space<hbm>>
      %dma_start3A_82 = tpu.memref_squeeze %dma_start3A_81 : memref<1x40x128xi32, #tpu.memory_space<hbm>> -> memref<40x128xi32, #tpu.memory_space<hbm>>
      %dma_start3A_83 = arith.constant 0 : i32
      %dma_start3A_84 = arith.constant 0 : i32
      %dma_start3A_85 = tpu.memref_slice %arg6[%add3A, %dma_start3A_83, %dma_start3A_84] : memref<32x80x128xi32, #tpu.memory_space<hbm>> -> memref<1x40x128xi32, #tpu.memory_space<hbm>>
      %dma_start3A_86 = tpu.memref_squeeze %dma_start3A_85 : memref<1x40x128xi32, #tpu.memory_space<hbm>> -> memref<40x128xi32, #tpu.memory_space<hbm>>
      tpu.enqueue_dma source(%dma_start3A_86 : memref<40x128xi32, #tpu.memory_space<hbm>>) target(%arg9 : memref<40x128xi32, #tpu.memory_space<vmem>>) target_semaphore(%run_scoped3A : memref<!tpu.dma_semaphore, #tpu.memory_space<semaphore_mem>>)
      %dma_wait3A_87 = arith.constant 0 : i32
      %dma_wait3A_88 = arith.constant 0 : i32
      %dma_wait3A_89 = tpu.memref_slice %arg6[%add3A, %dma_wait3A_87, %dma_wait3A_88] : memref<32x80x128xi32, #tpu.memory_space<hbm>> -> memref<1x40x128xi32, #tpu.memory_space<hbm>>
      %dma_wait3A_90 = tpu.memref_squeeze %dma_wait3A_89 : memref<1x40x128xi32, #tpu.memory_space<hbm>> -> memref<40x128xi32, #tpu.memory_space<hbm>>
      %dma_wait3A_91 = arith.constant 0 : i32
      %dma_wait3A_92 = arith.constant 0 : i32
      %dma_wait3A_93 = tpu.memref_slice %arg6[%add3A, %dma_wait3A_91, %dma_wait3A_92] : memref<32x80x128xi32, #tpu.memory_space<hbm>> -> memref<1x40x128xi32, #tpu.memory_space<hbm>>
      %dma_wait3A_94 = tpu.memref_squeeze %dma_wait3A_93 : memref<1x40x128xi32, #tpu.memory_space<hbm>> -> memref<40x128xi32, #tpu.memory_space<hbm>>
      tpu.wait_dma2 semaphore(%run_scoped3A : memref<!tpu.dma_semaphore, #tpu.memory_space<semaphore_mem>>) src(%dma_wait3A_94 : memref<40x128xi32, #tpu.memory_space<hbm>>) dst(%arg9 : memref<40x128xi32, #tpu.memory_space<vmem>>)
      tpu.yield
    }) : () -> ()
    %dma_start3A = arith.constant 0 : i32
    %dma_start3A_21 = arith.constant 0 : i32
    %dma_start3A_22 = tpu.memref_slice %arg8[%dma_start3A, %dma_start3A_21] : memref<40x128xi32, #tpu.memory_space<vmem>> -> memref<1x128xi32, #tpu.memory_space<vmem>>
    %dma_start3A_23 = tpu.memref_squeeze %dma_start3A_22 : memref<1x128xi32, #tpu.memory_space<vmem>> -> memref<128xi32, #tpu.memory_space<vmem>>
    %dma_start3A_24 = arith.constant 0 : i32
    %dma_start3A_25 = arith.constant 0 : i32
    %dma_start3A_26 = tpu.memref_slice %arg2[%dma_start3A_24, %dma_start3A_25] : memref<10000x128xf32, #tpu.memory_space<hbm>> -> memref<10000x128xf32, #tpu.memory_space<hbm>>
    tpu.enqueue_indirect_dma source(%dma_start3A_26 : memref<10000x128xf32, #tpu.memory_space<hbm>>) target(%arg10 : memref<128x128xf32, #tpu.memory_space<vmem>>) offsets(%dma_start3A_23 : memref<128xi32, #tpu.memory_space<vmem>>) semaphore(%arg15 : memref<!tpu.dma_semaphore, #tpu.memory_space<semaphore_mem>>)
    %scan3A = arith.constant 0 : i32
    %scan3A_27 = arith.constant 0 : i32
    %scan3A_28 = arith.constant 20 : i32
    %scan3A_29 = arith.addi %scan3A_27, %scan3A_28 : i32
    %scan3A_30 = arith.constant 1 : i32
    scf.for %scan3A_79 = %scan3A_27 to %scan3A_29 step %scan3A_30  : i32 {
      %mul3A_80 = arith.constant 2 : i32
      %mul3A_81 = arith.muli %mul3A_80, %scan3A_79 : i32
      %gt3A = arith.constant 0 : i32
      %gt3A_82 = arith.cmpi sgt, %scan3A_79, %gt3A : i32
      %convert_element_type3A = arith.extui %gt3A_82 : i1 to i32
      %cond3A = arith.constant 0 : i32
      %cond3A_83 = arith.cmpi ne, %convert_element_type3A, %cond3A : i32
      scf.if %cond3A_83 {
        %dma_wait3A_131 = arith.constant 0 : i32
        %dma_wait3A_132 = arith.constant 0 : i32
        %dma_wait3A_133 = tpu.memref_slice %arg9[%dma_wait3A_131, %dma_wait3A_132] : memref<40x128xi32, #tpu.memory_space<vmem>> -> memref<1x128xi32, #tpu.memory_space<vmem>>
        %dma_wait3A_134 = tpu.memref_squeeze %dma_wait3A_133 : memref<1x128xi32, #tpu.memory_space<vmem>> -> memref<128xi32, #tpu.memory_space<vmem>>
        %dma_wait3A_135 = arith.constant 0 : i32
        %dma_wait3A_136 = arith.constant 0 : i32
        %dma_wait3A_137 = tpu.memref_slice %arg13[%dma_wait3A_135, %dma_wait3A_136] : memref<10112x128xf32, #tpu.memory_space<vmem_shared>> -> memref<10112x128xf32, #tpu.memory_space<vmem_shared>>
        tpu.wait_indirect_dma semaphore(%arg18 : memref<!tpu.dma_semaphore, #tpu.memory_space<semaphore_mem>>) src(%arg11 : memref<128x128xf32, #tpu.memory_space<vmem>>) dst(%dma_wait3A_137 : memref<10112x128xf32, #tpu.memory_space<vmem_shared>>)
      } else {
      }
      %add3A_84 = arith.constant 1 : i32
      %add3A_85 = arith.addi %mul3A_81, %add3A_84 : i32
      %dma_start3A_86 = arith.constant 0 : i32
      %dma_start3A_87 = tpu.memref_slice %arg8[%add3A_85, %dma_start3A_86] : memref<40x128xi32, #tpu.memory_space<vmem>> -> memref<1x128xi32, #tpu.memory_space<vmem>>
      %dma_start3A_88 = tpu.memref_squeeze %dma_start3A_87 : memref<1x128xi32, #tpu.memory_space<vmem>> -> memref<128xi32, #tpu.memory_space<vmem>>
      %dma_start3A_89 = arith.constant 0 : i32
      %dma_start3A_90 = arith.constant 0 : i32
      %dma_start3A_91 = tpu.memref_slice %arg2[%dma_start3A_89, %dma_start3A_90] : memref<10000x128xf32, #tpu.memory_space<hbm>> -> memref<10000x128xf32, #tpu.memory_space<hbm>>
      tpu.enqueue_indirect_dma source(%dma_start3A_91 : memref<10000x128xf32, #tpu.memory_space<hbm>>) target(%arg11 : memref<128x128xf32, #tpu.memory_space<vmem>>) offsets(%dma_start3A_88 : memref<128xi32, #tpu.memory_space<vmem>>) semaphore(%arg16 : memref<!tpu.dma_semaphore, #tpu.memory_space<semaphore_mem>>)
      %dma_wait3A_92 = arith.constant 0 : i32
      %dma_wait3A_93 = arith.constant 0 : i32
      %dma_wait3A_94 = tpu.memref_slice %arg8[%dma_wait3A_92, %dma_wait3A_93] : memref<40x128xi32, #tpu.memory_space<vmem>> -> memref<1x128xi32, #tpu.memory_space<vmem>>
      %dma_wait3A_95 = tpu.memref_squeeze %dma_wait3A_94 : memref<1x128xi32, #tpu.memory_space<vmem>> -> memref<128xi32, #tpu.memory_space<vmem>>
      %dma_wait3A_96 = arith.constant 0 : i32
      %dma_wait3A_97 = arith.constant 0 : i32
      %dma_wait3A_98 = tpu.memref_slice %arg2[%dma_wait3A_96, %dma_wait3A_97] : memref<10000x128xf32, #tpu.memory_space<hbm>> -> memref<10000x128xf32, #tpu.memory_space<hbm>>
      tpu.wait_indirect_dma semaphore(%arg15 : memref<!tpu.dma_semaphore, #tpu.memory_space<semaphore_mem>>) src(%dma_wait3A_98 : memref<10000x128xf32, #tpu.memory_space<hbm>>) dst(%arg10 : memref<128x128xf32, #tpu.memory_space<vmem>>)
      %dma_start3A_99 = arith.constant 0 : i32
      %dma_start3A_100 = tpu.memref_slice %arg9[%mul3A_81, %dma_start3A_99] : memref<40x128xi32, #tpu.memory_space<vmem>> -> memref<1x128xi32, #tpu.memory_space<vmem>>
      %dma_start3A_101 = tpu.memref_squeeze %dma_start3A_100 : memref<1x128xi32, #tpu.memory_space<vmem>> -> memref<128xi32, #tpu.memory_space<vmem>>
      %dma_start3A_102 = arith.constant 0 : i32
      %dma_start3A_103 = arith.constant 0 : i32
      %dma_start3A_104 = tpu.memref_slice %arg13[%dma_start3A_102, %dma_start3A_103] : memref<10112x128xf32, #tpu.memory_space<vmem_shared>> -> memref<10112x128xf32, #tpu.memory_space<vmem_shared>>
      tpu.enqueue_indirect_dma source(%arg10 : memref<128x128xf32, #tpu.memory_space<vmem>>) target(%dma_start3A_104 : memref<10112x128xf32, #tpu.memory_space<vmem_shared>>) offsets(%dma_start3A_101 : memref<128xi32, #tpu.memory_space<vmem>>) semaphore(%arg17 : memref<!tpu.dma_semaphore, #tpu.memory_space<semaphore_mem>>) {add = true}
      %dma_wait3A_105 = arith.constant 0 : i32
      %dma_wait3A_106 = arith.constant 0 : i32
      %dma_wait3A_107 = tpu.memref_slice %arg8[%dma_wait3A_105, %dma_wait3A_106] : memref<40x128xi32, #tpu.memory_space<vmem>> -> memref<1x128xi32, #tpu.memory_space<vmem>>
      %dma_wait3A_108 = tpu.memref_squeeze %dma_wait3A_107 : memref<1x128xi32, #tpu.memory_space<vmem>> -> memref<128xi32, #tpu.memory_space<vmem>>
      %dma_wait3A_109 = arith.constant 0 : i32
      %dma_wait3A_110 = arith.constant 0 : i32
      %dma_wait3A_111 = tpu.memref_slice %arg2[%dma_wait3A_109, %dma_wait3A_110] : memref<10000x128xf32, #tpu.memory_space<hbm>> -> memref<10000x128xf32, #tpu.memory_space<hbm>>
      tpu.wait_indirect_dma semaphore(%arg16 : memref<!tpu.dma_semaphore, #tpu.memory_space<semaphore_mem>>) src(%dma_wait3A_111 : memref<10000x128xf32, #tpu.memory_space<hbm>>) dst(%arg11 : memref<128x128xf32, #tpu.memory_space<vmem>>)
      %add3A_112 = arith.constant 1 : i32
      %add3A_113 = arith.addi %mul3A_81, %add3A_112 : i32
      %dma_start3A_114 = arith.constant 0 : i32
      %dma_start3A_115 = tpu.memref_slice %arg9[%add3A_113, %dma_start3A_114] : memref<40x128xi32, #tpu.memory_space<vmem>> -> memref<1x128xi32, #tpu.memory_space<vmem>>
      %dma_start3A_116 = tpu.memref_squeeze %dma_start3A_115 : memref<1x128xi32, #tpu.memory_space<vmem>> -> memref<128xi32, #tpu.memory_space<vmem>>
      %dma_start3A_117 = arith.constant 0 : i32
      %dma_start3A_118 = arith.constant 0 : i32
      %dma_start3A_119 = tpu.memref_slice %arg13[%dma_start3A_117, %dma_start3A_118] : memref<10112x128xf32, #tpu.memory_space<vmem_shared>> -> memref<10112x128xf32, #tpu.memory_space<vmem_shared>>
      tpu.enqueue_indirect_dma source(%arg11 : memref<128x128xf32, #tpu.memory_space<vmem>>) target(%dma_start3A_119 : memref<10112x128xf32, #tpu.memory_space<vmem_shared>>) offsets(%dma_start3A_116 : memref<128xi32, #tpu.memory_space<vmem>>) semaphore(%arg18 : memref<!tpu.dma_semaphore, #tpu.memory_space<semaphore_mem>>) {add = true}
      %dma_wait3A_120 = arith.constant 0 : i32
      %dma_wait3A_121 = arith.constant 0 : i32
      %dma_wait3A_122 = tpu.memref_slice %arg9[%dma_wait3A_120, %dma_wait3A_121] : memref<40x128xi32, #tpu.memory_space<vmem>> -> memref<1x128xi32, #tpu.memory_space<vmem>>
      %dma_wait3A_123 = tpu.memref_squeeze %dma_wait3A_122 : memref<1x128xi32, #tpu.memory_space<vmem>> -> memref<128xi32, #tpu.memory_space<vmem>>
      %dma_wait3A_124 = arith.constant 0 : i32
      %dma_wait3A_125 = arith.constant 0 : i32
      %dma_wait3A_126 = tpu.memref_slice %arg13[%dma_wait3A_124, %dma_wait3A_125] : memref<10112x128xf32, #tpu.memory_space<vmem_shared>> -> memref<10112x128xf32, #tpu.memory_space<vmem_shared>>
      tpu.wait_indirect_dma semaphore(%arg17 : memref<!tpu.dma_semaphore, #tpu.memory_space<semaphore_mem>>) src(%arg10 : memref<128x128xf32, #tpu.memory_space<vmem>>) dst(%dma_wait3A_126 : memref<10112x128xf32, #tpu.memory_space<vmem_shared>>)
      %lt3A = arith.constant 19 : i32
      %lt3A_127 = arith.cmpi slt, %scan3A_79, %lt3A : i32
      %convert_element_type3A_128 = arith.extui %lt3A_127 : i1 to i32
      %cond3A_129 = arith.constant 0 : i32
      %cond3A_130 = arith.cmpi ne, %convert_element_type3A_128, %cond3A_129 : i32
      scf.if %cond3A_130 {
        %add3A_131 = arith.constant 2 : i32
        %add3A_132 = arith.addi %mul3A_81, %add3A_131 : i32
        %dma_start3A_133 = arith.constant 0 : i32
        %dma_start3A_134 = tpu.memref_slice %arg8[%add3A_132, %dma_start3A_133] : memref<40x128xi32, #tpu.memory_space<vmem>> -> memref<1x128xi32, #tpu.memory_space<vmem>>
        %dma_start3A_135 = tpu.memref_squeeze %dma_start3A_134 : memref<1x128xi32, #tpu.memory_space<vmem>> -> memref<128xi32, #tpu.memory_space<vmem>>
        %dma_start3A_136 = arith.constant 0 : i32
        %dma_start3A_137 = arith.constant 0 : i32
        %dma_start3A_138 = tpu.memref_slice %arg2[%dma_start3A_136, %dma_start3A_137] : memref<10000x128xf32, #tpu.memory_space<hbm>> -> memref<10000x128xf32, #tpu.memory_space<hbm>>
        tpu.enqueue_indirect_dma source(%dma_start3A_138 : memref<10000x128xf32, #tpu.memory_space<hbm>>) target(%arg10 : memref<128x128xf32, #tpu.memory_space<vmem>>) offsets(%dma_start3A_135 : memref<128xi32, #tpu.memory_space<vmem>>) semaphore(%arg15 : memref<!tpu.dma_semaphore, #tpu.memory_space<semaphore_mem>>)
      } else {
      }
    }
    %scan3A_31 = arith.constant 20 : i32
    %dma_wait3A = arith.constant 0 : i32
    %dma_wait3A_32 = arith.constant 0 : i32
    %dma_wait3A_33 = tpu.memref_slice %arg9[%dma_wait3A, %dma_wait3A_32] : memref<40x128xi32, #tpu.memory_space<vmem>> -> memref<1x128xi32, #tpu.memory_space<vmem>>
    %dma_wait3A_34 = tpu.memref_squeeze %dma_wait3A_33 : memref<1x128xi32, #tpu.memory_space<vmem>> -> memref<128xi32, #tpu.memory_space<vmem>>
    %dma_wait3A_35 = arith.constant 0 : i32
    %dma_wait3A_36 = arith.constant 0 : i32
    %dma_wait3A_37 = tpu.memref_slice %arg13[%dma_wait3A_35, %dma_wait3A_36] : memref<10112x128xf32, #tpu.memory_space<vmem_shared>> -> memref<10112x128xf32, #tpu.memory_space<vmem_shared>>
    tpu.wait_indirect_dma semaphore(%arg18 : memref<!tpu.dma_semaphore, #tpu.memory_space<semaphore_mem>>) src(%arg11 : memref<128x128xf32, #tpu.memory_space<vmem>>) dst(%dma_wait3A_37 : memref<10112x128xf32, #tpu.memory_space<vmem_shared>>)
    "tpu.region"() ({
      %run_scoped3A = tpu.sem_alloc : memref<!tpu.dma_semaphore, #tpu.memory_space<semaphore_mem>>
      %dma_start3A_79 = arith.constant 40 : i32
      %dma_start3A_80 = arith.constant 0 : i32
      %dma_start3A_81 = tpu.memref_slice %arg5[%add3A, %dma_start3A_79, %dma_start3A_80] : memref<32x80x128xi32, #tpu.memory_space<hbm>> -> memref<1x40x128xi32, #tpu.memory_space<hbm>>
      %dma_start3A_82 = tpu.memref_squeeze %dma_start3A_81 : memref<1x40x128xi32, #tpu.memory_space<hbm>> -> memref<40x128xi32, #tpu.memory_space<hbm>>
      %dma_start3A_83 = arith.constant 40 : i32
      %dma_start3A_84 = arith.constant 0 : i32
      %dma_start3A_85 = tpu.memref_slice %arg5[%add3A, %dma_start3A_83, %dma_start3A_84] : memref<32x80x128xi32, #tpu.memory_space<hbm>> -> memref<1x40x128xi32, #tpu.memory_space<hbm>>
      %dma_start3A_86 = tpu.memref_squeeze %dma_start3A_85 : memref<1x40x128xi32, #tpu.memory_space<hbm>> -> memref<40x128xi32, #tpu.memory_space<hbm>>
      tpu.enqueue_dma source(%dma_start3A_86 : memref<40x128xi32, #tpu.memory_space<hbm>>) target(%arg8 : memref<40x128xi32, #tpu.memory_space<vmem>>) target_semaphore(%run_scoped3A : memref<!tpu.dma_semaphore, #tpu.memory_space<semaphore_mem>>)
      %dma_wait3A_87 = arith.constant 40 : i32
      %dma_wait3A_88 = arith.constant 0 : i32
      %dma_wait3A_89 = tpu.memref_slice %arg5[%add3A, %dma_wait3A_87, %dma_wait3A_88] : memref<32x80x128xi32, #tpu.memory_space<hbm>> -> memref<1x40x128xi32, #tpu.memory_space<hbm>>
      %dma_wait3A_90 = tpu.memref_squeeze %dma_wait3A_89 : memref<1x40x128xi32, #tpu.memory_space<hbm>> -> memref<40x128xi32, #tpu.memory_space<hbm>>
      %dma_wait3A_91 = arith.constant 40 : i32
      %dma_wait3A_92 = arith.constant 0 : i32
      %dma_wait3A_93 = tpu.memref_slice %arg5[%add3A, %dma_wait3A_91, %dma_wait3A_92] : memref<32x80x128xi32, #tpu.memory_space<hbm>> -> memref<1x40x128xi32, #tpu.memory_space<hbm>>
      %dma_wait3A_94 = tpu.memref_squeeze %dma_wait3A_93 : memref<1x40x128xi32, #tpu.memory_space<hbm>> -> memref<40x128xi32, #tpu.memory_space<hbm>>
      tpu.wait_dma2 semaphore(%run_scoped3A : memref<!tpu.dma_semaphore, #tpu.memory_space<semaphore_mem>>) src(%dma_wait3A_94 : memref<40x128xi32, #tpu.memory_space<hbm>>) dst(%arg8 : memref<40x128xi32, #tpu.memory_space<vmem>>)
      tpu.yield
    }) : () -> ()
    "tpu.region"() ({
      %run_scoped3A = tpu.sem_alloc : memref<!tpu.dma_semaphore, #tpu.memory_space<semaphore_mem>>
      %dma_start3A_79 = arith.constant 40 : i32
      %dma_start3A_80 = arith.constant 0 : i32
      %dma_start3A_81 = tpu.memref_slice %arg6[%add3A, %dma_start3A_79, %dma_start3A_80] : memref<32x80x128xi32, #tpu.memory_space<hbm>> -> memref<1x40x128xi32, #tpu.memory_space<hbm>>
      %dma_start3A_82 = tpu.memref_squeeze %dma_start3A_81 : memref<1x40x128xi32, #tpu.memory_space<hbm>> -> memref<40x128xi32, #tpu.memory_space<hbm>>
      %dma_start3A_83 = arith.constant 40 : i32
      %dma_start3A_84 = arith.constant 0 : i32
      %dma_start3A_85 = tpu.memref_slice %arg6[%add3A, %dma_start3A_83, %dma_start3A_84] : memref<32x80x128xi32, #tpu.memory_space<hbm>> -> memref<1x40x128xi32, #tpu.memory_space<hbm>>
      %dma_start3A_86 = tpu.memref_squeeze %dma_start3A_85 : memref<1x40x128xi32, #tpu.memory_space<hbm>> -> memref<40x128xi32, #tpu.memory_space<hbm>>
      tpu.enqueue_dma source(%dma_start3A_86 : memref<40x128xi32, #tpu.memory_space<hbm>>) target(%arg9 : memref<40x128xi32, #tpu.memory_space<vmem>>) target_semaphore(%run_scoped3A : memref<!tpu.dma_semaphore, #tpu.memory_space<semaphore_mem>>)
      %dma_wait3A_87 = arith.constant 40 : i32
      %dma_wait3A_88 = arith.constant 0 : i32
      %dma_wait3A_89 = tpu.memref_slice %arg6[%add3A, %dma_wait3A_87, %dma_wait3A_88] : memref<32x80x128xi32, #tpu.memory_space<hbm>> -> memref<1x40x128xi32, #tpu.memory_space<hbm>>
      %dma_wait3A_90 = tpu.memref_squeeze %dma_wait3A_89 : memref<1x40x128xi32, #tpu.memory_space<hbm>> -> memref<40x128xi32, #tpu.memory_space<hbm>>
      %dma_wait3A_91 = arith.constant 40 : i32
      %dma_wait3A_92 = arith.constant 0 : i32
      %dma_wait3A_93 = tpu.memref_slice %arg6[%add3A, %dma_wait3A_91, %dma_wait3A_92] : memref<32x80x128xi32, #tpu.memory_space<hbm>> -> memref<1x40x128xi32, #tpu.memory_space<hbm>>
      %dma_wait3A_94 = tpu.memref_squeeze %dma_wait3A_93 : memref<1x40x128xi32, #tpu.memory_space<hbm>> -> memref<40x128xi32, #tpu.memory_space<hbm>>
      tpu.wait_dma2 semaphore(%run_scoped3A : memref<!tpu.dma_semaphore, #tpu.memory_space<semaphore_mem>>) src(%dma_wait3A_94 : memref<40x128xi32, #tpu.memory_space<hbm>>) dst(%arg9 : memref<40x128xi32, #tpu.memory_space<vmem>>)
      tpu.yield
    }) : () -> ()
    %dma_start3A_38 = arith.constant 0 : i32
    %dma_start3A_39 = arith.constant 0 : i32
    %dma_start3A_40 = tpu.memref_slice %arg8[%dma_start3A_38, %dma_start3A_39] : memref<40x128xi32, #tpu.memory_space<vmem>> -> memref<1x128xi32, #tpu.memory_space<vmem>>
    %dma_start3A_41 = tpu.memref_squeeze %dma_start3A_40 : memref<1x128xi32, #tpu.memory_space<vmem>> -> memref<128xi32, #tpu.memory_space<vmem>>
    %dma_start3A_42 = arith.constant 0 : i32
    %dma_start3A_43 = arith.constant 0 : i32
    %dma_start3A_44 = tpu.memref_slice %arg2[%dma_start3A_42, %dma_start3A_43] : memref<10000x128xf32, #tpu.memory_space<hbm>> -> memref<10000x128xf32, #tpu.memory_space<hbm>>
    tpu.enqueue_indirect_dma source(%dma_start3A_44 : memref<10000x128xf32, #tpu.memory_space<hbm>>) target(%arg10 : memref<128x128xf32, #tpu.memory_space<vmem>>) offsets(%dma_start3A_41 : memref<128xi32, #tpu.memory_space<vmem>>) semaphore(%arg15 : memref<!tpu.dma_semaphore, #tpu.memory_space<semaphore_mem>>)
    %scan3A_45 = arith.constant 0 : i32
    %scan3A_46 = arith.constant 0 : i32
    %scan3A_47 = arith.constant 20 : i32
    %scan3A_48 = arith.addi %scan3A_46, %scan3A_47 : i32
    %scan3A_49 = arith.constant 1 : i32
    scf.for %scan3A_79 = %scan3A_46 to %scan3A_48 step %scan3A_49  : i32 {
      %mul3A_80 = arith.constant 2 : i32
      %mul3A_81 = arith.muli %mul3A_80, %scan3A_79 : i32
      %gt3A = arith.constant 0 : i32
      %gt3A_82 = arith.cmpi sgt, %scan3A_79, %gt3A : i32
      %convert_element_type3A = arith.extui %gt3A_82 : i1 to i32
      %cond3A = arith.constant 0 : i32
      %cond3A_83 = arith.cmpi ne, %convert_element_type3A, %cond3A : i32
      scf.if %cond3A_83 {
        %dma_wait3A_131 = arith.constant 0 : i32
        %dma_wait3A_132 = arith.constant 0 : i32
        %dma_wait3A_133 = tpu.memref_slice %arg9[%dma_wait3A_131, %dma_wait3A_132] : memref<40x128xi32, #tpu.memory_space<vmem>> -> memref<1x128xi32, #tpu.memory_space<vmem>>
        %dma_wait3A_134 = tpu.memref_squeeze %dma_wait3A_133 : memref<1x128xi32, #tpu.memory_space<vmem>> -> memref<128xi32, #tpu.memory_space<vmem>>
        %dma_wait3A_135 = arith.constant 0 : i32
        %dma_wait3A_136 = arith.constant 0 : i32
        %dma_wait3A_137 = tpu.memref_slice %arg13[%dma_wait3A_135, %dma_wait3A_136] : memref<10112x128xf32, #tpu.memory_space<vmem_shared>> -> memref<10112x128xf32, #tpu.memory_space<vmem_shared>>
        tpu.wait_indirect_dma semaphore(%arg18 : memref<!tpu.dma_semaphore, #tpu.memory_space<semaphore_mem>>) src(%arg11 : memref<128x128xf32, #tpu.memory_space<vmem>>) dst(%dma_wait3A_137 : memref<10112x128xf32, #tpu.memory_space<vmem_shared>>)
      } else {
      }
      %add3A_84 = arith.constant 1 : i32
      %add3A_85 = arith.addi %mul3A_81, %add3A_84 : i32
      %dma_start3A_86 = arith.constant 0 : i32
      %dma_start3A_87 = tpu.memref_slice %arg8[%add3A_85, %dma_start3A_86] : memref<40x128xi32, #tpu.memory_space<vmem>> -> memref<1x128xi32, #tpu.memory_space<vmem>>
      %dma_start3A_88 = tpu.memref_squeeze %dma_start3A_87 : memref<1x128xi32, #tpu.memory_space<vmem>> -> memref<128xi32, #tpu.memory_space<vmem>>
      %dma_start3A_89 = arith.constant 0 : i32
      %dma_start3A_90 = arith.constant 0 : i32
      %dma_start3A_91 = tpu.memref_slice %arg2[%dma_start3A_89, %dma_start3A_90] : memref<10000x128xf32, #tpu.memory_space<hbm>> -> memref<10000x128xf32, #tpu.memory_space<hbm>>
      tpu.enqueue_indirect_dma source(%dma_start3A_91 : memref<10000x128xf32, #tpu.memory_space<hbm>>) target(%arg11 : memref<128x128xf32, #tpu.memory_space<vmem>>) offsets(%dma_start3A_88 : memref<128xi32, #tpu.memory_space<vmem>>) semaphore(%arg16 : memref<!tpu.dma_semaphore, #tpu.memory_space<semaphore_mem>>)
      %dma_wait3A_92 = arith.constant 0 : i32
      %dma_wait3A_93 = arith.constant 0 : i32
      %dma_wait3A_94 = tpu.memref_slice %arg8[%dma_wait3A_92, %dma_wait3A_93] : memref<40x128xi32, #tpu.memory_space<vmem>> -> memref<1x128xi32, #tpu.memory_space<vmem>>
      %dma_wait3A_95 = tpu.memref_squeeze %dma_wait3A_94 : memref<1x128xi32, #tpu.memory_space<vmem>> -> memref<128xi32, #tpu.memory_space<vmem>>
      %dma_wait3A_96 = arith.constant 0 : i32
      %dma_wait3A_97 = arith.constant 0 : i32
      %dma_wait3A_98 = tpu.memref_slice %arg2[%dma_wait3A_96, %dma_wait3A_97] : memref<10000x128xf32, #tpu.memory_space<hbm>> -> memref<10000x128xf32, #tpu.memory_space<hbm>>
      tpu.wait_indirect_dma semaphore(%arg15 : memref<!tpu.dma_semaphore, #tpu.memory_space<semaphore_mem>>) src(%dma_wait3A_98 : memref<10000x128xf32, #tpu.memory_space<hbm>>) dst(%arg10 : memref<128x128xf32, #tpu.memory_space<vmem>>)
      %dma_start3A_99 = arith.constant 0 : i32
      %dma_start3A_100 = tpu.memref_slice %arg9[%mul3A_81, %dma_start3A_99] : memref<40x128xi32, #tpu.memory_space<vmem>> -> memref<1x128xi32, #tpu.memory_space<vmem>>
      %dma_start3A_101 = tpu.memref_squeeze %dma_start3A_100 : memref<1x128xi32, #tpu.memory_space<vmem>> -> memref<128xi32, #tpu.memory_space<vmem>>
      %dma_start3A_102 = arith.constant 0 : i32
      %dma_start3A_103 = arith.constant 0 : i32
      %dma_start3A_104 = tpu.memref_slice %arg13[%dma_start3A_102, %dma_start3A_103] : memref<10112x128xf32, #tpu.memory_space<vmem_shared>> -> memref<10112x128xf32, #tpu.memory_space<vmem_shared>>
      tpu.enqueue_indirect_dma source(%arg10 : memref<128x128xf32, #tpu.memory_space<vmem>>) target(%dma_start3A_104 : memref<10112x128xf32, #tpu.memory_space<vmem_shared>>) offsets(%dma_start3A_101 : memref<128xi32, #tpu.memory_space<vmem>>) semaphore(%arg17 : memref<!tpu.dma_semaphore, #tpu.memory_space<semaphore_mem>>) {add = true}
      %dma_wait3A_105 = arith.constant 0 : i32
      %dma_wait3A_106 = arith.constant 0 : i32
      %dma_wait3A_107 = tpu.memref_slice %arg8[%dma_wait3A_105, %dma_wait3A_106] : memref<40x128xi32, #tpu.memory_space<vmem>> -> memref<1x128xi32, #tpu.memory_space<vmem>>
      %dma_wait3A_108 = tpu.memref_squeeze %dma_wait3A_107 : memref<1x128xi32, #tpu.memory_space<vmem>> -> memref<128xi32, #tpu.memory_space<vmem>>
      %dma_wait3A_109 = arith.constant 0 : i32
      %dma_wait3A_110 = arith.constant 0 : i32
      %dma_wait3A_111 = tpu.memref_slice %arg2[%dma_wait3A_109, %dma_wait3A_110] : memref<10000x128xf32, #tpu.memory_space<hbm>> -> memref<10000x128xf32, #tpu.memory_space<hbm>>
      tpu.wait_indirect_dma semaphore(%arg16 : memref<!tpu.dma_semaphore, #tpu.memory_space<semaphore_mem>>) src(%dma_wait3A_111 : memref<10000x128xf32, #tpu.memory_space<hbm>>) dst(%arg11 : memref<128x128xf32, #tpu.memory_space<vmem>>)
      %add3A_112 = arith.constant 1 : i32
      %add3A_113 = arith.addi %mul3A_81, %add3A_112 : i32
      %dma_start3A_114 = arith.constant 0 : i32
      %dma_start3A_115 = tpu.memref_slice %arg9[%add3A_113, %dma_start3A_114] : memref<40x128xi32, #tpu.memory_space<vmem>> -> memref<1x128xi32, #tpu.memory_space<vmem>>
      %dma_start3A_116 = tpu.memref_squeeze %dma_start3A_115 : memref<1x128xi32, #tpu.memory_space<vmem>> -> memref<128xi32, #tpu.memory_space<vmem>>
      %dma_start3A_117 = arith.constant 0 : i32
      %dma_start3A_118 = arith.constant 0 : i32
      %dma_start3A_119 = tpu.memref_slice %arg13[%dma_start3A_117, %dma_start3A_118] : memref<10112x128xf32, #tpu.memory_space<vmem_shared>> -> memref<10112x128xf32, #tpu.memory_space<vmem_shared>>
      tpu.enqueue_indirect_dma source(%arg11 : memref<128x128xf32, #tpu.memory_space<vmem>>) target(%dma_start3A_119 : memref<10112x128xf32, #tpu.memory_space<vmem_shared>>) offsets(%dma_start3A_116 : memref<128xi32, #tpu.memory_space<vmem>>) semaphore(%arg18 : memref<!tpu.dma_semaphore, #tpu.memory_space<semaphore_mem>>) {add = true}
      %dma_wait3A_120 = arith.constant 0 : i32
      %dma_wait3A_121 = arith.constant 0 : i32
      %dma_wait3A_122 = tpu.memref_slice %arg9[%dma_wait3A_120, %dma_wait3A_121] : memref<40x128xi32, #tpu.memory_space<vmem>> -> memref<1x128xi32, #tpu.memory_space<vmem>>
      %dma_wait3A_123 = tpu.memref_squeeze %dma_wait3A_122 : memref<1x128xi32, #tpu.memory_space<vmem>> -> memref<128xi32, #tpu.memory_space<vmem>>
      %dma_wait3A_124 = arith.constant 0 : i32
      %dma_wait3A_125 = arith.constant 0 : i32
      %dma_wait3A_126 = tpu.memref_slice %arg13[%dma_wait3A_124, %dma_wait3A_125] : memref<10112x128xf32, #tpu.memory_space<vmem_shared>> -> memref<10112x128xf32, #tpu.memory_space<vmem_shared>>
      tpu.wait_indirect_dma semaphore(%arg17 : memref<!tpu.dma_semaphore, #tpu.memory_space<semaphore_mem>>) src(%arg10 : memref<128x128xf32, #tpu.memory_space<vmem>>) dst(%dma_wait3A_126 : memref<10112x128xf32, #tpu.memory_space<vmem_shared>>)
      %lt3A = arith.constant 19 : i32
      %lt3A_127 = arith.cmpi slt, %scan3A_79, %lt3A : i32
      %convert_element_type3A_128 = arith.extui %lt3A_127 : i1 to i32
      %cond3A_129 = arith.constant 0 : i32
      %cond3A_130 = arith.cmpi ne, %convert_element_type3A_128, %cond3A_129 : i32
      scf.if %cond3A_130 {
        %add3A_131 = arith.constant 2 : i32
        %add3A_132 = arith.addi %mul3A_81, %add3A_131 : i32
        %dma_start3A_133 = arith.constant 0 : i32
        %dma_start3A_134 = tpu.memref_slice %arg8[%add3A_132, %dma_start3A_133] : memref<40x128xi32, #tpu.memory_space<vmem>> -> memref<1x128xi32, #tpu.memory_space<vmem>>
        %dma_start3A_135 = tpu.memref_squeeze %dma_start3A_134 : memref<1x128xi32, #tpu.memory_space<vmem>> -> memref<128xi32, #tpu.memory_space<vmem>>
        %dma_start3A_136 = arith.constant 0 : i32
        %dma_start3A_137 = arith.constant 0 : i32
        %dma_start3A_138 = tpu.memref_slice %arg2[%dma_start3A_136, %dma_start3A_137] : memref<10000x128xf32, #tpu.memory_space<hbm>> -> memref<10000x128xf32, #tpu.memory_space<hbm>>
        tpu.enqueue_indirect_dma source(%dma_start3A_138 : memref<10000x128xf32, #tpu.memory_space<hbm>>) target(%arg10 : memref<128x128xf32, #tpu.memory_space<vmem>>) offsets(%dma_start3A_135 : memref<128xi32, #tpu.memory_space<vmem>>) semaphore(%arg15 : memref<!tpu.dma_semaphore, #tpu.memory_space<semaphore_mem>>)
      } else {
      }
    }
    %scan3A_50 = arith.constant 20 : i32
    %dma_wait3A_51 = arith.constant 0 : i32
    %dma_wait3A_52 = arith.constant 0 : i32
    %dma_wait3A_53 = tpu.memref_slice %arg9[%dma_wait3A_51, %dma_wait3A_52] : memref<40x128xi32, #tpu.memory_space<vmem>> -> memref<1x128xi32, #tpu.memory_space<vmem>>
    %dma_wait3A_54 = tpu.memref_squeeze %dma_wait3A_53 : memref<1x128xi32, #tpu.memory_space<vmem>> -> memref<128xi32, #tpu.memory_space<vmem>>
    %dma_wait3A_55 = arith.constant 0 : i32
    %dma_wait3A_56 = arith.constant 0 : i32
    %dma_wait3A_57 = tpu.memref_slice %arg13[%dma_wait3A_55, %dma_wait3A_56] : memref<10112x128xf32, #tpu.memory_space<vmem_shared>> -> memref<10112x128xf32, #tpu.memory_space<vmem_shared>>
    tpu.wait_indirect_dma semaphore(%arg18 : memref<!tpu.dma_semaphore, #tpu.memory_space<semaphore_mem>>) src(%arg11 : memref<128x128xf32, #tpu.memory_space<vmem>>) dst(%dma_wait3A_57 : memref<10112x128xf32, #tpu.memory_space<vmem_shared>>)
    %barrier3A_58 = arith.constant 0 : index
    tpu.barrier barrier_id(%barrier3A_58)
    %mul3A_59 = arith.constant 632 : i32
    %mul3A_60 = arith.muli %arg1, %mul3A_59 : i32
    %add3A_61 = arith.constant 0 : i32
    %add3A_62 = arith.addi %mul3A_60, %add3A_61 : i32
    "tpu.region"() ({
      %run_scoped3A = tpu.sem_alloc : memref<!tpu.dma_semaphore, #tpu.memory_space<semaphore_mem>>
      %dma_start3A_79 = arith.constant 0 : i32
      %dma_start3A_80 = arith.constant 0 : i32
      %dma_start3A_81 = tpu.memref_slice %arg10[%dma_start3A_79, %dma_start3A_80] : memref<128x128xf32, #tpu.memory_space<vmem>> -> memref<128x128xf32, #tpu.memory_space<vmem>>
      %dma_start3A_82 = arith.constant 0 : i32
      %dma_start3A_83 = tpu.memref_slice %arg13[%add3A_62, %dma_start3A_82] : memref<10112x128xf32, #tpu.memory_space<vmem_shared>> -> memref<128x128xf32, #tpu.memory_space<vmem_shared>>
      %dma_start3A_84 = arith.constant 0 : i32
      %dma_start3A_85 = arith.constant 0 : i32
      %dma_start3A_86 = tpu.memref_slice %arg10[%dma_start3A_84, %dma_start3A_85] : memref<128x128xf32, #tpu.memory_space<vmem>> -> memref<128x128xf32, #tpu.memory_space<vmem>>
      %dma_start3A_87 = arith.constant 0 : i32
      %dma_start3A_88 = tpu.memref_slice %arg13[%add3A_62, %dma_start3A_87] : memref<10112x128xf32, #tpu.memory_space<vmem_shared>> -> memref<128x128xf32, #tpu.memory_space<vmem_shared>>
      tpu.enqueue_dma source(%dma_start3A_88 : memref<128x128xf32, #tpu.memory_space<vmem_shared>>) target(%dma_start3A_86 : memref<128x128xf32, #tpu.memory_space<vmem>>) target_semaphore(%run_scoped3A : memref<!tpu.dma_semaphore, #tpu.memory_space<semaphore_mem>>)
      %dma_wait3A_89 = arith.constant 0 : i32
      %dma_wait3A_90 = arith.constant 0 : i32
      %dma_wait3A_91 = tpu.memref_slice %arg10[%dma_wait3A_89, %dma_wait3A_90] : memref<128x128xf32, #tpu.memory_space<vmem>> -> memref<128x128xf32, #tpu.memory_space<vmem>>
      %dma_wait3A_92 = arith.constant 0 : i32
      %dma_wait3A_93 = tpu.memref_slice %arg13[%add3A_62, %dma_wait3A_92] : memref<10112x128xf32, #tpu.memory_space<vmem_shared>> -> memref<128x128xf32, #tpu.memory_space<vmem_shared>>
      %dma_wait3A_94 = arith.constant 0 : i32
      %dma_wait3A_95 = arith.constant 0 : i32
      %dma_wait3A_96 = tpu.memref_slice %arg10[%dma_wait3A_94, %dma_wait3A_95] : memref<128x128xf32, #tpu.memory_space<vmem>> -> memref<128x128xf32, #tpu.memory_space<vmem>>
      %dma_wait3A_97 = arith.constant 0 : i32
      %dma_wait3A_98 = tpu.memref_slice %arg13[%add3A_62, %dma_wait3A_97] : memref<10112x128xf32, #tpu.memory_space<vmem_shared>> -> memref<128x128xf32, #tpu.memory_space<vmem_shared>>
      tpu.wait_dma2 semaphore(%run_scoped3A : memref<!tpu.dma_semaphore, #tpu.memory_space<semaphore_mem>>) src(%dma_wait3A_98 : memref<128x128xf32, #tpu.memory_space<vmem_shared>>) dst(%dma_wait3A_96 : memref<128x128xf32, #tpu.memory_space<vmem>>)
      tpu.yield
    }) : () -> ()
    "tpu.region"() ({
      %run_scoped3A = tpu.sem_alloc : memref<!tpu.dma_semaphore, #tpu.memory_space<semaphore_mem>>
      %dma_start3A_79 = arith.constant 0 : i32
      %dma_start3A_80 = arith.constant 0 : i32
      %dma_start3A_81 = tpu.memref_slice %arg10[%dma_start3A_79, %dma_start3A_80] : memref<128x128xf32, #tpu.memory_space<vmem>> -> memref<128x128xf32, #tpu.memory_space<vmem>>
      %dma_start3A_82 = arith.constant 0 : i32
      %dma_start3A_83 = tpu.memref_slice %arg7[%arg0, %add3A_62, %dma_start3A_82] : memref<2x10112x128xf32, #tpu.memory_space<hbm>> -> memref<1x128x128xf32, #tpu.memory_space<hbm>>
      %dma_start3A_84 = tpu.memref_squeeze %dma_start3A_83 : memref<1x128x128xf32, #tpu.memory_space<hbm>> -> memref<128x128xf32, #tpu.memory_space<hbm>>
      %dma_start3A_85 = arith.constant 0 : i32
      %dma_start3A_86 = tpu.memref_slice %arg7[%arg0, %add3A_62, %dma_start3A_85] : memref<2x10112x128xf32, #tpu.memory_space<hbm>> -> memref<1x128x128xf32, #tpu.memory_space<hbm>>
      %dma_start3A_87 = tpu.memref_squeeze %dma_start3A_86 : memref<1x128x128xf32, #tpu.memory_space<hbm>> -> memref<128x128xf32, #tpu.memory_space<hbm>>
      %dma_start3A_88 = arith.constant 0 : i32
      %dma_start3A_89 = arith.constant 0 : i32
      %dma_start3A_90 = tpu.memref_slice %arg10[%dma_start3A_88, %dma_start3A_89] : memref<128x128xf32, #tpu.memory_space<vmem>> -> memref<128x128xf32, #tpu.memory_space<vmem>>
      tpu.enqueue_dma source(%dma_start3A_90 : memref<128x128xf32, #tpu.memory_space<vmem>>) target(%dma_start3A_87 : memref<128x128xf32, #tpu.memory_space<hbm>>) target_semaphore(%run_scoped3A : memref<!tpu.dma_semaphore, #tpu.memory_space<semaphore_mem>>)
      %dma_wait3A_91 = arith.constant 0 : i32
      %dma_wait3A_92 = arith.constant 0 : i32
      %dma_wait3A_93 = tpu.memref_slice %arg10[%dma_wait3A_91, %dma_wait3A_92] : memref<128x128xf32, #tpu.memory_space<vmem>> -> memref<128x128xf32, #tpu.memory_space<vmem>>
      %dma_wait3A_94 = arith.constant 0 : i32
      %dma_wait3A_95 = tpu.memref_slice %arg7[%arg0, %add3A_62, %dma_wait3A_94] : memref<2x10112x128xf32, #tpu.memory_space<hbm>> -> memref<1x128x128xf32, #tpu.memory_space<hbm>>
      %dma_wait3A_96 = tpu.memref_squeeze %dma_wait3A_95 : memref<1x128x128xf32, #tpu.memory_space<hbm>> -> memref<128x128xf32, #tpu.memory_space<hbm>>
      %dma_wait3A_97 = arith.constant 0 : i32
      %dma_wait3A_98 = tpu.memref_slice %arg7[%arg0, %add3A_62, %dma_wait3A_97] : memref<2x10112x128xf32, #tpu.memory_space<hbm>> -> memref<1x128x128xf32, #tpu.memory_space<hbm>>
      %dma_wait3A_99 = tpu.memref_squeeze %dma_wait3A_98 : memref<1x128x128xf32, #tpu.memory_space<hbm>> -> memref<128x128xf32, #tpu.memory_space<hbm>>
      %dma_wait3A_100 = arith.constant 0 : i32
      %dma_wait3A_101 = arith.constant 0 : i32
      %dma_wait3A_102 = tpu.memref_slice %arg10[%dma_wait3A_100, %dma_wait3A_101] : memref<128x128xf32, #tpu.memory_space<vmem>> -> memref<128x128xf32, #tpu.memory_space<vmem>>
      tpu.wait_dma2 semaphore(%run_scoped3A : memref<!tpu.dma_semaphore, #tpu.memory_space<semaphore_mem>>) src(%dma_wait3A_102 : memref<128x128xf32, #tpu.memory_space<vmem>>) dst(%dma_wait3A_99 : memref<128x128xf32, #tpu.memory_space<hbm>>)
      tpu.yield
    }) : () -> ()
    %mul3A_63 = arith.constant 632 : i32
    %mul3A_64 = arith.muli %arg1, %mul3A_63 : i32
    %add3A_65 = arith.constant 128 : i32
    %add3A_66 = arith.addi %mul3A_64, %add3A_65 : i32
    "tpu.region"() ({
      %run_scoped3A = tpu.sem_alloc : memref<!tpu.dma_semaphore, #tpu.memory_space<semaphore_mem>>
      %dma_start3A_79 = arith.constant 0 : i32
      %dma_start3A_80 = arith.constant 0 : i32
      %dma_start3A_81 = tpu.memref_slice %arg11[%dma_start3A_79, %dma_start3A_80] : memref<128x128xf32, #tpu.memory_space<vmem>> -> memref<128x128xf32, #tpu.memory_space<vmem>>
      %dma_start3A_82 = arith.constant 0 : i32
      %dma_start3A_83 = tpu.memref_slice %arg13[%add3A_66, %dma_start3A_82] : memref<10112x128xf32, #tpu.memory_space<vmem_shared>> -> memref<128x128xf32, #tpu.memory_space<vmem_shared>>
      %dma_start3A_84 = arith.constant 0 : i32
      %dma_start3A_85 = arith.constant 0 : i32
      %dma_start3A_86 = tpu.memref_slice %arg11[%dma_start3A_84, %dma_start3A_85] : memref<128x128xf32, #tpu.memory_space<vmem>> -> memref<128x128xf32, #tpu.memory_space<vmem>>
      %dma_start3A_87 = arith.constant 0 : i32
      %dma_start3A_88 = tpu.memref_slice %arg13[%add3A_66, %dma_start3A_87] : memref<10112x128xf32, #tpu.memory_space<vmem_shared>> -> memref<128x128xf32, #tpu.memory_space<vmem_shared>>
      tpu.enqueue_dma source(%dma_start3A_88 : memref<128x128xf32, #tpu.memory_space<vmem_shared>>) target(%dma_start3A_86 : memref<128x128xf32, #tpu.memory_space<vmem>>) target_semaphore(%run_scoped3A : memref<!tpu.dma_semaphore, #tpu.memory_space<semaphore_mem>>)
      %dma_wait3A_89 = arith.constant 0 : i32
      %dma_wait3A_90 = arith.constant 0 : i32
      %dma_wait3A_91 = tpu.memref_slice %arg11[%dma_wait3A_89, %dma_wait3A_90] : memref<128x128xf32, #tpu.memory_space<vmem>> -> memref<128x128xf32, #tpu.memory_space<vmem>>
      %dma_wait3A_92 = arith.constant 0 : i32
      %dma_wait3A_93 = tpu.memref_slice %arg13[%add3A_66, %dma_wait3A_92] : memref<10112x128xf32, #tpu.memory_space<vmem_shared>> -> memref<128x128xf32, #tpu.memory_space<vmem_shared>>
      %dma_wait3A_94 = arith.constant 0 : i32
      %dma_wait3A_95 = arith.constant 0 : i32
      %dma_wait3A_96 = tpu.memref_slice %arg11[%dma_wait3A_94, %dma_wait3A_95] : memref<128x128xf32, #tpu.memory_space<vmem>> -> memref<128x128xf32, #tpu.memory_space<vmem>>
      %dma_wait3A_97 = arith.constant 0 : i32
      %dma_wait3A_98 = tpu.memref_slice %arg13[%add3A_66, %dma_wait3A_97] : memref<10112x128xf32, #tpu.memory_space<vmem_shared>> -> memref<128x128xf32, #tpu.memory_space<vmem_shared>>
      tpu.wait_dma2 semaphore(%run_scoped3A : memref<!tpu.dma_semaphore, #tpu.memory_space<semaphore_mem>>) src(%dma_wait3A_98 : memref<128x128xf32, #tpu.memory_space<vmem_shared>>) dst(%dma_wait3A_96 : memref<128x128xf32, #tpu.memory_space<vmem>>)
      tpu.yield
    }) : () -> ()
    "tpu.region"() ({
      %run_scoped3A = tpu.sem_alloc : memref<!tpu.dma_semaphore, #tpu.memory_space<semaphore_mem>>
      %dma_start3A_79 = arith.constant 0 : i32
      %dma_start3A_80 = arith.constant 0 : i32
      %dma_start3A_81 = tpu.memref_slice %arg11[%dma_start3A_79, %dma_start3A_80] : memref<128x128xf32, #tpu.memory_space<vmem>> -> memref<128x128xf32, #tpu.memory_space<vmem>>
      %dma_start3A_82 = arith.constant 0 : i32
      %dma_start3A_83 = tpu.memref_slice %arg7[%arg0, %add3A_66, %dma_start3A_82] : memref<2x10112x128xf32, #tpu.memory_space<hbm>> -> memref<1x128x128xf32, #tpu.memory_space<hbm>>
      %dma_start3A_84 = tpu.memref_squeeze %dma_start3A_83 : memref<1x128x128xf32, #tpu.memory_space<hbm>> -> memref<128x128xf32, #tpu.memory_space<hbm>>
      %dma_start3A_85 = arith.constant 0 : i32
      %dma_start3A_86 = tpu.memref_slice %arg7[%arg0, %add3A_66, %dma_start3A_85] : memref<2x10112x128xf32, #tpu.memory_space<hbm>> -> memref<1x128x128xf32, #tpu.memory_space<hbm>>
      %dma_start3A_87 = tpu.memref_squeeze %dma_start3A_86 : memref<1x128x128xf32, #tpu.memory_space<hbm>> -> memref<128x128xf32, #tpu.memory_space<hbm>>
      %dma_start3A_88 = arith.constant 0 : i32
      %dma_start3A_89 = arith.constant 0 : i32
      %dma_start3A_90 = tpu.memref_slice %arg11[%dma_start3A_88, %dma_start3A_89] : memref<128x128xf32, #tpu.memory_space<vmem>> -> memref<128x128xf32, #tpu.memory_space<vmem>>
      tpu.enqueue_dma source(%dma_start3A_90 : memref<128x128xf32, #tpu.memory_space<vmem>>) target(%dma_start3A_87 : memref<128x128xf32, #tpu.memory_space<hbm>>) target_semaphore(%run_scoped3A : memref<!tpu.dma_semaphore, #tpu.memory_space<semaphore_mem>>)
      %dma_wait3A_91 = arith.constant 0 : i32
      %dma_wait3A_92 = arith.constant 0 : i32
      %dma_wait3A_93 = tpu.memref_slice %arg11[%dma_wait3A_91, %dma_wait3A_92] : memref<128x128xf32, #tpu.memory_space<vmem>> -> memref<128x128xf32, #tpu.memory_space<vmem>>
      %dma_wait3A_94 = arith.constant 0 : i32
      %dma_wait3A_95 = tpu.memref_slice %arg7[%arg0, %add3A_66, %dma_wait3A_94] : memref<2x10112x128xf32, #tpu.memory_space<hbm>> -> memref<1x128x128xf32, #tpu.memory_space<hbm>>
      %dma_wait3A_96 = tpu.memref_squeeze %dma_wait3A_95 : memref<1x128x128xf32, #tpu.memory_space<hbm>> -> memref<128x128xf32, #tpu.memory_space<hbm>>
      %dma_wait3A_97 = arith.constant 0 : i32
      %dma_wait3A_98 = tpu.memref_slice %arg7[%arg0, %add3A_66, %dma_wait3A_97] : memref<2x10112x128xf32, #tpu.memory_space<hbm>> -> memref<1x128x128xf32, #tpu.memory_space<hbm>>
      %dma_wait3A_99 = tpu.memref_squeeze %dma_wait3A_98 : memref<1x128x128xf32, #tpu.memory_space<hbm>> -> memref<128x128xf32, #tpu.memory_space<hbm>>
      %dma_wait3A_100 = arith.constant 0 : i32
      %dma_wait3A_101 = arith.constant 0 : i32
      %dma_wait3A_102 = tpu.memref_slice %arg11[%dma_wait3A_100, %dma_wait3A_101] : memref<128x128xf32, #tpu.memory_space<vmem>> -> memref<128x128xf32, #tpu.memory_space<vmem>>
      tpu.wait_dma2 semaphore(%run_scoped3A : memref<!tpu.dma_semaphore, #tpu.memory_space<semaphore_mem>>) src(%dma_wait3A_102 : memref<128x128xf32, #tpu.memory_space<vmem>>) dst(%dma_wait3A_99 : memref<128x128xf32, #tpu.memory_space<hbm>>)
      tpu.yield
    }) : () -> ()
    %mul3A_67 = arith.constant 632 : i32
    %mul3A_68 = arith.muli %arg1, %mul3A_67 : i32
    %add3A_69 = arith.constant 256 : i32
    %add3A_70 = arith.addi %mul3A_68, %add3A_69 : i32
    "tpu.region"() ({
      %run_scoped3A = tpu.sem_alloc : memref<!tpu.dma_semaphore, #tpu.memory_space<semaphore_mem>>
      %dma_start3A_79 = arith.constant 0 : i32
      %dma_start3A_80 = arith.constant 0 : i32
      %dma_start3A_81 = tpu.memref_slice %arg10[%dma_start3A_79, %dma_start3A_80] : memref<128x128xf32, #tpu.memory_space<vmem>> -> memref<128x128xf32, #tpu.memory_space<vmem>>
      %dma_start3A_82 = arith.constant 0 : i32
      %dma_start3A_83 = tpu.memref_slice %arg13[%add3A_70, %dma_start3A_82] : memref<10112x128xf32, #tpu.memory_space<vmem_shared>> -> memref<128x128xf32, #tpu.memory_space<vmem_shared>>
      %dma_start3A_84 = arith.constant 0 : i32
      %dma_start3A_85 = arith.constant 0 : i32
      %dma_start3A_86 = tpu.memref_slice %arg10[%dma_start3A_84, %dma_start3A_85] : memref<128x128xf32, #tpu.memory_space<vmem>> -> memref<128x128xf32, #tpu.memory_space<vmem>>
      %dma_start3A_87 = arith.constant 0 : i32
      %dma_start3A_88 = tpu.memref_slice %arg13[%add3A_70, %dma_start3A_87] : memref<10112x128xf32, #tpu.memory_space<vmem_shared>> -> memref<128x128xf32, #tpu.memory_space<vmem_shared>>
      tpu.enqueue_dma source(%dma_start3A_88 : memref<128x128xf32, #tpu.memory_space<vmem_shared>>) target(%dma_start3A_86 : memref<128x128xf32, #tpu.memory_space<vmem>>) target_semaphore(%run_scoped3A : memref<!tpu.dma_semaphore, #tpu.memory_space<semaphore_mem>>)
      %dma_wait3A_89 = arith.constant 0 : i32
      %dma_wait3A_90 = arith.constant 0 : i32
      %dma_wait3A_91 = tpu.memref_slice %arg10[%dma_wait3A_89, %dma_wait3A_90] : memref<128x128xf32, #tpu.memory_space<vmem>> -> memref<128x128xf32, #tpu.memory_space<vmem>>
      %dma_wait3A_92 = arith.constant 0 : i32
      %dma_wait3A_93 = tpu.memref_slice %arg13[%add3A_70, %dma_wait3A_92] : memref<10112x128xf32, #tpu.memory_space<vmem_shared>> -> memref<128x128xf32, #tpu.memory_space<vmem_shared>>
      %dma_wait3A_94 = arith.constant 0 : i32
      %dma_wait3A_95 = arith.constant 0 : i32
      %dma_wait3A_96 = tpu.memref_slice %arg10[%dma_wait3A_94, %dma_wait3A_95] : memref<128x128xf32, #tpu.memory_space<vmem>> -> memref<128x128xf32, #tpu.memory_space<vmem>>
      %dma_wait3A_97 = arith.constant 0 : i32
      %dma_wait3A_98 = tpu.memref_slice %arg13[%add3A_70, %dma_wait3A_97] : memref<10112x128xf32, #tpu.memory_space<vmem_shared>> -> memref<128x128xf32, #tpu.memory_space<vmem_shared>>
      tpu.wait_dma2 semaphore(%run_scoped3A : memref<!tpu.dma_semaphore, #tpu.memory_space<semaphore_mem>>) src(%dma_wait3A_98 : memref<128x128xf32, #tpu.memory_space<vmem_shared>>) dst(%dma_wait3A_96 : memref<128x128xf32, #tpu.memory_space<vmem>>)
      tpu.yield
    }) : () -> ()
    "tpu.region"() ({
      %run_scoped3A = tpu.sem_alloc : memref<!tpu.dma_semaphore, #tpu.memory_space<semaphore_mem>>
      %dma_start3A_79 = arith.constant 0 : i32
      %dma_start3A_80 = arith.constant 0 : i32
      %dma_start3A_81 = tpu.memref_slice %arg10[%dma_start3A_79, %dma_start3A_80] : memref<128x128xf32, #tpu.memory_space<vmem>> -> memref<128x128xf32, #tpu.memory_space<vmem>>
      %dma_start3A_82 = arith.constant 0 : i32
      %dma_start3A_83 = tpu.memref_slice %arg7[%arg0, %add3A_70, %dma_start3A_82] : memref<2x10112x128xf32, #tpu.memory_space<hbm>> -> memref<1x128x128xf32, #tpu.memory_space<hbm>>
      %dma_start3A_84 = tpu.memref_squeeze %dma_start3A_83 : memref<1x128x128xf32, #tpu.memory_space<hbm>> -> memref<128x128xf32, #tpu.memory_space<hbm>>
      %dma_start3A_85 = arith.constant 0 : i32
      %dma_start3A_86 = tpu.memref_slice %arg7[%arg0, %add3A_70, %dma_start3A_85] : memref<2x10112x128xf32, #tpu.memory_space<hbm>> -> memref<1x128x128xf32, #tpu.memory_space<hbm>>
      %dma_start3A_87 = tpu.memref_squeeze %dma_start3A_86 : memref<1x128x128xf32, #tpu.memory_space<hbm>> -> memref<128x128xf32, #tpu.memory_space<hbm>>
      %dma_start3A_88 = arith.constant 0 : i32
      %dma_start3A_89 = arith.constant 0 : i32
      %dma_start3A_90 = tpu.memref_slice %arg10[%dma_start3A_88, %dma_start3A_89] : memref<128x128xf32, #tpu.memory_space<vmem>> -> memref<128x128xf32, #tpu.memory_space<vmem>>
      tpu.enqueue_dma source(%dma_start3A_90 : memref<128x128xf32, #tpu.memory_space<vmem>>) target(%dma_start3A_87 : memref<128x128xf32, #tpu.memory_space<hbm>>) target_semaphore(%run_scoped3A : memref<!tpu.dma_semaphore, #tpu.memory_space<semaphore_mem>>)
      %dma_wait3A_91 = arith.constant 0 : i32
      %dma_wait3A_92 = arith.constant 0 : i32
      %dma_wait3A_93 = tpu.memref_slice %arg10[%dma_wait3A_91, %dma_wait3A_92] : memref<128x128xf32, #tpu.memory_space<vmem>> -> memref<128x128xf32, #tpu.memory_space<vmem>>
      %dma_wait3A_94 = arith.constant 0 : i32
      %dma_wait3A_95 = tpu.memref_slice %arg7[%arg0, %add3A_70, %dma_wait3A_94] : memref<2x10112x128xf32, #tpu.memory_space<hbm>> -> memref<1x128x128xf32, #tpu.memory_space<hbm>>
      %dma_wait3A_96 = tpu.memref_squeeze %dma_wait3A_95 : memref<1x128x128xf32, #tpu.memory_space<hbm>> -> memref<128x128xf32, #tpu.memory_space<hbm>>
      %dma_wait3A_97 = arith.constant 0 : i32
      %dma_wait3A_98 = tpu.memref_slice %arg7[%arg0, %add3A_70, %dma_wait3A_97] : memref<2x10112x128xf32, #tpu.memory_space<hbm>> -> memref<1x128x128xf32, #tpu.memory_space<hbm>>
      %dma_wait3A_99 = tpu.memref_squeeze %dma_wait3A_98 : memref<1x128x128xf32, #tpu.memory_space<hbm>> -> memref<128x128xf32, #tpu.memory_space<hbm>>
      %dma_wait3A_100 = arith.constant 0 : i32
      %dma_wait3A_101 = arith.constant 0 : i32
      %dma_wait3A_102 = tpu.memref_slice %arg10[%dma_wait3A_100, %dma_wait3A_101] : memref<128x128xf32, #tpu.memory_space<vmem>> -> memref<128x128xf32, #tpu.memory_space<vmem>>
      tpu.wait_dma2 semaphore(%run_scoped3A : memref<!tpu.dma_semaphore, #tpu.memory_space<semaphore_mem>>) src(%dma_wait3A_102 : memref<128x128xf32, #tpu.memory_space<vmem>>) dst(%dma_wait3A_99 : memref<128x128xf32, #tpu.memory_space<hbm>>)
      tpu.yield
    }) : () -> ()
    %mul3A_71 = arith.constant 632 : i32
    %mul3A_72 = arith.muli %arg1, %mul3A_71 : i32
    %add3A_73 = arith.constant 384 : i32
    %add3A_74 = arith.addi %mul3A_72, %add3A_73 : i32
    "tpu.region"() ({
      %run_scoped3A = tpu.sem_alloc : memref<!tpu.dma_semaphore, #tpu.memory_space<semaphore_mem>>
      %dma_start3A_79 = arith.constant 0 : i32
      %dma_start3A_80 = arith.constant 0 : i32
      %dma_start3A_81 = tpu.memref_slice %arg11[%dma_start3A_79, %dma_start3A_80] : memref<128x128xf32, #tpu.memory_space<vmem>> -> memref<128x128xf32, #tpu.memory_space<vmem>>
      %dma_start3A_82 = arith.constant 0 : i32
      %dma_start3A_83 = tpu.memref_slice %arg13[%add3A_74, %dma_start3A_82] : memref<10112x128xf32, #tpu.memory_space<vmem_shared>> -> memref<128x128xf32, #tpu.memory_space<vmem_shared>>
      %dma_start3A_84 = arith.constant 0 : i32
      %dma_start3A_85 = arith.constant 0 : i32
      %dma_start3A_86 = tpu.memref_slice %arg11[%dma_start3A_84, %dma_start3A_85] : memref<128x128xf32, #tpu.memory_space<vmem>> -> memref<128x128xf32, #tpu.memory_space<vmem>>
      %dma_start3A_87 = arith.constant 0 : i32
      %dma_start3A_88 = tpu.memref_slice %arg13[%add3A_74, %dma_start3A_87] : memref<10112x128xf32, #tpu.memory_space<vmem_shared>> -> memref<128x128xf32, #tpu.memory_space<vmem_shared>>
      tpu.enqueue_dma source(%dma_start3A_88 : memref<128x128xf32, #tpu.memory_space<vmem_shared>>) target(%dma_start3A_86 : memref<128x128xf32, #tpu.memory_space<vmem>>) target_semaphore(%run_scoped3A : memref<!tpu.dma_semaphore, #tpu.memory_space<semaphore_mem>>)
      %dma_wait3A_89 = arith.constant 0 : i32
      %dma_wait3A_90 = arith.constant 0 : i32
      %dma_wait3A_91 = tpu.memref_slice %arg11[%dma_wait3A_89, %dma_wait3A_90] : memref<128x128xf32, #tpu.memory_space<vmem>> -> memref<128x128xf32, #tpu.memory_space<vmem>>
      %dma_wait3A_92 = arith.constant 0 : i32
      %dma_wait3A_93 = tpu.memref_slice %arg13[%add3A_74, %dma_wait3A_92] : memref<10112x128xf32, #tpu.memory_space<vmem_shared>> -> memref<128x128xf32, #tpu.memory_space<vmem_shared>>
      %dma_wait3A_94 = arith.constant 0 : i32
      %dma_wait3A_95 = arith.constant 0 : i32
      %dma_wait3A_96 = tpu.memref_slice %arg11[%dma_wait3A_94, %dma_wait3A_95] : memref<128x128xf32, #tpu.memory_space<vmem>> -> memref<128x128xf32, #tpu.memory_space<vmem>>
      %dma_wait3A_97 = arith.constant 0 : i32
      %dma_wait3A_98 = tpu.memref_slice %arg13[%add3A_74, %dma_wait3A_97] : memref<10112x128xf32, #tpu.memory_space<vmem_shared>> -> memref<128x128xf32, #tpu.memory_space<vmem_shared>>
      tpu.wait_dma2 semaphore(%run_scoped3A : memref<!tpu.dma_semaphore, #tpu.memory_space<semaphore_mem>>) src(%dma_wait3A_98 : memref<128x128xf32, #tpu.memory_space<vmem_shared>>) dst(%dma_wait3A_96 : memref<128x128xf32, #tpu.memory_space<vmem>>)
      tpu.yield
    }) : () -> ()
    "tpu.region"() ({
      %run_scoped3A = tpu.sem_alloc : memref<!tpu.dma_semaphore, #tpu.memory_space<semaphore_mem>>
      %dma_start3A_79 = arith.constant 0 : i32
      %dma_start3A_80 = arith.constant 0 : i32
      %dma_start3A_81 = tpu.memref_slice %arg11[%dma_start3A_79, %dma_start3A_80] : memref<128x128xf32, #tpu.memory_space<vmem>> -> memref<128x128xf32, #tpu.memory_space<vmem>>
      %dma_start3A_82 = arith.constant 0 : i32
      %dma_start3A_83 = tpu.memref_slice %arg7[%arg0, %add3A_74, %dma_start3A_82] : memref<2x10112x128xf32, #tpu.memory_space<hbm>> -> memref<1x128x128xf32, #tpu.memory_space<hbm>>
      %dma_start3A_84 = tpu.memref_squeeze %dma_start3A_83 : memref<1x128x128xf32, #tpu.memory_space<hbm>> -> memref<128x128xf32, #tpu.memory_space<hbm>>
      %dma_start3A_85 = arith.constant 0 : i32
      %dma_start3A_86 = tpu.memref_slice %arg7[%arg0, %add3A_74, %dma_start3A_85] : memref<2x10112x128xf32, #tpu.memory_space<hbm>> -> memref<1x128x128xf32, #tpu.memory_space<hbm>>
      %dma_start3A_87 = tpu.memref_squeeze %dma_start3A_86 : memref<1x128x128xf32, #tpu.memory_space<hbm>> -> memref<128x128xf32, #tpu.memory_space<hbm>>
      %dma_start3A_88 = arith.constant 0 : i32
      %dma_start3A_89 = arith.constant 0 : i32
      %dma_start3A_90 = tpu.memref_slice %arg11[%dma_start3A_88, %dma_start3A_89] : memref<128x128xf32, #tpu.memory_space<vmem>> -> memref<128x128xf32, #tpu.memory_space<vmem>>
      tpu.enqueue_dma source(%dma_start3A_90 : memref<128x128xf32, #tpu.memory_space<vmem>>) target(%dma_start3A_87 : memref<128x128xf32, #tpu.memory_space<hbm>>) target_semaphore(%run_scoped3A : memref<!tpu.dma_semaphore, #tpu.memory_space<semaphore_mem>>)
      %dma_wait3A_91 = arith.constant 0 : i32
      %dma_wait3A_92 = arith.constant 0 : i32
      %dma_wait3A_93 = tpu.memref_slice %arg11[%dma_wait3A_91, %dma_wait3A_92] : memref<128x128xf32, #tpu.memory_space<vmem>> -> memref<128x128xf32, #tpu.memory_space<vmem>>
      %dma_wait3A_94 = arith.constant 0 : i32
      %dma_wait3A_95 = tpu.memref_slice %arg7[%arg0, %add3A_74, %dma_wait3A_94] : memref<2x10112x128xf32, #tpu.memory_space<hbm>> -> memref<1x128x128xf32, #tpu.memory_space<hbm>>
      %dma_wait3A_96 = tpu.memref_squeeze %dma_wait3A_95 : memref<1x128x128xf32, #tpu.memory_space<hbm>> -> memref<128x128xf32, #tpu.memory_space<hbm>>
      %dma_wait3A_97 = arith.constant 0 : i32
      %dma_wait3A_98 = tpu.memref_slice %arg7[%arg0, %add3A_74, %dma_wait3A_97] : memref<2x10112x128xf32, #tpu.memory_space<hbm>> -> memref<1x128x128xf32, #tpu.memory_space<hbm>>
      %dma_wait3A_99 = tpu.memref_squeeze %dma_wait3A_98 : memref<1x128x128xf32, #tpu.memory_space<hbm>> -> memref<128x128xf32, #tpu.memory_space<hbm>>
      %dma_wait3A_100 = arith.constant 0 : i32
      %dma_wait3A_101 = arith.constant 0 : i32
      %dma_wait3A_102 = tpu.memref_slice %arg11[%dma_wait3A_100, %dma_wait3A_101] : memref<128x128xf32, #tpu.memory_space<vmem>> -> memref<128x128xf32, #tpu.memory_space<vmem>>
      tpu.wait_dma2 semaphore(%run_scoped3A : memref<!tpu.dma_semaphore, #tpu.memory_space<semaphore_mem>>) src(%dma_wait3A_102 : memref<128x128xf32, #tpu.memory_space<vmem>>) dst(%dma_wait3A_99 : memref<128x128xf32, #tpu.memory_space<hbm>>)
      tpu.yield
    }) : () -> ()
    %mul3A_75 = arith.constant 632 : i32
    %mul3A_76 = arith.muli %arg1, %mul3A_75 : i32
    %add3A_77 = arith.constant 512 : i32
    %add3A_78 = arith.addi %mul3A_76, %add3A_77 : i32
    "tpu.region"() ({
      %run_scoped3A = tpu.sem_alloc : memref<!tpu.dma_semaphore, #tpu.memory_space<semaphore_mem>>
      %dma_start3A_79 = arith.constant 0 : i32
      %dma_start3A_80 = arith.constant 0 : i32
      %dma_start3A_81 = tpu.memref_slice %arg10[%dma_start3A_79, %dma_start3A_80] : memref<128x128xf32, #tpu.memory_space<vmem>> -> memref<120x128xf32, #tpu.memory_space<vmem>>
      %dma_start3A_82 = arith.constant 0 : i32
      %dma_start3A_83 = tpu.memref_slice %arg13[%add3A_78, %dma_start3A_82] : memref<10112x128xf32, #tpu.memory_space<vmem_shared>> -> memref<120x128xf32, #tpu.memory_space<vmem_shared>>
      %dma_start3A_84 = arith.constant 0 : i32
      %dma_start3A_85 = arith.constant 0 : i32
      %dma_start3A_86 = tpu.memref_slice %arg10[%dma_start3A_84, %dma_start3A_85] : memref<128x128xf32, #tpu.memory_space<vmem>> -> memref<120x128xf32, #tpu.memory_space<vmem>>
      %dma_start3A_87 = arith.constant 0 : i32
      %dma_start3A_88 = tpu.memref_slice %arg13[%add3A_78, %dma_start3A_87] : memref<10112x128xf32, #tpu.memory_space<vmem_shared>> -> memref<120x128xf32, #tpu.memory_space<vmem_shared>>
      tpu.enqueue_dma source(%dma_start3A_88 : memref<120x128xf32, #tpu.memory_space<vmem_shared>>) target(%dma_start3A_86 : memref<120x128xf32, #tpu.memory_space<vmem>>) target_semaphore(%run_scoped3A : memref<!tpu.dma_semaphore, #tpu.memory_space<semaphore_mem>>)
      %dma_wait3A_89 = arith.constant 0 : i32
      %dma_wait3A_90 = arith.constant 0 : i32
      %dma_wait3A_91 = tpu.memref_slice %arg10[%dma_wait3A_89, %dma_wait3A_90] : memref<128x128xf32, #tpu.memory_space<vmem>> -> memref<120x128xf32, #tpu.memory_space<vmem>>
      %dma_wait3A_92 = arith.constant 0 : i32
      %dma_wait3A_93 = tpu.memref_slice %arg13[%add3A_78, %dma_wait3A_92] : memref<10112x128xf32, #tpu.memory_space<vmem_shared>> -> memref<120x128xf32, #tpu.memory_space<vmem_shared>>
      %dma_wait3A_94 = arith.constant 0 : i32
      %dma_wait3A_95 = arith.constant 0 : i32
      %dma_wait3A_96 = tpu.memref_slice %arg10[%dma_wait3A_94, %dma_wait3A_95] : memref<128x128xf32, #tpu.memory_space<vmem>> -> memref<120x128xf32, #tpu.memory_space<vmem>>
      %dma_wait3A_97 = arith.constant 0 : i32
      %dma_wait3A_98 = tpu.memref_slice %arg13[%add3A_78, %dma_wait3A_97] : memref<10112x128xf32, #tpu.memory_space<vmem_shared>> -> memref<120x128xf32, #tpu.memory_space<vmem_shared>>
      tpu.wait_dma2 semaphore(%run_scoped3A : memref<!tpu.dma_semaphore, #tpu.memory_space<semaphore_mem>>) src(%dma_wait3A_98 : memref<120x128xf32, #tpu.memory_space<vmem_shared>>) dst(%dma_wait3A_96 : memref<120x128xf32, #tpu.memory_space<vmem>>)
      tpu.yield
    }) : () -> ()
    "tpu.region"() ({
      %run_scoped3A = tpu.sem_alloc : memref<!tpu.dma_semaphore, #tpu.memory_space<semaphore_mem>>
      %dma_start3A_79 = arith.constant 0 : i32
      %dma_start3A_80 = arith.constant 0 : i32
      %dma_start3A_81 = tpu.memref_slice %arg10[%dma_start3A_79, %dma_start3A_80] : memref<128x128xf32, #tpu.memory_space<vmem>> -> memref<120x128xf32, #tpu.memory_space<vmem>>
      %dma_start3A_82 = arith.constant 0 : i32
      %dma_start3A_83 = tpu.memref_slice %arg7[%arg0, %add3A_78, %dma_start3A_82] : memref<2x10112x128xf32, #tpu.memory_space<hbm>> -> memref<1x120x128xf32, #tpu.memory_space<hbm>>
      %dma_start3A_84 = tpu.memref_squeeze %dma_start3A_83 : memref<1x120x128xf32, #tpu.memory_space<hbm>> -> memref<120x128xf32, #tpu.memory_space<hbm>>
      %dma_start3A_85 = arith.constant 0 : i32
      %dma_start3A_86 = tpu.memref_slice %arg7[%arg0, %add3A_78, %dma_start3A_85] : memref<2x10112x128xf32, #tpu.memory_space<hbm>> -> memref<1x120x128xf32, #tpu.memory_space<hbm>>
      %dma_start3A_87 = tpu.memref_squeeze %dma_start3A_86 : memref<1x120x128xf32, #tpu.memory_space<hbm>> -> memref<120x128xf32, #tpu.memory_space<hbm>>
      %dma_start3A_88 = arith.constant 0 : i32
      %dma_start3A_89 = arith.constant 0 : i32
      %dma_start3A_90 = tpu.memref_slice %arg10[%dma_start3A_88, %dma_start3A_89] : memref<128x128xf32, #tpu.memory_space<vmem>> -> memref<120x128xf32, #tpu.memory_space<vmem>>
      tpu.enqueue_dma source(%dma_start3A_90 : memref<120x128xf32, #tpu.memory_space<vmem>>) target(%dma_start3A_87 : memref<120x128xf32, #tpu.memory_space<hbm>>) target_semaphore(%run_scoped3A : memref<!tpu.dma_semaphore, #tpu.memory_space<semaphore_mem>>)
      %dma_wait3A_91 = arith.constant 0 : i32
      %dma_wait3A_92 = arith.constant 0 : i32
      %dma_wait3A_93 = tpu.memref_slice %arg10[%dma_wait3A_91, %dma_wait3A_92] : memref<128x128xf32, #tpu.memory_space<vmem>> -> memref<120x128xf32, #tpu.memory_space<vmem>>
      %dma_wait3A_94 = arith.constant 0 : i32
      %dma_wait3A_95 = tpu.memref_slice %arg7[%arg0, %add3A_78, %dma_wait3A_94] : memref<2x10112x128xf32, #tpu.memory_space<hbm>> -> memref<1x120x128xf32, #tpu.memory_space<hbm>>
      %dma_wait3A_96 = tpu.memref_squeeze %dma_wait3A_95 : memref<1x120x128xf32, #tpu.memory_space<hbm>> -> memref<120x128xf32, #tpu.memory_space<hbm>>
      %dma_wait3A_97 = arith.constant 0 : i32
      %dma_wait3A_98 = tpu.memref_slice %arg7[%arg0, %add3A_78, %dma_wait3A_97] : memref<2x10112x128xf32, #tpu.memory_space<hbm>> -> memref<1x120x128xf32, #tpu.memory_space<hbm>>
      %dma_wait3A_99 = tpu.memref_squeeze %dma_wait3A_98 : memref<1x120x128xf32, #tpu.memory_space<hbm>> -> memref<120x128xf32, #tpu.memory_space<hbm>>
      %dma_wait3A_100 = arith.constant 0 : i32
      %dma_wait3A_101 = arith.constant 0 : i32
      %dma_wait3A_102 = tpu.memref_slice %arg10[%dma_wait3A_100, %dma_wait3A_101] : memref<128x128xf32, #tpu.memory_space<vmem>> -> memref<120x128xf32, #tpu.memory_space<vmem>>
      tpu.wait_dma2 semaphore(%run_scoped3A : memref<!tpu.dma_semaphore, #tpu.memory_space<semaphore_mem>>) src(%dma_wait3A_102 : memref<120x128xf32, #tpu.memory_space<vmem>>) dst(%dma_wait3A_99 : memref<120x128xf32, #tpu.memory_space<hbm>>)
      tpu.yield
    }) : () -> ()
    return
  }
}

module attributes {stable_mosaic.version = 14 : i64} {
  func.func @_tc2_body(%arg0: memref<2x10112x128xf32, #tpu.memory_space<vmem>>, %arg1: memref<10000x1xf32, #tpu.memory_space<vmem>>, %arg2: memref<10000x128xf32, #tpu.memory_space<vmem>>, %arg3: memref<128x128xf32, #tpu.memory_space<vmem>>, %arg4: memref<128x128xf32, #tpu.memory_space<vmem>>, %arg5: memref<10000x128xf32, #tpu.memory_space<vmem>>) attributes {dimension_semantics = [], scalar_prefetch = 0 : i64, scratch_operands = 0 : i64, tpu.core_type = #tpu.core_type<tc>} {
    %get3A = arith.constant 0 : index
    %get3A_0 = arith.constant 0 : index
    %get3A_1 = arith.constant 0 : index
    %get3A_2 = vector.load %arg0[%get3A, %get3A_0, %get3A_1] : memref<2x10112x128xf32, #tpu.memory_space<vmem>>, vector<1x10000x128xf32>
    %get3A_3 = vector.shape_cast %get3A_2 : vector<1x10000x128xf32> to vector<10000x128xf32>
    %get3A_4 = arith.constant 1 : index
    %get3A_5 = arith.constant 0 : index
    %get3A_6 = arith.constant 0 : index
    %get3A_7 = vector.load %arg0[%get3A_4, %get3A_5, %get3A_6] : memref<2x10112x128xf32, #tpu.memory_space<vmem>>, vector<1x10000x128xf32>
    %get3A_8 = vector.shape_cast %get3A_7 : vector<1x10000x128xf32> to vector<10000x128xf32>
    %add3A = arith.addf %get3A_3, %get3A_8 : vector<10000x128xf32>
    %get3A_9 = arith.constant 0 : index
    %get3A_10 = arith.constant 0 : index
    %get3A_11 = vector.load %arg1[%get3A_9, %get3A_10] : memref<10000x1xf32, #tpu.memory_space<vmem>>, vector<10000x1xf32>
    %mul3A = vector.broadcast %get3A_11 : vector<10000x1xf32> to vector<10000x128xf32>
    %mul3A_12 = arith.mulf %add3A, %mul3A : vector<10000x128xf32>
    %get3A_13 = arith.constant 0 : index
    %get3A_14 = arith.constant 0 : index
    %get3A_15 = vector.load %arg3[%get3A_13, %get3A_14] : memref<128x128xf32, #tpu.memory_space<vmem>>, vector<128x128xf32>
    %dot_general3A = arith.constant dense<0.000000e+00> : vector<10000x128xf32>
    %dot_general3A_16 = tpu.matmul %mul3A_12, %get3A_15, %dot_general3A {dimension_numbers = #tpu.dot_dimension_numbers<[1], [0], [0], [1], [0, 0, 1, 1], [], []>, transpose_lhs_hint = false} : vector<10000x128xf32>, vector<128x128xf32>, vector<10000x128xf32> -> vector<10000x128xf32>
    %get3A_17 = arith.constant 0 : index
    %get3A_18 = arith.constant 0 : index
    %get3A_19 = vector.load %arg2[%get3A_17, %get3A_18] : memref<10000x128xf32, #tpu.memory_space<vmem>>, vector<10000x128xf32>
    %get3A_20 = arith.constant 0 : index
    %get3A_21 = arith.constant 0 : index
    %get3A_22 = vector.load %arg4[%get3A_20, %get3A_21] : memref<128x128xf32, #tpu.memory_space<vmem>>, vector<128x128xf32>
    %dot_general3A_23 = arith.constant dense<0.000000e+00> : vector<10000x128xf32>
    %dot_general3A_24 = tpu.matmul %get3A_19, %get3A_22, %dot_general3A_23 {dimension_numbers = #tpu.dot_dimension_numbers<[1], [0], [0], [1], [0, 0, 1, 1], [], []>, transpose_lhs_hint = false} : vector<10000x128xf32>, vector<128x128xf32>, vector<10000x128xf32> -> vector<10000x128xf32>
    %add3A_25 = arith.addf %dot_general3A_16, %dot_general3A_24 : vector<10000x128xf32>
    %swap3A = arith.constant 0 : index
    %swap3A_26 = arith.constant 0 : index
    %swap3A_27 = vector.load %arg5[%swap3A, %swap3A_26] : memref<10000x128xf32, #tpu.memory_space<vmem>>, vector<10000x128xf32>
    tpu.vector_store %arg5[%swap3A, %swap3A_26], %add3A_25 {strides = array<i32>} : memref<10000x128xf32, #tpu.memory_space<vmem>>, vector<10000x128xf32>,
    return
  }
}

module attributes {stable_mosaic.version = 14 : i64} {
  func.func @_tc1_body(%arg0: memref<2x10112x128xf32, #tpu.memory_space<vmem>>, %arg1: memref<2x10112x1xf32, #tpu.memory_space<vmem>>, %arg2: memref<10000x128xf32, #tpu.memory_space<vmem>>, %arg3: memref<128x128xf32, #tpu.memory_space<vmem>>, %arg4: memref<128x128xf32, #tpu.memory_space<vmem>>, %arg5: memref<10000x128xf32, #tpu.memory_space<vmem>>, %arg6: memref<10000x1xf32, #tpu.memory_space<vmem>>) attributes {dimension_semantics = [], scalar_prefetch = 0 : i64, scratch_operands = 0 : i64, tpu.core_type = #tpu.core_type<tc>} {
    %get3A = arith.constant 0 : index
    %get3A_0 = arith.constant 0 : index
    %get3A_1 = arith.constant 0 : index
    %get3A_2 = vector.load %arg1[%get3A, %get3A_0, %get3A_1] : memref<2x10112x1xf32, #tpu.memory_space<vmem>>, vector<1x10000x1xf32>
    %get3A_3 = vector.shape_cast %get3A_2 : vector<1x10000x1xf32> to vector<10000x1xf32>
    %get3A_4 = arith.constant 1 : index
    %get3A_5 = arith.constant 0 : index
    %get3A_6 = arith.constant 0 : index
    %get3A_7 = vector.load %arg1[%get3A_4, %get3A_5, %get3A_6] : memref<2x10112x1xf32, #tpu.memory_space<vmem>>, vector<1x10000x1xf32>
    %get3A_8 = vector.shape_cast %get3A_7 : vector<1x10000x1xf32> to vector<10000x1xf32>
    %add3A = arith.addf %get3A_3, %get3A_8 : vector<10000x1xf32>
    %max3A = arith.constant 1.000000e+00 : f32
    %max3A_9 = vector.broadcast %max3A : f32 to vector<10000x1xf32>
    %max3A_10 = arith.maximumf %add3A, %max3A_9 : vector<10000x1xf32>
    %div3A = arith.constant 1.000000e+00 : f32
    %div3A_11 = vector.broadcast %div3A : f32 to vector<10000x1xf32>
    %div3A_12 = arith.divf %div3A_11, %max3A_10 : vector<10000x1xf32>
    %get3A_13 = arith.constant 0 : index
    %get3A_14 = arith.constant 0 : index
    %get3A_15 = arith.constant 0 : index
    %get3A_16 = vector.load %arg0[%get3A_13, %get3A_14, %get3A_15] : memref<2x10112x128xf32, #tpu.memory_space<vmem>>, vector<1x10000x128xf32>
    %get3A_17 = vector.shape_cast %get3A_16 : vector<1x10000x128xf32> to vector<10000x128xf32>
    %get3A_18 = arith.constant 1 : index
    %get3A_19 = arith.constant 0 : index
    %get3A_20 = arith.constant 0 : index
    %get3A_21 = vector.load %arg0[%get3A_18, %get3A_19, %get3A_20] : memref<2x10112x128xf32, #tpu.memory_space<vmem>>, vector<1x10000x128xf32>
    %get3A_22 = vector.shape_cast %get3A_21 : vector<1x10000x128xf32> to vector<10000x128xf32>
    %add3A_23 = arith.addf %get3A_17, %get3A_22 : vector<10000x128xf32>
    %mul3A = vector.broadcast %div3A_12 : vector<10000x1xf32> to vector<10000x128xf32>
    %mul3A_24 = arith.mulf %add3A_23, %mul3A : vector<10000x128xf32>
    %get3A_25 = arith.constant 0 : index
    %get3A_26 = arith.constant 0 : index
    %get3A_27 = vector.load %arg3[%get3A_25, %get3A_26] : memref<128x128xf32, #tpu.memory_space<vmem>>, vector<128x128xf32>
    %dot_general3A = arith.constant dense<0.000000e+00> : vector<10000x128xf32>
    %dot_general3A_28 = tpu.matmul %mul3A_24, %get3A_27, %dot_general3A {dimension_numbers = #tpu.dot_dimension_numbers<[1], [0], [0], [1], [0, 0, 1, 1], [], []>, transpose_lhs_hint = false} : vector<10000x128xf32>, vector<128x128xf32>, vector<10000x128xf32> -> vector<10000x128xf32>
    %get3A_29 = arith.constant 0 : index
    %get3A_30 = arith.constant 0 : index
    %get3A_31 = vector.load %arg2[%get3A_29, %get3A_30] : memref<10000x128xf32, #tpu.memory_space<vmem>>, vector<10000x128xf32>
    %get3A_32 = arith.constant 0 : index
    %get3A_33 = arith.constant 0 : index
    %get3A_34 = vector.load %arg4[%get3A_32, %get3A_33] : memref<128x128xf32, #tpu.memory_space<vmem>>, vector<128x128xf32>
    %dot_general3A_35 = arith.constant dense<0.000000e+00> : vector<10000x128xf32>
    %dot_general3A_36 = tpu.matmul %get3A_31, %get3A_34, %dot_general3A_35 {dimension_numbers = #tpu.dot_dimension_numbers<[1], [0], [0], [1], [0, 0, 1, 1], [], []>, transpose_lhs_hint = false} : vector<10000x128xf32>, vector<128x128xf32>, vector<10000x128xf32> -> vector<10000x128xf32>
    %add3A_37 = arith.addf %dot_general3A_28, %dot_general3A_36 : vector<10000x128xf32>
    %max3A_38 = arith.constant 0.000000e+00 : f32
    %max3A_39 = vector.broadcast %max3A_38 : f32 to vector<10000x128xf32>
    %max3A_40 = arith.maximumf %add3A_37, %max3A_39 : vector<10000x128xf32>
    %swap3A = arith.constant 0 : index
    %swap3A_41 = arith.constant 0 : index
    %swap3A_42 = vector.load %arg5[%swap3A, %swap3A_41] : memref<10000x128xf32, #tpu.memory_space<vmem>>, vector<10000x128xf32>
    tpu.vector_store %arg5[%swap3A, %swap3A_41], %max3A_40 {strides = array<i32>} : memref<10000x128xf32, #tpu.memory_space<vmem>>, vector<10000x128xf32>,
    %swap3A_43 = arith.constant 0 : index
    %swap3A_44 = arith.constant 0 : index
    %swap3A_45 = vector.load %arg6[%swap3A_43, %swap3A_44] : memref<10000x1xf32, #tpu.memory_space<vmem>>, vector<10000x1xf32>
    tpu.vector_store %arg6[%swap3A_43, %swap3A_44], %div3A_12 {strides = array<i32>} : memref<10000x1xf32, #tpu.memory_space<vmem>>, vector<10000x1xf32>,
    return
  }
}

</mosaic_0001>

<sc_bundles>
// kernel: kernel.6.cloned.1.call-start
scs
__scs_entry_jumppad:
0x0: {  	(pc) =	sbr.rel $0x88, $3  }
0x1: {  	(tag) =	ssettag $0x0;
	lr =	simm.s32 $0x1  }
0x2: {  	[smem:$0x3F9B] =	sst lr;
	_ =	strace $0xD0000000  }
0x3: {  	_ = 	snop  }
0x4: {  	_ = 	snop  }
0x5: {  	_ = 	snop  }
0x6: {  	_ = 	snop  }
0x7: {  	_ = 	snop  }
__scs_overlays_trampoline_lowered:
0x8: {  	[smem:$0x3FAA] =	sst s0  }
0x9: {  	[smem:$0x3FAB] =	sst s1  }
0xa: {  	[smem:$0x3FAC] =	sst s2  }
0xb: {  	[smem:$0x3FAD] =	sst s3  }
0xc: {  	[smem:$0x3FAE] =	sst s4  }
0xd: {  	[smem:$0x3FAF] =	sst s5  }
0xe: {  	[smem:$0x3FB0] =	sst s6  }
0xf: {  	[smem:$0x3FB1] =	sst s7  }
0x10: {  	[smem:$0x3FB2] =	sst s8  }
0x11: {  	[smem:$0x3FB3] =	sst s9;
	s0 =	simm.s32 @!p0 $0x0  }
0x12: {  	s1 =	sld [smem:$0x3F99];
	s0 =	simm.s32 @p0 $0x1  }
0x13: {  	[smem:$0x3FB4] =	sst s0;
	s0 =	simm.s32 @!p1 $0x0  }
0x14: {  	s2 =	sld [smem:$0x3F98];
	s0 =	simm.s32 @p1 $0x1  }
0x15: {  	[smem:$0x3FB5] =	sst s0;
	s0 =	simm.s32 @!p2 $0x0  }
0x16: {  	s3 =	sld [smem:$0x3FDB];
	s0 =	simm.s32 @p2 $0x1  }
0x17: {  	s4 =	simm.s32 $0x1BF5;
	[smem:$0x3FB7] =	sst s0  }
0x18: {  	s0 =	sld [smem:$0x3F9A];
	_ =	swait.ge [sflag:s4], $0x0  }
0x19: {  	s7 =	sld [smem:$0x3F9B]  }
0x1a: {  	s8 =	sadd.s32 $0xFFFFE003, lr  }
0x1b: {  	s9 =	sadd.s32 $0xFFFFFEF7, lr;
	s5 =	simm.s32 $0xFFFFFFFF;
	p2 =	slt.u32 s8, $0xFFFFF086  }
0x1c: {  	p1 =	slt.u32 s9, $0xF7A;
	s5 =	simm.s32 @!p2 $0x0  }
0x1d: {  	s5 =	simm.s32 @p1 $0x1;
	p0 =	seq.s32 s7, s2  }
0x1e: {  	s7 =	smul.u32 @!p0 $0xF7A, s2;
	p2 =	seq.s32 @!p0 s5, $0x0  }
0x1f: {  	s9 =	smul.u32 $0xF7A, s1;
	s8 =	simm.s32 @!p0 $0x1BF5;
	p2 =	por !p2, p0  }
0x20: {  	[sflag:s8] =	ssyncset.s32 @!p0 $0xFFFFF086;
	s6 =	sadd.s32 @!p0 s3, s7;
	s7 =	simm.s32 @!p0 $0x108  }
0x21: {  	s3 =	sadd.s32 s3, s9;
	s6 =	sadd.s32 @!p0 $0x88, s6;
	s7 =	simm.s32 @p2 $0x1082  }
0x22: {  	[simem:s7], [sflag:s8] =	dma.local @!p0 [hbm:s6], $0xF7A  }
0x23: {  	s9 =	sor.u32 $0xD0000000, s2;
	s6 =	simm.s32 $0x108;
	_ =	swait.ge @!p0 [sflag:s8], $0x0  }
0x24: {  	s3 =	sadd.s32 $0x88, s3;
	s6 =	simm.s32 @!p1 $0x1082;
	[sflag:s4] =	ssyncset.s32 $0xFFFFF086  }
0x25: {  	[simem:s6], [sflag:s4] =	dma.local [hbm:s3], $0xF7A  }
0x26: {  	[smem:$0x3F9B] =	sst s1;
	(tag) =	ssettag s2;
	_ =	strace s9  }
0x27: {  	s1 =	sld [smem:$0x3FAB]  }
0x28: {  	s2 =	sld [smem:$0x3FAC]  }
0x29: {  	s4 =	sld [smem:$0x3FAE]  }
0x2a: {  	p0 =	seq.s32 s5, $0x0;
	s5 =	sld [smem:$0x3FAF]  }
0x2b: {  	s6 =	sld [smem:$0x3FB0]  }
0x2c: {  	s7 =	sld [smem:$0x3FB1]  }
0x2d: {  	s3 =	simm.s32 $0x108;
	s8 =	sld [smem:$0x3FB2]  }
0x2e: {  	s3 =	simm.s32 @!p0 $0x1082;
	s9 =	sld [smem:$0x3FB3]  }
0x2f: {  	lr =	sadd.s32 s0, s3;
	s0 =	sld [smem:$0x3FAA]  }
0x30: {  	s3 =	sld [smem:$0x3FAD]  }
0x31: {  	[smem:$0x3FB6] =	sst s10  }
0x32: {  	s10 =	sld [smem:$0x3FB4];
	_ =	sdelay $0x3  }
0x33: {  	p0 =	seq.s32 s10, $0x1;
	s10 =	sld [smem:$0x3FB6];
	_ =	sdelay $0x3  }
0x34: {  	[smem:$0x3FB6] =	sst s10  }
0x35: {  	s10 =	sld [smem:$0x3FB5];
	_ =	sdelay $0x3  }
0x36: {  	p1 =	seq.s32 s10, $0x1;
	s10 =	sld [smem:$0x3FB6];
	_ =	sdelay $0x3  }
0x37: {  	[smem:$0x3FB6] =	sst s10  }
0x38: {  	s10 =	sld [smem:$0x3FB7]  }
0x39: {  	_ = 	snop;
	(pc) =	sbr.ind lr, $3  }
0x3a: {  	_ = 	snop  }
0x3b: {  	_ = 	snop  }
0x3c: {  	p2 =	seq.s32 s10, $0x1;
	s10 =	sld [smem:$0x3FB6]  }
0x3d: {  	_ =	shalt  }
0x3e: {  	_ =	shalt  }
0x3f: {  	_ =	shalt  }
0x40: {  	_ =	shalt  }
0x41: {  	_ =	shalt  }
0x42: {  	_ =	shalt  }
0x43: {  	_ =	shalt  }
0x44: {  	_ =	shalt  }
0x45: {  	_ =	shalt  }
0x46: {  	_ =	shalt  }
0x47: {  	_ =	shalt  }
0x48: {  	_ =	shalt  }
0x49: {  	_ =	shalt  }
0x4a: {  	_ =	shalt  }
0x4b: {  	_ =	shalt  }
0x4c: {  	_ =	shalt  }
0x4d: {  	_ =	shalt  }
0x4e: {  	_ =	shalt  }
0x4f: {  	_ =	shalt  }
0x50: {  	_ =	shalt  }
0x51: {  	_ =	shalt  }
0x52: {  	_ =	shalt  }
0x53: {  	_ =	shalt  }
0x54: {  	_ =	shalt  }
0x55: {  	_ =	shalt  }
0x56: {  	_ =	shalt  }
0x57: {  	_ =	shalt  }
0x58: {  	_ =	shalt  }
0x59: {  	_ =	shalt  }
0x5a: {  	_ =	shalt  }
0x5b: {  	_ =	shalt  }
0x5c: {  	_ =	shalt  }
0x5d: {  	_ =	shalt  }
0x5e: {  	_ =	shalt  }
0x5f: {  	_ =	shalt  }
0x60: {  	_ =	shalt  }
0x61: {  	_ =	shalt  }
0x62: {  	_ =	shalt  }
0x63: {  	_ =	shalt  }
0x64: {  	_ =	shalt  }
0x65: {  	_ =	shalt  }
0x66: {  	_ =	shalt  }
0x67: {  	_ =	shalt  }
0x68: {  	_ =	shalt  }
0x69: {  	_ =	shalt  }
0x6a: {  	_ =	shalt  }
0x6b: {  	_ =	shalt  }
0x6c: {  	_ =	shalt  }
0x6d: {  	_ =	shalt  }
0x6e: {  	_ =	shalt  }
0x6f: {  	_ =	shalt  }
0x70: {  	_ =	shalt  }
0x71: {  	_ =	shalt  }
0x72: {  	_ =	shalt  }
0x73: {  	_ =	shalt  }
0x74: {  	_ =	shalt  }
0x75: {  	_ =	shalt  }
0x76: {  	_ =	shalt  }
0x77: {  	_ =	shalt  }
0x78: {  	_ =	shalt  }
0x79: {  	_ =	shalt  }
0x7a: {  	_ =	shalt  }
0x7b: {  	_ =	shalt  }
0x7c: {  	_ =	shalt  }
0x7d: {  	_ =	shalt  }
0x7e: {  	_ =	shalt  }
0x7f: {  	_ =	shalt  }
0x80: {  	_ =	shalt  }
0x81: {  	_ =	shalt  }
0x82: {  	_ =	shalt  }
0x83: {  	_ =	shalt  }
0x84: {  	_ =	shalt  }
0x85: {  	_ =	shalt  }
0x86: {  	_ =	shalt  }
0x87: {  	_ =	shalt  }
.Lfunc_end0:
.L_simem_size_0:
called_computation_lowered:
.L_overlay_start_0:
0x88: {  	s2 =	sld [smem:$0x3FD9]  }
0x89: {  	s3 =	sld [smem:$0x3FFE];
	_ =	sdelay $0x1  }
0x8a: {  	s1 =	srdreg.scid  }
0x8b: {  	s0 =	sand.u32 $0x1, s1  }
0x8c: {  	s17 =	sshll.u32 s0, $0xA;
	s2 =	sadd.s32 s3, s2  }
0x8d: {  	s2 =	sadd.s32 s2, s17  }
0x8e: {  	[smem:$0x3FC2] =	sst s2  }
0x8f: {  	_ = 	snop  }
0x90: {  	s2 =	sld [smem:$0x3FC9]  }
0x91: {  	s18 =	sld [smem:$0x3FD0];
	(tm) =	ssettm $0x1  }
0x92: {  	s4 =	sld [smem:$0x3FFB];
	_ =	sdelay $0x3  }
0x93: {  	_ =	strace s4  }
0x94: {  	s4 =	sld [smem:$0x3FFC];
	_ =	sdelay $0x3  }
0x95: {  	_ =	strace s4  }
0x96: {  	s4 =	sld [smem:$0x3FFD];
	_ =	sdelay $0x3  }
0x97: {  	_ =	strace s4  }
0x98: {  	_ =	strace $0x8FFFFFFF  }
0x99: {  	s19 =	sld [smem:$0x3FDB];
	_ =	sdelay $0x1  }
0x9a: {  	s5 =	simm.s32 $_scs_section_size  }
0x9b: {  	s6 =	simm.s32 $_size__tile_overlayer_lowered;
	s7 =	simm.s32 $_tile_overlayer_lowered  }
0x9c: {  	s22 =	simm.s32 $0x1BFF;
	s21 =	sshll.u32 s7, $0x1;
	s4 =	sadd.s32 s5, s19  }
0x9d: {  	s8 =	simm.s32 $0x0;
	s20 =	sshll.u32 s6, $0x1;
	s6 =	sadd.s32 s21, s4  }
0x9e: {  	[timem:s8], [sflag:s22] =	dma.local [hbm:s6], s20  }
0x9f: {  	_ =	swait.ge [sflag:s22], s20  }
0xa0: {  	s5 =	ssub.s32 $0x0, s20;
	[sflag:s22] =	ssyncset.done $0x0  }
0xa1: {  	[sflag:s22] =	ssyncadd.s32 s5;
	_ =	sdelay $0x1  }
0xa2: {  	s23 =	simm.s32 $0x1B8B  }
0xa3: {  	_ =	swait.ge [sflag:s23], $0x1  }
0xa4: {  	[sflag:s23] =	ssyncset.done $0x0  }
0xa5: {  	s25 =	simm.s32 $0x1B8E;
	s24 =	sld [smem:$0x3FFE];
	[sflag:s23] =	ssyncadd.s32 $0xFFFFFFFF  }
0xa6: {  	s26 =	simm.s32 $execute0_lowered;
	[smem:$0x3FD2] =	sst s25  }
0xa7: {  	s6 =	sshll.u32 s26, $0x1;
	_ =	strace $0x80000046;
	[dreg:$0x1] =	wrdreg $0xFFFFFFFF  }
0xa8: {  	s28 =	simm.s32 $_size_execute0_lowered;
	s4 =	sadd.s32 s4, s6;
	[dreg:$0x0] =	wrdreg $0x0  }
0xa9: {  	s6 =	sshll.u32 s28, $0x1;
	[dreg:$0x2] =	wrdreg s4  }
0xaa: {  	[dreg:$0x3] =	wrdreg s6  }
0xab: {  	[dreg:$0x4] =	wrdreg $0xC0  }
0xac: {  	_ =	task [dreg:s8], $0x5FFFF  }
0xad: {  	[dreg:$0x1] =	wrdreg $0xFFFFFFFF  }
0xae: {  	[dreg:$0x0] =	wrdreg $0x60  }
0xaf: {  	[dreg:$0x2] =	wrdreg s2  }
0xb0: {  	[dreg:$0x3] =	wrdreg s24  }
0xb1: {  	[dreg:$0x4] =	wrdreg s18  }
0xb2: {  	[dreg:$0x5] =	wrdreg $0xA8800  }
0xb3: {  	[dreg:$0x6] =	wrdreg $0x1E4800  }
0xb4: {  	[dreg:$0x7] =	wrdreg $0x9  }
0xb5: {  	_ =	task.clear_ibuf [dreg:s8], $0x8FFFF;
	_ =	strace $0x90000046  }
0xb6: {  	s29 =	simm.s32 $0x9;
	_ =	strace $0x80000048  }
0xb7: {  	_ =	swait.ge [sflag:s29], $0x1  }
0xb8: {  	[sflag:s29] =	ssyncadd.s32 $0xFFFFFFFF  }
0xb9: {  	_ =	strace $0x90000048  }
0xba: {  	_ =	sfence  }
0xbb: {  	s30 =	sld [smem:$0x0];
	_ =	sdelay $0x2  }
0xbc: {  	s31 =	sshll.u32 s1, $0xD;
	s1 =	sshrl.u32 s1, $0x2  }
0xbd: {  	s3 =	sand.u32 $0x4000, s31;
	s1 =	sadd.s32 s1, s30  }
0xbe: {  	s0 =	sor.u32 s3, s0;
	s1 =	sshll.u32 s1, $0x11  }
0xbf: {  	s0 =	sor.u32 s1, s0  }
0xc0: {  	s0 =	sadd.s32 $0x8F2B, s0  }
0xc1: {  	[sflag:s0] =	ssyncadd.remote.s32 $0x1  }
0xc2: {  	_ =	sfence.sel $0xFFFF  }
0xc3: {  	[dreg:$0x0] =	wrdreg $0xFFFFFFFF;
	(pc) =	sbr.abs _section_cstart, $3  }
0xc4: {  	[dreg:$0x1] =	wrdreg $0xFFFFFFFF  }
0xc5: {  	_ =	task.clear_ibuf [dreg:s8], $0x2FFFF;
	_ =	strace $0x9FFFFFFF  }
0xc6: {  	(tm) =	ssettm $0x7FFFFFFF  }
0xc7: {  	_ =	shalt  }
tec
execute0_lowered:
.L_overlay_start_1:
0x0: {  	(tag) =	ssettag $0x1  }
0x1: {  	s1 =	rddreg [dreg:$0x0]  }
0x2: {  	s0 =	rddreg [dreg:$0x1]  }
0x3: {  	s6 =	rddreg [dreg:$0x2]  }
0x4: {  	s2 =	rddreg [dreg:$0x3]  }
0x5: {  	s3 =	rddreg [dreg:$0x4];
	s4 =	simm.s32 $0x0;
	s23 =	srdreg.scid  }
0x6: {  	s13 =	stileid.u32;
	s28 =	simm.s32 $0x80;
	s29 =	simm.s32 $0xA800  }
0x7: {  	s30 =	simm.s32 $0x1480;
	s31 =	simm.s32 $0x1;
	[smem:$0x7FF] =	sst s4  }
0x8: {  	s5 =	sadd.s32 $0x16400, s0;
	s7 =	sadd.s32 $0x18C00, s0;
	s11 =	sadd.s32 $0x2400, s0  }
0x9: {  	s12 =	sadd.s32 $0xC400, s0;
	s14 =	sand.u32 $0x1, s23;
	s8 =	smul.u32 $0x4F000, s13  }
0xa: {  	s0 =	sadd.s32 $0x19200, s0;
	s10 =	sshll.u32 s13, $0x1;
	s15 =	smul.u32 $0x13C00, s13  }
0xb: {  	p0 =	sne.s32 s13, $0x0;
	s13 =	simm.s32 $0x1500;
	_ =	strace $0x80000047  }
0xc: {  	[dreg:$0x6] =	wrdreg s7;
	s7 =	ssub.s32 $0x2, s14;
	s24 =	sor.u32 s14, s10  }
0xd: {  	s22 =	smul.u32 $0x13C000, s14;
	s9 =	sshrl.u32 s7, $0x1;
	s25 =	sshrl.u32 s8, $0x2  }
0xe: {  	s17 =	sadd.s32 $0x4000, s15;
	s18 =	smul.u32 $0x2800, s24;
	s19 =	sadd.s32 $0x8000, s15  }
0xf: {  	s20 =	sadd.s32 $0xC000, s15;
	s16 =	ssub.s32 s7, s9;
	s7 =	sadd.s32 s25, s2  }
0x10: {  	s8 =	sadd.s32 s17, s2;
	s9 =	sadd.s32 s19, s2;
	s10 =	sadd.s32 s20, s2  }
0x11: {  	s23 =	sadd.s32 s15, s22;
	s17 =	sadd.s32 s22, s17;
	s18 =	sshrl.u32 s18, $0x3  }
0x12: {  	s24 =	sadd.s32 s22, s19;
	s25 =	sadd.s32 s22, s20;
	s21 =	sadd.s32 s11, s18  }
0x13: {  	s26 =	sadd.s32 $0x280, s18;
	s18 =	sadd.s32 s12, s18;
	[dreg:$0x7] =	wrdreg s21  }
0x14: {  	s17 =	sshrl.u32 s17, $0x3;
	[dreg:$0x8] =	wrdreg s18;
	s11 =	sadd.s32 s11, s26  }
0x15: {  	s18 =	sadd.s32 s12, s26;
	s21 =	sadd.s32 $0x10000, s15;
	s12 =	sshrl.u32 s23, $0x3  }
0x16: {  	s23 =	sshrl.u32 s25, $0x3;
	s25 =	sshll.u32 s14, $0x4;
	[dreg:$0x9] =	wrdreg s11  }
0x17: {  	s14 =	simm.s32 $0x4;
	[dreg:$0xa] =	wrdreg s18;
	s26 =	sadd.s32 s22, s21  }
0x18: {  	s15 =	sadd.s32 s21, s2;
	s11 =	sadd.s32 s0, s12;
	s21 =	sadd.s32 s0, s17  }
0x19: {  	s22 =	sshrl.u32 s24, $0x3;
	s12 =	simm.s32 $0x100;
	[dreg:$0xb] =	wrdreg s11  }
0x1a: {  	[dreg:$0xc] =	wrdreg s21;
	s11 =	sadd.s32 s0, s22;
	s24 =	sshrl.u32 s26, $0x3  }
0x1b: {  	s26 =	smax.u32 s16, $0x1;
	s16 =	simm.s32 $0x0;
	[dreg:$0xd] =	wrdreg s11  }
.Ltmp0:
0x1c: {  	s11 =	sadd.s32 s0, s23;
	[dreg:$0x11] =	wrdreg s26;
	(pc) =	sbr.rel .LBB2_1-.Ltmp0, $4  }
0x1d: {  	s0 =	sadd.s32 s0, s24;
	s23 =	simm.s32 $0x2800;
	[dreg:$0xe] =	wrdreg s11  }
0x1e: {  	s24 =	simm.s32 $0x6;
	s26 =	simm.s32 $0x1400;
	[dreg:$0xf] =	wrdreg s0  }
0x1f: {  	s0 =	sadd.s32 s6, s25;
	s25 =	simm.s32 $0x6800;
	s6 =	simm.s32 $0x2  }
0x20: {  	v0 =	vimm.f32 $1.000000000e+00;
	s11 =	simm.s32 $0x3;
	[dreg:$0x10] =	wrdreg s0;
	s0 =	simm.s32 $0x5  }
.LBB2_7:
0x21: {  	_ =	swait.ge [sflag:s14], $0x4000  }
0x22: {  	[sflag:s14] =	ssyncset.done $0x0  }
0x23: {  	[sflag:s14] =	ssyncadd.s32 $0xFFFFC000  }
0x24: {  	[bflag:$0x0] =	sbarrier.arrive $0xFFFF  }
0x25: {  	[tilespmem:s23], [sflag:$0x6] =	stream.linear.gather [spmem:s7], $0x4000, $0x38;
	[tilespmem:$0x1E6F8] =	vst v63  }
0x26: {  	_ =	swait.ge [sflag:s24], $0x4000  }
0x27: {  	[sflag:s24] =	ssyncset.done $0x0  }
0x28: {  	s18 =	rddreg [dreg:$0xb];
	[sflag:s24] =	ssyncadd.s32 $0xFFFFC000  }
0x29: {  	[hbm4b:s18+s4] =	stream.linear.scatter [tilespmem:s23], [sflag:$0x6], $0x4000, $0x38;
	[tilespmem:$0x1E6F8] =	vst v63  }
0x2a: {  	_ =	swait.ge [sflag:s24], $0x4000  }
0x2b: {  	[sflag:s24] =	ssyncset.done $0x0  }
0x2c: {  	[sflag:s24] =	ssyncadd.s32 $0xFFFFC000  }
0x2d: {  	[tilespmem:s25], [sflag:$0x6] =	stream.linear.gather [spmem:s8], $0x4000, $0x38;
	[tilespmem:$0x1E6F8] =	vst v63  }
0x2e: {  	_ =	swait.ge [sflag:s24], $0x4000  }
0x2f: {  	[sflag:s24] =	ssyncset.done $0x0  }
0x30: {  	s22 =	rddreg [dreg:$0xc];
	[sflag:s24] =	ssyncadd.s32 $0xFFFFC000  }
0x31: {  	[hbm4b:s22+s4] =	stream.linear.scatter [tilespmem:s25], [sflag:$0x6], $0x4000, $0x38;
	[tilespmem:$0x1E6F8] =	vst v63  }
0x32: {  	_ =	swait.ge [sflag:s24], $0x4000  }
0x33: {  	[sflag:s24] =	ssyncset.done $0x0  }
0x34: {  	[sflag:s24] =	ssyncadd.s32 $0xFFFFC000  }
0x35: {  	[tilespmem:s23], [sflag:$0x6] =	stream.linear.gather [spmem:s9], $0x4000, $0x38;
	[tilespmem:$0x1E6F8] =	vst v63  }
0x36: {  	_ =	swait.ge [sflag:s24], $0x4000  }
0x37: {  	[sflag:s24] =	ssyncset.done $0x0  }
0x38: {  	s19 =	rddreg [dreg:$0xd];
	[sflag:s24] =	ssyncadd.s32 $0xFFFFC000  }
0x39: {  	[hbm4b:s19+s4] =	stream.linear.scatter [tilespmem:s23], [sflag:$0x6], $0x4000, $0x38;
	[tilespmem:$0x1E6F8] =	vst v63  }
0x3a: {  	_ =	swait.ge [sflag:s24], $0x4000  }
0x3b: {  	[sflag:s24] =	ssyncset.done $0x0  }
0x3c: {  	[sflag:s24] =	ssyncadd.s32 $0xFFFFC000  }
0x3d: {  	[tilespmem:s25], [sflag:$0x6] =	stream.linear.gather [spmem:s10], $0x4000, $0x38;
	[tilespmem:$0x1E6F8] =	vst v63  }
0x3e: {  	_ =	swait.ge [sflag:s24], $0x4000  }
0x3f: {  	[sflag:s24] =	ssyncset.done $0x0  }
0x40: {  	s20 =	rddreg [dreg:$0xe];
	[sflag:s24] =	ssyncadd.s32 $0xFFFFC000  }
0x41: {  	[hbm4b:s20+s4] =	stream.linear.scatter [tilespmem:s25], [sflag:$0x6], $0x4000, $0x38;
	[tilespmem:$0x1E6F8] =	vst v63  }
0x42: {  	_ =	swait.ge [sflag:s24], $0x4000  }
0x43: {  	[sflag:s24] =	ssyncset.done $0x0  }
0x44: {  	[sflag:s24] =	ssyncadd.s32 $0xFFFFC000  }
0x45: {  	[tilespmem:s23], [sflag:$0x6] =	stream.linear.gather [spmem:s15], $0x3C00, $0x38;
	[tilespmem:$0x1E6F8] =	vst v63  }
0x46: {  	_ =	swait.ge [sflag:s24], $0x3C00  }
0x47: {  	[sflag:s24] =	ssyncset.done $0x0  }
0x48: {  	s21 =	rddreg [dreg:$0xf];
	[sflag:s24] =	ssyncadd.s32 $0xFFFFC400  }
0x49: {  	[hbm4b:s21+s4] =	stream.linear.scatter [tilespmem:s23], [sflag:$0x6], $0x3C00, $0x38;
	[tilespmem:$0x1E6F8] =	vst v63  }
0x4a: {  	s18 =	simm.s32 @!p0 $0x1;
	_ =	swait.ge [sflag:s24], $0x3C00  }
0x4b: {  	s19 =	simm.s32 @!p0 $0x20;
	s20 =	simm.s32 @!p0 $0x10;
	[sflag:s24] =	ssyncset.done $0x0  }
0x4c: {  	s21 =	simm.s32 @!p0 $0x1C06;
	s22 =	rddreg [dreg:$0x10];
	[sflag:s24] =	ssyncadd.s32 $0xFFFFC400  }
0x4d: {  	[hbm:s22@s19], [sflag:s21] =	dma.strided @!p0 [spmem:s17@s20], $0x4F0, s18, $0x10   }
0x4e: {  	s17 =	simm.s32 @!p0 $0x6  }
0x4f: {  	_ =	swait.ge @!p0 [sflag:s17], $0x4F0  }
0x50: {  	s16 =	sadd.s32 $0x1, s16;
	s22 =	rddreg [dreg:$0x11]  }
0x51: {  	p1 =	sne.s32 s16, s22  }
.Ltmp1:
0x52: {  	_ = 	snop;
	(pc) =	sbr.rel @!p1 .LBB2_8-.Ltmp1, $3  }
0x53: {  	_ =	sdelay $0x1  }
0x54: {  	[sflag:s17] =	ssyncset.done @!p0 $0x0  }
0x55: {  	[sflag:s17] =	ssyncadd.s32 @!p0 $0xFFFFFB10  }
.LBB2_1:
0x56: {  	[tilespmem:s23], [sflag:$0x6] =	stream.linear.gather [hbm4b:s5+s4], $0x4000, $0x38;
	[tilespmem:$0x1E6F8] =	vst v63  }
0x57: {  	_ =	swait.ge [sflag:s24], $0x4000  }
0x58: {  	[sflag:s24] =	ssyncset.done $0x0  }
0x59: {  	[sflag:s24] =	ssyncadd.s32 $0xFFFFC000  }
0x5a: {  	[spmem:s7] =	stream.linear.scatter [tilespmem:s23], [sflag:$0x6], $0x4000, $0x38;
	[tilespmem:$0x1E6F8] =	vst v63  }
0x5b: {  	_ =	swait.ge [sflag:s24], $0x4000  }
0x5c: {  	[sflag:s24] =	ssyncset.done $0x0  }
0x5d: {  	[sflag:s24] =	ssyncadd.s32 $0xFFFFC000  }
0x5e: {  	[tilespmem:s25], [sflag:$0x6] =	stream.linear.gather [hbm4b:s5+s4], $0x4000, $0x38;
	[tilespmem:$0x1E6F8] =	vst v63  }
0x5f: {  	_ =	swait.ge [sflag:s24], $0x4000  }
0x60: {  	[sflag:s24] =	ssyncset.done $0x0  }
0x61: {  	[sflag:s24] =	ssyncadd.s32 $0xFFFFC000  }
0x62: {  	[spmem:s8] =	stream.linear.scatter [tilespmem:s25], [sflag:$0x6], $0x4000, $0x38;
	[tilespmem:$0x1E6F8] =	vst v63  }
0x63: {  	_ =	swait.ge [sflag:s24], $0x4000  }
0x64: {  	[sflag:s24] =	ssyncset.done $0x0  }
0x65: {  	[sflag:s24] =	ssyncadd.s32 $0xFFFFC000  }
0x66: {  	[tilespmem:s23], [sflag:$0x6] =	stream.linear.gather [hbm4b:s5+s4], $0x4000, $0x38;
	[tilespmem:$0x1E6F8] =	vst v63  }
0x67: {  	_ =	swait.ge [sflag:s24], $0x4000  }
0x68: {  	[sflag:s24] =	ssyncset.done $0x0  }
0x69: {  	[sflag:s24] =	ssyncadd.s32 $0xFFFFC000  }
0x6a: {  	[spmem:s9] =	stream.linear.scatter [tilespmem:s23], [sflag:$0x6], $0x4000, $0x38;
	[tilespmem:$0x1E6F8] =	vst v63  }
0x6b: {  	_ =	swait.ge [sflag:s24], $0x4000  }
0x6c: {  	[sflag:s24] =	ssyncset.done $0x0  }
0x6d: {  	[sflag:s24] =	ssyncadd.s32 $0xFFFFC000  }
0x6e: {  	[tilespmem:s25], [sflag:$0x6] =	stream.linear.gather [hbm4b:s5+s4], $0x4000, $0x38;
	[tilespmem:$0x1E6F8] =	vst v63  }
0x6f: {  	_ =	swait.ge [sflag:s24], $0x4000  }
0x70: {  	[sflag:s24] =	ssyncset.done $0x0  }
0x71: {  	[sflag:s24] =	ssyncadd.s32 $0xFFFFC000  }
0x72: {  	[spmem:s10] =	stream.linear.scatter [tilespmem:s25], [sflag:$0x6], $0x4000, $0x38;
	[tilespmem:$0x1E6F8] =	vst v63  }
0x73: {  	_ =	swait.ge [sflag:s24], $0x4000  }
0x74: {  	[sflag:s24] =	ssyncset.done $0x0  }
0x75: {  	[sflag:s24] =	ssyncadd.s32 $0xFFFFC000  }
0x76: {  	[tilespmem:s23], [sflag:$0x6] =	stream.linear.gather [hbm4b:s5+s4], $0x3C00, $0x38;
	[tilespmem:$0x1E6F8] =	vst v63  }
0x77: {  	_ =	swait.ge [sflag:s24], $0x3C00  }
0x78: {  	[sflag:s24] =	ssyncset.done $0x0  }
0x79: {  	[sflag:s24] =	ssyncadd.s32 $0xFFFFC400  }
0x7a: {  	[spmem:s15] =	stream.linear.scatter [tilespmem:s23], [sflag:$0x6], $0x3C00, $0x38;
	[tilespmem:$0x1E6F8] =	vst v63  }
0x7b: {  	_ =	swait.ge [sflag:s24], $0x3C00  }
0x7c: {  	s17 =	sshrl.u32 @!p0 s3, $0x3;
	[sflag:s24] =	ssyncset.done $0x0  }
0x7d: {  	s18 =	simm.s32 @!p0 $0x1C06;
	s19 =	rddreg [dreg:$0x6];
	[sflag:s24] =	ssyncadd.s32 $0xFFFFC400  }
0x7e: {  	[spmem:s17], [sflag:s18] =	dma.local @!p0 [hbm:s19], $0x4F0  }
0x7f: {  	s18 =	simm.s32 @!p0 $0x6  }
0x80: {  	_ =	swait.ge @!p0 [sflag:s18], $0x4F0  }
0x81: {  	[sflag:s18] =	ssyncset.done @!p0 $0x0  }
0x82: {  	[sflag:s18] =	ssyncadd.s32 @!p0 $0xFFFFFB10  }
0x83: {  	[tilespmem:$0xA800] =	vst v0  }
0x84: {  	[tilespmem:$0xA810] =	vst v0  }
0x85: {  	[tilespmem:$0xA820] =	vst v0  }
0x86: {  	[tilespmem:$0xA830] =	vst v0  }
0x87: {  	[tilespmem:$0xA840] =	vst v0  }
0x88: {  	[tilespmem:$0xA850] =	vst v0  }
0x89: {  	[tilespmem:$0xA860] =	vst v0  }
0x8a: {  	[tilespmem:$0xA870] =	vst v0  }
0x8b: {  	[bflag:$0x0] =	sbarrier.arrive $0xFFFF  }
0x8c: {  	s21 =	rddreg [dreg:$0x7]  }
0x8d: {  	[tilespmem:s4], [sflag:$0x6] =	stream.linear.gather [hbm4b:s21+s4], $0x1400, $0x38;
	[tilespmem:$0x1E6F8] =	vst v63  }
0x8e: {  	_ =	swait.ge [sflag:s24], $0x1400  }
0x8f: {  	[sflag:s24] =	ssyncset.done $0x0  }
0x90: {  	s22 =	rddreg [dreg:$0x8];
	[sflag:s24] =	ssyncadd.s32 $0xFFFFEC00  }
0x91: {  	[tilespmem:s26], [sflag:$0x6] =	stream.linear.gather [hbm4b:s22+s4], $0x1400, $0x38;
	[tilespmem:$0x1E6F8] =	vst v63  }
0x92: {  	_ =	swait.ge [sflag:s24], $0x1400  }
0x93: {  	[sflag:s24] =	ssyncset.done $0x0  }
0x94: {  	[sflag:s24] =	ssyncadd.s32 $0xFFFFEC00  }
0x95: {  	[tilespmem:s23], [sflag:$0x1] =	stream.indirect.gather [hbm4b:s1+s28], $0x80, s4, s28, $0xb8;
	[tilespmem:$0x1E6F8] =	vst v63  }
0x96: {  	_ = 	snop  }
0x97: {  	[spmem:s3] =	stream.indirect.scatter.add.f32 [tilespmem:s29], [sflag:$0x5], $0x1, s26, s28, $0xb8;
	[tilespmem:$0x1E6F8] =	vst v63  }
0x98: {  	_ = 	snop  }
0x99: {  	[tilespmem:s25], [sflag:$0x2] =	stream.indirect.gather [hbm4b:s1+s28], $0x80, s28, s28, $0xb8;
	[tilespmem:$0x1E6F8] =	vst v63  }
0x9a: {  	_ = 	snop  }
0x9b: {  	[spmem:s3] =	stream.indirect.scatter.add.f32 [tilespmem:s29], [sflag:$0x5], $0x1, s30, s28, $0xb8;
	[tilespmem:$0x1E6F8] =	vst v63  }
0x9c: {  	_ =	swait.ge [sflag:s31], $0x4000  }
0x9d: {  	[sflag:s31] =	ssyncset.done $0x0  }
0x9e: {  	[sflag:s31] =	ssyncadd.s32 $0xFFFFC000  }
0x9f: {  	_ =	swait.ge [sflag:s0], $0x80  }
0xa0: {  	[sflag:s0] =	ssyncset.done $0x0  }
0xa1: {  	[sflag:s0] =	ssyncadd.s32 $0xFFFFFF80  }
0xa2: {  	[spmem:s2] =	stream.indirect.scatter.add.f32 [tilespmem:s23], [sflag:$0x3], $0x80, s26, s28, $0xb8;
	[tilespmem:$0x1E6F8] =	vst v63  }
0xa3: {  	_ =	swait.ge [sflag:s6], $0x4000  }
0xa4: {  	[sflag:s6] =	ssyncset.done $0x0  }
0xa5: {  	[sflag:s6] =	ssyncadd.s32 $0xFFFFC000  }
0xa6: {  	_ =	swait.ge [sflag:s0], $0x80  }
0xa7: {  	[sflag:s0] =	ssyncset.done $0x0  }
0xa8: {  	[sflag:s0] =	ssyncadd.s32 $0xFFFFFF80  }
0xa9: {  	[spmem:s2] =	stream.indirect.scatter.add.f32 [tilespmem:s25], [sflag:$0x4], $0x80, s30, s28, $0xb8;
	[tilespmem:$0x1E6F8] =	vst v63  }
0xaa: {  	_ =	swait.ge [sflag:s11], $0x4000  }
0xab: {  	[sflag:s11] =	ssyncset.done $0x0  }
0xac: {  	[sflag:s11] =	ssyncadd.s32 $0xFFFFC000  }
0xad: {  	[tilespmem:s23], [sflag:$0x1] =	stream.indirect.gather [hbm4b:s1+s28], $0x80, s12, s28, $0xb8;
	[tilespmem:$0x1E6F8] =	vst v63  }
0xae: {  	s18 =	simm.s32 $0xFFFFB800  }
0xaf: {  	[spmem:s3] =	stream.indirect.scatter.add.f32 [tilespmem:s29], [sflag:$0x5], $0x1, s13, s28, $0xb8;
	[tilespmem:$0x1E6F8] =	vst v63  }
.LBB2_2:
0xb0: {  	_ =	swait.ge [sflag:s14], $0x4000  }
0xb1: {  	s19 =	sshra.s32 s18, $0x2;
	[sflag:s14] =	ssyncset.done $0x0  }
0xb2: {  	s20 =	sadd.s32 $0x1380, s19;
	[sflag:s14] =	ssyncadd.s32 $0xFFFFC000  }
0xb3: {  	[tilespmem:s25], [sflag:$0x2] =	stream.indirect.gather [hbm4b:s1+s28], $0x80, s20, s28, $0xb8;
	[tilespmem:$0x1E6F8] =	vst v63  }
0xb4: {  	s22 =	sadd.s32 $0x2780, s19  }
0xb5: {  	[spmem:s3] =	stream.indirect.scatter.add.f32 [tilespmem:s29], [sflag:$0x5], $0x1, s22, s28, $0xb8;
	[tilespmem:$0x1E6F8] =	vst v63  }
0xb6: {  	_ =	swait.ge [sflag:s31], $0x4000  }
0xb7: {  	[sflag:s31] =	ssyncset.done $0x0  }
0xb8: {  	[sflag:s31] =	ssyncadd.s32 $0xFFFFC000  }
0xb9: {  	_ =	swait.ge [sflag:s0], $0x80  }
0xba: {  	[sflag:s0] =	ssyncset.done $0x0  }
0xbb: {  	s21 =	sadd.s32 $0x2700, s19;
	[sflag:s0] =	ssyncadd.s32 $0xFFFFFF80  }
0xbc: {  	[spmem:s2] =	stream.indirect.scatter.add.f32 [tilespmem:s23], [sflag:$0x3], $0x80, s21, s28, $0xb8;
	[tilespmem:$0x1E6F8] =	vst v63  }
0xbd: {  	_ =	swait.ge [sflag:s6], $0x4000  }
0xbe: {  	[sflag:s6] =	ssyncset.done $0x0  }
0xbf: {  	[sflag:s6] =	ssyncadd.s32 $0xFFFFC000  }
0xc0: {  	_ =	swait.ge [sflag:s0], $0x80  }
0xc1: {  	p1 =	seq.s32 s18, $0x0;
	[sflag:s0] =	ssyncset.done $0x0  }
.Ltmp2:
0xc2: {  	[sflag:s0] =	ssyncadd.s32 $0xFFFFFF80;
	(pc) =	sbr.rel @p1 .LBB2_4-.Ltmp2, $4  }
0xc3: {  	[spmem:s2] =	stream.indirect.scatter.add.f32 [tilespmem:s25], [sflag:$0x4], $0x80, s22, s28, $0xb8;
	[tilespmem:$0x1E6F8] =	vst v63  }
0xc4: {  	_ =	swait.ge [sflag:s11], $0x4000  }
0xc5: {  	[sflag:s11] =	ssyncset.done $0x0  }
0xc6: {  	[sflag:s11] =	ssyncadd.s32 $0xFFFFC000  }
.Ltmp3:
0xc7: {  	(pc) =	sbr.rel .LBB2_2-.Ltmp3, $4  }
0xc8: {  	s20 =	sadd.s32 $0x1400, s19  }
0xc9: {  	[tilespmem:s23], [sflag:$0x1] =	stream.indirect.gather [hbm4b:s1+s28], $0x80, s20, s28, $0xb8;
	[tilespmem:$0x1E6F8] =	vst v63  }
0xca: {  	s22 =	sadd.s32 $0x2800, s19;
	s18 =	sadd.s32 $0x400, s18  }
0xcb: {  	[spmem:s3] =	stream.indirect.scatter.add.f32 [tilespmem:s29], [sflag:$0x5], $0x1, s22, s28, $0xb8;
	[tilespmem:$0x1E6F8] =	vst v63  }
.LBB2_4:
0xcc: {  	_ =	swait.ge [sflag:s14], $0x4000  }
0xcd: {  	[sflag:s14] =	ssyncset.done $0x0  }
0xce: {  	s18 =	rddreg [dreg:$0x9];
	[sflag:s14] =	ssyncadd.s32 $0xFFFFC000  }
0xcf: {  	[tilespmem:s4], [sflag:$0x6] =	stream.linear.gather [hbm4b:s18+s4], $0x1400, $0x38;
	[tilespmem:$0x1E6F8] =	vst v63  }
0xd0: {  	_ =	swait.ge [sflag:s24], $0x1400  }
0xd1: {  	[sflag:s24] =	ssyncset.done $0x0  }
0xd2: {  	s22 =	rddreg [dreg:$0xa];
	[sflag:s24] =	ssyncadd.s32 $0xFFFFEC00  }
0xd3: {  	[tilespmem:s26], [sflag:$0x6] =	stream.linear.gather [hbm4b:s22+s4], $0x1400, $0x38;
	[tilespmem:$0x1E6F8] =	vst v63  }
0xd4: {  	_ =	swait.ge [sflag:s24], $0x1400  }
0xd5: {  	[sflag:s24] =	ssyncset.done $0x0  }
0xd6: {  	[sflag:s24] =	ssyncadd.s32 $0xFFFFEC00  }
0xd7: {  	[tilespmem:s23], [sflag:$0x1] =	stream.indirect.gather [hbm4b:s1+s28], $0x80, s4, s28, $0xb8;
	[tilespmem:$0x1E6F8] =	vst v63  }
0xd8: {  	_ = 	snop  }
0xd9: {  	[spmem:s3] =	stream.indirect.scatter.add.f32 [tilespmem:s29], [sflag:$0x5], $0x1, s26, s28, $0xb8;
	[tilespmem:$0x1E6F8] =	vst v63  }
0xda: {  	_ = 	snop  }
0xdb: {  	[tilespmem:s25], [sflag:$0x2] =	stream.indirect.gather [hbm4b:s1+s28], $0x80, s28, s28, $0xb8;
	[tilespmem:$0x1E6F8] =	vst v63  }
0xdc: {  	_ = 	snop  }
0xdd: {  	[spmem:s3] =	stream.indirect.scatter.add.f32 [tilespmem:s29], [sflag:$0x5], $0x1, s30, s28, $0xb8;
	[tilespmem:$0x1E6F8] =	vst v63  }
0xde: {  	_ =	swait.ge [sflag:s31], $0x4000  }
0xdf: {  	[sflag:s31] =	ssyncset.done $0x0  }
0xe0: {  	[sflag:s31] =	ssyncadd.s32 $0xFFFFC000  }
0xe1: {  	_ =	swait.ge [sflag:s0], $0x80  }
0xe2: {  	[sflag:s0] =	ssyncset.done $0x0  }
0xe3: {  	[sflag:s0] =	ssyncadd.s32 $0xFFFFFF80  }
0xe4: {  	[spmem:s2] =	stream.indirect.scatter.add.f32 [tilespmem:s23], [sflag:$0x3], $0x80, s26, s28, $0xb8;
	[tilespmem:$0x1E6F8] =	vst v63  }
0xe5: {  	_ =	swait.ge [sflag:s6], $0x4000  }
0xe6: {  	[sflag:s6] =	ssyncset.done $0x0  }
0xe7: {  	[sflag:s6] =	ssyncadd.s32 $0xFFFFC000  }
0xe8: {  	_ =	swait.ge [sflag:s0], $0x80  }
0xe9: {  	[sflag:s0] =	ssyncset.done $0x0  }
0xea: {  	[sflag:s0] =	ssyncadd.s32 $0xFFFFFF80  }
0xeb: {  	[spmem:s2] =	stream.indirect.scatter.add.f32 [tilespmem:s25], [sflag:$0x4], $0x80, s30, s28, $0xb8;
	[tilespmem:$0x1E6F8] =	vst v63  }
0xec: {  	_ =	swait.ge [sflag:s11], $0x4000  }
0xed: {  	[sflag:s11] =	ssyncset.done $0x0  }
0xee: {  	[sflag:s11] =	ssyncadd.s32 $0xFFFFC000  }
0xef: {  	[tilespmem:s23], [sflag:$0x1] =	stream.indirect.gather [hbm4b:s1+s28], $0x80, s12, s28, $0xb8;
	[tilespmem:$0x1E6F8] =	vst v63  }
0xf0: {  	s18 =	simm.s32 $0xFFFFB800  }
0xf1: {  	[spmem:s3] =	stream.indirect.scatter.add.f32 [tilespmem:s29], [sflag:$0x5], $0x1, s13, s28, $0xb8;
	[tilespmem:$0x1E6F8] =	vst v63  }
.LBB2_5:
0xf2: {  	_ =	swait.ge [sflag:s14], $0x4000  }
0xf3: {  	s19 =	sshra.s32 s18, $0x2;
	[sflag:s14] =	ssyncset.done $0x0  }
0xf4: {  	s20 =	sadd.s32 $0x1380, s19;
	[sflag:s14] =	ssyncadd.s32 $0xFFFFC000  }
0xf5: {  	[tilespmem:s25], [sflag:$0x2] =	stream.indirect.gather [hbm4b:s1+s28], $0x80, s20, s28, $0xb8;
	[tilespmem:$0x1E6F8] =	vst v63  }
0xf6: {  	s22 =	sadd.s32 $0x2780, s19  }
0xf7: {  	[spmem:s3] =	stream.indirect.scatter.add.f32 [tilespmem:s29], [sflag:$0x5], $0x1, s22, s28, $0xb8;
	[tilespmem:$0x1E6F8] =	vst v63  }
0xf8: {  	_ =	swait.ge [sflag:s31], $0x4000  }
0xf9: {  	[sflag:s31] =	ssyncset.done $0x0  }
0xfa: {  	[sflag:s31] =	ssyncadd.s32 $0xFFFFC000  }
0xfb: {  	_ =	swait.ge [sflag:s0], $0x80  }
0xfc: {  	[sflag:s0] =	ssyncset.done $0x0  }
0xfd: {  	s21 =	sadd.s32 $0x2700, s19;
	[sflag:s0] =	ssyncadd.s32 $0xFFFFFF80  }
0xfe: {  	[spmem:s2] =	stream.indirect.scatter.add.f32 [tilespmem:s23], [sflag:$0x3], $0x80, s21, s28, $0xb8;
	[tilespmem:$0x1E6F8] =	vst v63  }
0xff: {  	_ =	swait.ge [sflag:s6], $0x4000  }
0x100: {  	[sflag:s6] =	ssyncset.done $0x0  }
0x101: {  	[sflag:s6] =	ssyncadd.s32 $0xFFFFC000  }
0x102: {  	_ =	swait.ge [sflag:s0], $0x80  }
0x103: {  	p1 =	seq.s32 s18, $0x0;
	[sflag:s0] =	ssyncset.done $0x0  }
.Ltmp4:
0x104: {  	[sflag:s0] =	ssyncadd.s32 $0xFFFFFF80;
	(pc) =	sbr.rel @p1 .LBB2_7-.Ltmp4, $4  }
0x105: {  	[spmem:s2] =	stream.indirect.scatter.add.f32 [tilespmem:s25], [sflag:$0x4], $0x80, s22, s28, $0xb8;
	[tilespmem:$0x1E6F8] =	vst v63  }
0x106: {  	_ =	swait.ge [sflag:s11], $0x4000  }
0x107: {  	[sflag:s11] =	ssyncset.done $0x0  }
0x108: {  	[sflag:s11] =	ssyncadd.s32 $0xFFFFC000  }
.Ltmp5:
0x109: {  	(pc) =	sbr.rel .LBB2_5-.Ltmp5, $4  }
0x10a: {  	s20 =	sadd.s32 $0x1400, s19  }
0x10b: {  	[tilespmem:s23], [sflag:$0x1] =	stream.indirect.gather [hbm4b:s1+s28], $0x80, s20, s28, $0xb8;
	[tilespmem:$0x1E6F8] =	vst v63  }
0x10c: {  	s22 =	sadd.s32 $0x2800, s19;
	s18 =	sadd.s32 $0x400, s18  }
0x10d: {  	[spmem:s3] =	stream.indirect.scatter.add.f32 [tilespmem:s29], [sflag:$0x5], $0x1, s22, s28, $0xb8;
	[tilespmem:$0x1E6F8] =	vst v63  }
.LBB2_8:
0x10e: {  	_ =	sfence.sel $0x180000  }
0x10f: {  	[bflag:$0x0] =	sbarrier.arrive $0xFFFF  }
0x110: {  	_ =	strace $0x90000047  }
0x111: {  	[bflag:$0x2] =	sbarrier.arrive $0xFFFF  }
0x112: {  	s0 =	rddreg [dreg:$0x5]  }
0x113: {  	s0 =	sadd.s32 @!p0 $0x100000, s0  }
0x114: {  	[sflag:s0] =	ssyncadd.tile.s32 @!p0 $0x1;
	_ =	shalt  }
.Lfunc_end2:
_tile_overlayer_lowered:
.L_overlay_start_2:
0x115: {  	(tag) =	ssettag $0x2  }
0x116: {  	s0 =	rddreg [dreg:$0x0];
	s2 =	stileid.u32  }
0x117: {  	s1 =	rddreg [dreg:$0x1];
	p0 =	sne.s32 s2, $0x0  }
0x118: {  	s3 =	rddreg [dreg:$0x2];
	[bflag:$0x3] =	sbarrier.arrive $0xFFFF;
	s2 =	simm.s32 @!p0 $0x1C06  }
0x119: {  	[timem:s3], [sflag:s2] =	dma.local @!p0 [hbm:s0], s1  }
0x11a: {  	s0 =	simm.s32 @!p0 $0x6  }
0x11b: {  	_ =	swait.ge @!p0 [sflag:s0], s1  }
0x11c: {  	s1 =	ssub.s32 @!p0 $0x0, s1;
	[sflag:s0] =	ssyncset.done @!p0 $0x0  }
0x11d: {  	[sflag:s0] =	ssyncadd.s32 @!p0 s1  }
0x11e: {  	[bflag:$0x3] =	sbarrier.arrive $0xFFFF  }
0x11f: {  	_ =	shalt  }

// kernel: kernel.9.cloned.1.call-start
scs
__scs_entry_jumppad:
0x0: {  	(pc) =	sbr.rel $0x88, $3  }
0x1: {  	(tag) =	ssettag $0x0;
	lr =	simm.s32 $0x1  }
0x2: {  	[smem:$0x3F9B] =	sst lr;
	_ =	strace $0xD0000000  }
0x3: {  	_ = 	snop  }
0x4: {  	_ = 	snop  }
0x5: {  	_ = 	snop  }
0x6: {  	_ = 	snop  }
0x7: {  	_ = 	snop  }
__scs_overlays_trampoline_lowered:
0x8: {  	[smem:$0x3FAA] =	sst s0  }
0x9: {  	[smem:$0x3FAB] =	sst s1  }
0xa: {  	[smem:$0x3FAC] =	sst s2  }
0xb: {  	[smem:$0x3FAD] =	sst s3  }
0xc: {  	[smem:$0x3FAE] =	sst s4  }
0xd: {  	[smem:$0x3FAF] =	sst s5  }
0xe: {  	[smem:$0x3FB0] =	sst s6  }
0xf: {  	[smem:$0x3FB1] =	sst s7  }
0x10: {  	[smem:$0x3FB2] =	sst s8  }
0x11: {  	[smem:$0x3FB3] =	sst s9;
	s0 =	simm.s32 @!p0 $0x0  }
0x12: {  	s1 =	sld [smem:$0x3F99];
	s0 =	simm.s32 @p0 $0x1  }
0x13: {  	[smem:$0x3FB4] =	sst s0;
	s0 =	simm.s32 @!p1 $0x0  }
0x14: {  	s2 =	sld [smem:$0x3F98];
	s0 =	simm.s32 @p1 $0x1  }
0x15: {  	[smem:$0x3FB5] =	sst s0;
	s0 =	simm.s32 @!p2 $0x0  }
0x16: {  	s3 =	sld [smem:$0x3FDB];
	s0 =	simm.s32 @p2 $0x1  }
0x17: {  	s4 =	simm.s32 $0x1BF5;
	[smem:$0x3FB7] =	sst s0  }
0x18: {  	s0 =	sld [smem:$0x3F9A];
	_ =	swait.ge [sflag:s4], $0x0  }
0x19: {  	s7 =	sld [smem:$0x3F9B]  }
0x1a: {  	s8 =	sadd.s32 $0xFFFFE003, lr  }
0x1b: {  	s9 =	sadd.s32 $0xFFFFFEF7, lr;
	s5 =	simm.s32 $0xFFFFFFFF;
	p2 =	slt.u32 s8, $0xFFFFF086  }
0x1c: {  	p1 =	slt.u32 s9, $0xF7A;
	s5 =	simm.s32 @!p2 $0x0  }
0x1d: {  	s5 =	simm.s32 @p1 $0x1;
	p0 =	seq.s32 s7, s2  }
0x1e: {  	s7 =	smul.u32 @!p0 $0xF7A, s2;
	p2 =	seq.s32 @!p0 s5, $0x0  }
0x1f: {  	s9 =	smul.u32 $0xF7A, s1;
	s8 =	simm.s32 @!p0 $0x1BF5;
	p2 =	por !p2, p0  }
0x20: {  	[sflag:s8] =	ssyncset.s32 @!p0 $0xFFFFF086;
	s6 =	sadd.s32 @!p0 s3, s7;
	s7 =	simm.s32 @!p0 $0x108  }
0x21: {  	s3 =	sadd.s32 s3, s9;
	s6 =	sadd.s32 @!p0 $0x88, s6;
	s7 =	simm.s32 @p2 $0x1082  }
0x22: {  	[simem:s7], [sflag:s8] =	dma.local @!p0 [hbm:s6], $0xF7A  }
0x23: {  	s9 =	sor.u32 $0xD0000000, s2;
	s6 =	simm.s32 $0x108;
	_ =	swait.ge @!p0 [sflag:s8], $0x0  }
0x24: {  	s3 =	sadd.s32 $0x88, s3;
	s6 =	simm.s32 @!p1 $0x1082;
	[sflag:s4] =	ssyncset.s32 $0xFFFFF086  }
0x25: {  	[simem:s6], [sflag:s4] =	dma.local [hbm:s3], $0xF7A  }
0x26: {  	[smem:$0x3F9B] =	sst s1;
	(tag) =	ssettag s2;
	_ =	strace s9  }
0x27: {  	s1 =	sld [smem:$0x3FAB]  }
0x28: {  	s2 =	sld [smem:$0x3FAC]  }
0x29: {  	s4 =	sld [smem:$0x3FAE]  }
0x2a: {  	p0 =	seq.s32 s5, $0x0;
	s5 =	sld [smem:$0x3FAF]  }
0x2b: {  	s6 =	sld [smem:$0x3FB0]  }
0x2c: {  	s7 =	sld [smem:$0x3FB1]  }
0x2d: {  	s3 =	simm.s32 $0x108;
	s8 =	sld [smem:$0x3FB2]  }
0x2e: {  	s3 =	simm.s32 @!p0 $0x1082;
	s9 =	sld [smem:$0x3FB3]  }
0x2f: {  	lr =	sadd.s32 s0, s3;
	s0 =	sld [smem:$0x3FAA]  }
0x30: {  	s3 =	sld [smem:$0x3FAD]  }
0x31: {  	[smem:$0x3FB6] =	sst s10  }
0x32: {  	s10 =	sld [smem:$0x3FB4];
	_ =	sdelay $0x3  }
0x33: {  	p0 =	seq.s32 s10, $0x1;
	s10 =	sld [smem:$0x3FB6];
	_ =	sdelay $0x3  }
0x34: {  	[smem:$0x3FB6] =	sst s10  }
0x35: {  	s10 =	sld [smem:$0x3FB5];
	_ =	sdelay $0x3  }
0x36: {  	p1 =	seq.s32 s10, $0x1;
	s10 =	sld [smem:$0x3FB6];
	_ =	sdelay $0x3  }
0x37: {  	[smem:$0x3FB6] =	sst s10  }
0x38: {  	s10 =	sld [smem:$0x3FB7]  }
0x39: {  	_ = 	snop;
	(pc) =	sbr.ind lr, $3  }
0x3a: {  	_ = 	snop  }
0x3b: {  	_ = 	snop  }
0x3c: {  	p2 =	seq.s32 s10, $0x1;
	s10 =	sld [smem:$0x3FB6]  }
0x3d: {  	_ =	shalt  }
0x3e: {  	_ =	shalt  }
0x3f: {  	_ =	shalt  }
0x40: {  	_ =	shalt  }
0x41: {  	_ =	shalt  }
0x42: {  	_ =	shalt  }
0x43: {  	_ =	shalt  }
0x44: {  	_ =	shalt  }
0x45: {  	_ =	shalt  }
0x46: {  	_ =	shalt  }
0x47: {  	_ =	shalt  }
0x48: {  	_ =	shalt  }
0x49: {  	_ =	shalt  }
0x4a: {  	_ =	shalt  }
0x4b: {  	_ =	shalt  }
0x4c: {  	_ =	shalt  }
0x4d: {  	_ =	shalt  }
0x4e: {  	_ =	shalt  }
0x4f: {  	_ =	shalt  }
0x50: {  	_ =	shalt  }
0x51: {  	_ =	shalt  }
0x52: {  	_ =	shalt  }
0x53: {  	_ =	shalt  }
0x54: {  	_ =	shalt  }
0x55: {  	_ =	shalt  }
0x56: {  	_ =	shalt  }
0x57: {  	_ =	shalt  }
0x58: {  	_ =	shalt  }
0x59: {  	_ =	shalt  }
0x5a: {  	_ =	shalt  }
0x5b: {  	_ =	shalt  }
0x5c: {  	_ =	shalt  }
0x5d: {  	_ =	shalt  }
0x5e: {  	_ =	shalt  }
0x5f: {  	_ =	shalt  }
0x60: {  	_ =	shalt  }
0x61: {  	_ =	shalt  }
0x62: {  	_ =	shalt  }
0x63: {  	_ =	shalt  }
0x64: {  	_ =	shalt  }
0x65: {  	_ =	shalt  }
0x66: {  	_ =	shalt  }
0x67: {  	_ =	shalt  }
0x68: {  	_ =	shalt  }
0x69: {  	_ =	shalt  }
0x6a: {  	_ =	shalt  }
0x6b: {  	_ =	shalt  }
0x6c: {  	_ =	shalt  }
0x6d: {  	_ =	shalt  }
0x6e: {  	_ =	shalt  }
0x6f: {  	_ =	shalt  }
0x70: {  	_ =	shalt  }
0x71: {  	_ =	shalt  }
0x72: {  	_ =	shalt  }
0x73: {  	_ =	shalt  }
0x74: {  	_ =	shalt  }
0x75: {  	_ =	shalt  }
0x76: {  	_ =	shalt  }
0x77: {  	_ =	shalt  }
0x78: {  	_ =	shalt  }
0x79: {  	_ =	shalt  }
0x7a: {  	_ =	shalt  }
0x7b: {  	_ =	shalt  }
0x7c: {  	_ =	shalt  }
0x7d: {  	_ =	shalt  }
0x7e: {  	_ =	shalt  }
0x7f: {  	_ =	shalt  }
0x80: {  	_ =	shalt  }
0x81: {  	_ =	shalt  }
0x82: {  	_ =	shalt  }
0x83: {  	_ =	shalt  }
0x84: {  	_ =	shalt  }
0x85: {  	_ =	shalt  }
0x86: {  	_ =	shalt  }
0x87: {  	_ =	shalt  }
.Lfunc_end0:
.L_simem_size_0:
called_computation.1_lowered:
.L_overlay_start_0:
0x88: {  	s2 =	sld [smem:$0x3FD9]  }
0x89: {  	s3 =	sld [smem:$0x3FFE];
	_ =	sdelay $0x1  }
0x8a: {  	s1 =	srdreg.scid  }
0x8b: {  	s0 =	sand.u32 $0x1, s1  }
0x8c: {  	s17 =	sshll.u32 s0, $0xA;
	s2 =	sadd.s32 s3, s2  }
0x8d: {  	s2 =	sadd.s32 s2, s17  }
0x8e: {  	[smem:$0x3FC2] =	sst s2  }
0x8f: {  	_ = 	snop  }
0x90: {  	s2 =	sld [smem:$0x3FD0];
	(tm) =	ssettm $0x1  }
0x91: {  	s18 =	sld [smem:$0x3FFB];
	_ =	sdelay $0x3  }
0x92: {  	_ =	strace s18  }
0x93: {  	s3 =	sld [smem:$0x3FFC];
	_ =	sdelay $0x3  }
0x94: {  	_ =	strace s3  }
0x95: {  	s3 =	sld [smem:$0x3FFD];
	_ =	sdelay $0x3  }
0x96: {  	_ =	strace s3  }
0x97: {  	_ =	strace $0x8FFFFFFF  }
0x98: {  	s19 =	sld [smem:$0x3FDB];
	_ =	sdelay $0x1  }
0x99: {  	s4 =	simm.s32 $_scs_section_size  }
0x9a: {  	s5 =	simm.s32 $_size__tile_overlayer_lowered;
	s6 =	simm.s32 $_tile_overlayer_lowered  }
0x9b: {  	s22 =	simm.s32 $0x1BFF;
	s21 =	sshll.u32 s6, $0x1;
	s3 =	sadd.s32 s4, s19  }
0x9c: {  	s7 =	simm.s32 $0x0;
	s20 =	sshll.u32 s5, $0x1;
	s5 =	sadd.s32 s21, s3  }
0x9d: {  	[timem:s7], [sflag:s22] =	dma.local [hbm:s5], s20  }
0x9e: {  	_ =	swait.ge [sflag:s22], s20  }
0x9f: {  	s4 =	ssub.s32 $0x0, s20;
	[sflag:s22] =	ssyncset.done $0x0  }
0xa0: {  	[sflag:s22] =	ssyncadd.s32 s4;
	_ =	sdelay $0x1  }
0xa1: {  	s23 =	simm.s32 $0x1B8B  }
0xa2: {  	_ =	swait.ge [sflag:s23], $0x1  }
0xa3: {  	[sflag:s23] =	ssyncset.done $0x0  }
0xa4: {  	s25 =	simm.s32 $0x1B8E;
	s24 =	sld [smem:$0x3FFE];
	[sflag:s23] =	ssyncadd.s32 $0xFFFFFFFF  }
0xa5: {  	s26 =	simm.s32 $execute0_lowered;
	[smem:$0x3FD2] =	sst s25  }
0xa6: {  	s5 =	sshll.u32 s26, $0x1;
	_ =	strace $0x80000049;
	[dreg:$0x1] =	wrdreg $0xFFFFFFFF  }
0xa7: {  	s28 =	simm.s32 $_size_execute0_lowered;
	s3 =	sadd.s32 s3, s5;
	[dreg:$0x0] =	wrdreg $0x0  }
0xa8: {  	s5 =	sshll.u32 s28, $0x1;
	[dreg:$0x2] =	wrdreg s3  }
0xa9: {  	[dreg:$0x3] =	wrdreg s5  }
0xaa: {  	[dreg:$0x4] =	wrdreg $0xC0  }
0xab: {  	_ =	task [dreg:s7], $0x5FFFF  }
0xac: {  	[dreg:$0x1] =	wrdreg $0xFFFFFFFF  }
0xad: {  	[dreg:$0x0] =	wrdreg $0x60  }
0xae: {  	[dreg:$0x2] =	wrdreg s2  }
0xaf: {  	[dreg:$0x3] =	wrdreg s24  }
0xb0: {  	[dreg:$0x4] =	wrdreg $0xA8000  }
0xb1: {  	[dreg:$0x5] =	wrdreg $0x9  }
0xb2: {  	_ =	task.clear_ibuf [dreg:s7], $0x6FFFF;
	_ =	strace $0x90000049  }
0xb3: {  	s29 =	simm.s32 $0x9;
	_ =	strace $0x8000004B  }
0xb4: {  	_ =	swait.ge [sflag:s29], $0x1  }
0xb5: {  	[sflag:s29] =	ssyncadd.s32 $0xFFFFFFFF  }
0xb6: {  	_ =	strace $0x9000004B  }
0xb7: {  	_ =	sfence  }
0xb8: {  	s30 =	sld [smem:$0x0];
	_ =	sdelay $0x2  }
0xb9: {  	s31 =	sshll.u32 s1, $0xD;
	s1 =	sshrl.u32 s1, $0x2  }
0xba: {  	s3 =	sand.u32 $0x4000, s31;
	s1 =	sadd.s32 s1, s30  }
0xbb: {  	s0 =	sor.u32 s3, s0;
	s1 =	sshll.u32 s1, $0x11  }
0xbc: {  	s0 =	sor.u32 s1, s0  }
0xbd: {  	s0 =	sadd.s32 $0x8F2B, s0  }
0xbe: {  	[sflag:s0] =	ssyncadd.remote.s32 $0x1  }
0xbf: {  	_ =	sfence.sel $0xFFFF  }
0xc0: {  	[dreg:$0x0] =	wrdreg $0xFFFFFFFF;
	(pc) =	sbr.abs _section_cstart, $3  }
0xc1: {  	[dreg:$0x1] =	wrdreg $0xFFFFFFFF  }
0xc2: {  	_ =	task.clear_ibuf [dreg:s7], $0x2FFFF;
	_ =	strace $0x9FFFFFFF  }
0xc3: {  	(tm) =	ssettm $0x7FFFFFFF  }
tec
execute0_lowered:
.L_overlay_start_1:
0x0: {  	(tag) =	ssettag $0x1  }
0x1: {  	s1 =	rddreg [dreg:$0x0]  }
0x2: {  	s0 =	rddreg [dreg:$0x1]  }
0x3: {  	s2 =	rddreg [dreg:$0x2];
	s4 =	simm.s32 $0x0  }
0x4: {  	s3 =	srdreg.scid;
	s9 =	stileid.u32;
	s28 =	simm.s32 $0x2  }
0x5: {  	s29 =	simm.s32 $0x1480;
	s30 =	simm.s32 $0x3;
	s31 =	simm.s32 $0x100  }
0x6: {  	[smem:$0x7FF] =	sst s4;
	s3 =	sand.u32 $0x1, s3;
	s7 =	smul.u32 $0x4F000, s9  }
0x7: {  	s5 =	sadd.s32 $0x16400, s0;
	s11 =	sadd.s32 $0x2400, s0;
	s12 =	smul.u32 $0x13C00, s9  }
0x8: {  	s14 =	sadd.s32 $0xC400, s0;
	s0 =	sadd.s32 $0x19200, s0;
	s24 =	sshll.u32 s9, $0x1  }
0x9: {  	_ =	strace $0x8000004A;
	s6 =	ssub.s32 $0x2, s3;
	s25 =	sor.u32 s3, s24  }
0xa: {  	s3 =	smul.u32 $0x13C000, s3;
	s8 =	sshrl.u32 s6, $0x1;
	s7 =	sshrl.u32 s7, $0x2  }
0xb: {  	s15 =	sadd.s32 $0x4000, s12;
	s17 =	sadd.s32 $0x8000, s12;
	s18 =	sadd.s32 $0xC000, s12  }
0xc: {  	s13 =	smul.u32 $0x2800, s25;
	s19 =	sadd.s32 $0x10000, s12;
	s20 =	ssub.s32 s6, s8  }
0xd: {  	s6 =	sadd.s32 s7, s2;
	s7 =	sadd.s32 s15, s2;
	s8 =	sadd.s32 s17, s2  }
0xe: {  	s9 =	sadd.s32 s18, s2;
	s10 =	sadd.s32 s19, s2;
	s22 =	sadd.s32 s12, s3  }
0xf: {  	s23 =	sadd.s32 s3, s15;
	s24 =	sadd.s32 s3, s17;
	s25 =	sadd.s32 s3, s18  }
0x10: {  	s3 =	sadd.s32 s3, s19;
	s13 =	sshrl.u32 s13, $0x3;
	s12 =	sshrl.u32 s23, $0x3  }
0x11: {  	s3 =	sshrl.u32 s3, $0x3;
	s20 =	smax.u32 s20, $0x1;
	s23 =	simm.s32 $0x6800  }
0x12: {  	s16 =	sadd.s32 s11, s13;
	s26 =	sadd.s32 s14, s13;
	s21 =	sadd.s32 $0x280, s13  }
0x13: {  	s19 =	sadd.s32 s0, s3;
	s3 =	simm.s32 $0x0;
	[dreg:$0x4] =	wrdreg s16  }
0x14: {  	[dreg:$0x5] =	wrdreg s26;
	s11 =	sadd.s32 s11, s21;
	s14 =	sadd.s32 s14, s21  }
.Ltmp0:
0x15: {  	s16 =	sadd.s32 s0, s12;
	s26 =	sshrl.u32 s25, $0x3;
	(pc) =	sbr.rel .LBB2_1-.Ltmp0, $4  }
0x16: {  	s21 =	simm.s32 $0x2800;
	s25 =	simm.s32 $0x80;
	[dreg:$0x6] =	wrdreg s11  }
0x17: {  	s11 =	sshrl.u32 s22, $0x3;
	s18 =	sadd.s32 s0, s26;
	s22 =	simm.s32 $0x5  }
0x18: {  	s26 =	simm.s32 $0x1;
	s15 =	sadd.s32 s0, s11;
	s11 =	sshrl.u32 s24, $0x3  }
0x19: {  	s24 =	simm.s32 $0x1400;
	s17 =	sadd.s32 s0, s11;
	s0 =	simm.s32 $0x4  }
.LBB2_7:
0x1a: {  	_ =	swait.ge [sflag:s0], $0x4000  }
0x1b: {  	[sflag:s0] =	ssyncset.done $0x0  }
0x1c: {  	[sflag:s0] =	ssyncadd.s32 $0xFFFFC000  }
0x1d: {  	[bflag:$0x0] =	sbarrier.arrive $0xFFFF  }
0x1e: {  	[tilespmem:s21], [sflag:$0x5] =	stream.linear.gather [spmem:s6], $0x4000, $0x38;
	[tilespmem:$0x1E400] =	vst v63  }
0x1f: {  	_ =	swait.ge [sflag:s22], $0x4000  }
0x20: {  	[sflag:s22] =	ssyncset.done $0x0  }
0x21: {  	[sflag:s22] =	ssyncadd.s32 $0xFFFFC000  }
0x22: {  	[hbm4b:s15+s4] =	stream.linear.scatter [tilespmem:s21], [sflag:$0x5], $0x4000, $0x38;
	[tilespmem:$0x1E400] =	vst v63  }
0x23: {  	_ =	swait.ge [sflag:s22], $0x4000  }
0x24: {  	[sflag:s22] =	ssyncset.done $0x0  }
0x25: {  	[sflag:s22] =	ssyncadd.s32 $0xFFFFC000  }
0x26: {  	[tilespmem:s23], [sflag:$0x5] =	stream.linear.gather [spmem:s7], $0x4000, $0x38;
	[tilespmem:$0x1E400] =	vst v63  }
0x27: {  	_ =	swait.ge [sflag:s22], $0x4000  }
0x28: {  	[sflag:s22] =	ssyncset.done $0x0  }
0x29: {  	[sflag:s22] =	ssyncadd.s32 $0xFFFFC000  }
0x2a: {  	[hbm4b:s16+s4] =	stream.linear.scatter [tilespmem:s23], [sflag:$0x5], $0x4000, $0x38;
	[tilespmem:$0x1E400] =	vst v63  }
0x2b: {  	_ =	swait.ge [sflag:s22], $0x4000  }
0x2c: {  	[sflag:s22] =	ssyncset.done $0x0  }
0x2d: {  	[sflag:s22] =	ssyncadd.s32 $0xFFFFC000  }
0x2e: {  	[tilespmem:s21], [sflag:$0x5] =	stream.linear.gather [spmem:s8], $0x4000, $0x38;
	[tilespmem:$0x1E400] =	vst v63  }
0x2f: {  	_ =	swait.ge [sflag:s22], $0x4000  }
0x30: {  	[sflag:s22] =	ssyncset.done $0x0  }
0x31: {  	[sflag:s22] =	ssyncadd.s32 $0xFFFFC000  }
0x32: {  	[hbm4b:s17+s4] =	stream.linear.scatter [tilespmem:s21], [sflag:$0x5], $0x4000, $0x38;
	[tilespmem:$0x1E400] =	vst v63  }
0x33: {  	_ =	swait.ge [sflag:s22], $0x4000  }
0x34: {  	[sflag:s22] =	ssyncset.done $0x0  }
0x35: {  	[sflag:s22] =	ssyncadd.s32 $0xFFFFC000  }
0x36: {  	[tilespmem:s23], [sflag:$0x5] =	stream.linear.gather [spmem:s9], $0x4000, $0x38;
	[tilespmem:$0x1E400] =	vst v63  }
0x37: {  	_ =	swait.ge [sflag:s22], $0x4000  }
0x38: {  	[sflag:s22] =	ssyncset.done $0x0  }
0x39: {  	[sflag:s22] =	ssyncadd.s32 $0xFFFFC000  }
0x3a: {  	[hbm4b:s18+s4] =	stream.linear.scatter [tilespmem:s23], [sflag:$0x5], $0x4000, $0x38;
	[tilespmem:$0x1E400] =	vst v63  }
0x3b: {  	_ =	swait.ge [sflag:s22], $0x4000  }
0x3c: {  	[sflag:s22] =	ssyncset.done $0x0  }
0x3d: {  	[sflag:s22] =	ssyncadd.s32 $0xFFFFC000  }
0x3e: {  	[tilespmem:s21], [sflag:$0x5] =	stream.linear.gather [spmem:s10], $0x3C00, $0x38;
	[tilespmem:$0x1E400] =	vst v63  }
0x3f: {  	s3 =	sadd.s32 $0x1, s3;
	_ =	swait.ge [sflag:s22], $0x3C00  }
0x40: {  	p0 =	sne.s32 s3, s20;
	[sflag:s22] =	ssyncset.done $0x0  }
.Ltmp1:
0x41: {  	[sflag:s22] =	ssyncadd.s32 $0xFFFFC400;
	(pc) =	sbr.rel @!p0 .LBB2_8-.Ltmp1, $4  }
0x42: {  	[hbm4b:s19+s4] =	stream.linear.scatter [tilespmem:s21], [sflag:$0x5], $0x3C00, $0x38;
	[tilespmem:$0x1E400] =	vst v63  }
0x43: {  	_ =	swait.ge [sflag:s22], $0x3C00  }
0x44: {  	[sflag:s22] =	ssyncset.done $0x0  }
0x45: {  	[sflag:s22] =	ssyncadd.s32 $0xFFFFC400  }
.LBB2_1:
0x46: {  	[tilespmem:s21], [sflag:$0x5] =	stream.linear.gather [hbm4b:s5+s4], $0x4000, $0x38;
	[tilespmem:$0x1E400] =	vst v63  }
0x47: {  	_ =	swait.ge [sflag:s22], $0x4000  }
0x48: {  	[sflag:s22] =	ssyncset.done $0x0  }
0x49: {  	[sflag:s22] =	ssyncadd.s32 $0xFFFFC000  }
0x4a: {  	[spmem:s6] =	stream.linear.scatter [tilespmem:s21], [sflag:$0x5], $0x4000, $0x38;
	[tilespmem:$0x1E400] =	vst v63  }
0x4b: {  	_ =	swait.ge [sflag:s22], $0x4000  }
0x4c: {  	[sflag:s22] =	ssyncset.done $0x0  }
0x4d: {  	[sflag:s22] =	ssyncadd.s32 $0xFFFFC000  }
0x4e: {  	[tilespmem:s23], [sflag:$0x5] =	stream.linear.gather [hbm4b:s5+s4], $0x4000, $0x38;
	[tilespmem:$0x1E400] =	vst v63  }
0x4f: {  	_ =	swait.ge [sflag:s22], $0x4000  }
0x50: {  	[sflag:s22] =	ssyncset.done $0x0  }
0x51: {  	[sflag:s22] =	ssyncadd.s32 $0xFFFFC000  }
0x52: {  	[spmem:s7] =	stream.linear.scatter [tilespmem:s23], [sflag:$0x5], $0x4000, $0x38;
	[tilespmem:$0x1E400] =	vst v63  }
0x53: {  	_ =	swait.ge [sflag:s22], $0x4000  }
0x54: {  	[sflag:s22] =	ssyncset.done $0x0  }
0x55: {  	[sflag:s22] =	ssyncadd.s32 $0xFFFFC000  }
0x56: {  	[tilespmem:s21], [sflag:$0x5] =	stream.linear.gather [hbm4b:s5+s4], $0x4000, $0x38;
	[tilespmem:$0x1E400] =	vst v63  }
0x57: {  	_ =	swait.ge [sflag:s22], $0x4000  }
0x58: {  	[sflag:s22] =	ssyncset.done $0x0  }
0x59: {  	[sflag:s22] =	ssyncadd.s32 $0xFFFFC000  }
0x5a: {  	[spmem:s8] =	stream.linear.scatter [tilespmem:s21], [sflag:$0x5], $0x4000, $0x38;
	[tilespmem:$0x1E400] =	vst v63  }
0x5b: {  	_ =	swait.ge [sflag:s22], $0x4000  }
0x5c: {  	[sflag:s22] =	ssyncset.done $0x0  }
0x5d: {  	[sflag:s22] =	ssyncadd.s32 $0xFFFFC000  }
0x5e: {  	[tilespmem:s23], [sflag:$0x5] =	stream.linear.gather [hbm4b:s5+s4], $0x4000, $0x38;
	[tilespmem:$0x1E400] =	vst v63  }
0x5f: {  	_ =	swait.ge [sflag:s22], $0x4000  }
0x60: {  	[sflag:s22] =	ssyncset.done $0x0  }
0x61: {  	[sflag:s22] =	ssyncadd.s32 $0xFFFFC000  }
0x62: {  	[spmem:s9] =	stream.linear.scatter [tilespmem:s23], [sflag:$0x5], $0x4000, $0x38;
	[tilespmem:$0x1E400] =	vst v63  }
0x63: {  	_ =	swait.ge [sflag:s22], $0x4000  }
0x64: {  	[sflag:s22] =	ssyncset.done $0x0  }
0x65: {  	[sflag:s22] =	ssyncadd.s32 $0xFFFFC000  }
0x66: {  	[tilespmem:s21], [sflag:$0x5] =	stream.linear.gather [hbm4b:s5+s4], $0x3C00, $0x38;
	[tilespmem:$0x1E400] =	vst v63  }
0x67: {  	_ =	swait.ge [sflag:s22], $0x3C00  }
0x68: {  	[sflag:s22] =	ssyncset.done $0x0  }
0x69: {  	[sflag:s22] =	ssyncadd.s32 $0xFFFFC400  }
0x6a: {  	[spmem:s10] =	stream.linear.scatter [tilespmem:s21], [sflag:$0x5], $0x3C00, $0x38;
	[tilespmem:$0x1E400] =	vst v63  }
0x6b: {  	_ =	swait.ge [sflag:s22], $0x3C00  }
0x6c: {  	[sflag:s22] =	ssyncset.done $0x0  }
0x6d: {  	[sflag:s22] =	ssyncadd.s32 $0xFFFFC400  }
0x6e: {  	[bflag:$0x0] =	sbarrier.arrive $0xFFFF  }
0x6f: {  	s11 =	rddreg [dreg:$0x4]  }
0x70: {  	[tilespmem:s4], [sflag:$0x5] =	stream.linear.gather [hbm4b:s11+s4], $0x1400, $0x38;
	[tilespmem:$0x1E400] =	vst v63  }
0x71: {  	_ =	swait.ge [sflag:s22], $0x1400  }
0x72: {  	[sflag:s22] =	ssyncset.done $0x0  }
0x73: {  	s13 =	rddreg [dreg:$0x5];
	[sflag:s22] =	ssyncadd.s32 $0xFFFFEC00  }
0x74: {  	[tilespmem:s24], [sflag:$0x5] =	stream.linear.gather [hbm4b:s13+s4], $0x1400, $0x38;
	[tilespmem:$0x1E400] =	vst v63  }
0x75: {  	_ =	swait.ge [sflag:s22], $0x1400  }
0x76: {  	[sflag:s22] =	ssyncset.done $0x0  }
0x77: {  	[sflag:s22] =	ssyncadd.s32 $0xFFFFEC00  }
0x78: {  	[tilespmem:s21], [sflag:$0x1] =	stream.indirect.gather [hbm4b:s1+s25], $0x80, s4, s25, $0xb8;
	[tilespmem:$0x1E400] =	vst v63  }
0x79: {  	_ = 	snop  }
0x7a: {  	[tilespmem:s23], [sflag:$0x2] =	stream.indirect.gather [hbm4b:s1+s25], $0x80, s25, s25, $0xb8;
	[tilespmem:$0x1E400] =	vst v63  }
0x7b: {  	_ =	swait.ge [sflag:s26], $0x4000  }
0x7c: {  	[sflag:s26] =	ssyncset.done $0x0  }
0x7d: {  	[sflag:s26] =	ssyncadd.s32 $0xFFFFC000  }
0x7e: {  	[spmem:s2] =	stream.indirect.scatter.add.f32 [tilespmem:s21], [sflag:$0x3], $0x80, s24, s25, $0xb8;
	[tilespmem:$0x1E400] =	vst v63  }
0x7f: {  	_ =	swait.ge [sflag:s28], $0x4000  }
0x80: {  	[sflag:s28] =	ssyncset.done $0x0  }
0x81: {  	[sflag:s28] =	ssyncadd.s32 $0xFFFFC000  }
0x82: {  	[spmem:s2] =	stream.indirect.scatter.add.f32 [tilespmem:s23], [sflag:$0x4], $0x80, s29, s25, $0xb8;
	[tilespmem:$0x1E400] =	vst v63  }
0x83: {  	_ =	swait.ge [sflag:s30], $0x4000  }
0x84: {  	[sflag:s30] =	ssyncset.done $0x0  }
0x85: {  	s11 =	simm.s32 $0xFFFFB800;
	[sflag:s30] =	ssyncadd.s32 $0xFFFFC000  }
0x86: {  	[tilespmem:s21], [sflag:$0x1] =	stream.indirect.gather [hbm4b:s1+s25], $0x80, s31, s25, $0xb8;
	[tilespmem:$0x1E400] =	vst v63  }
.LBB2_2:
0x87: {  	_ =	swait.ge [sflag:s0], $0x4000  }
0x88: {  	s12 =	sshra.s32 s11, $0x2;
	[sflag:s0] =	ssyncset.done $0x0  }
0x89: {  	s13 =	sadd.s32 $0x1380, s12;
	[sflag:s0] =	ssyncadd.s32 $0xFFFFC000  }
0x8a: {  	[tilespmem:s23], [sflag:$0x2] =	stream.indirect.gather [hbm4b:s1+s25], $0x80, s13, s25, $0xb8;
	[tilespmem:$0x1E400] =	vst v63  }
0x8b: {  	_ =	swait.ge [sflag:s26], $0x4000  }
0x8c: {  	[sflag:s26] =	ssyncset.done $0x0  }
0x8d: {  	s13 =	sadd.s32 $0x2700, s12;
	[sflag:s26] =	ssyncadd.s32 $0xFFFFC000  }
0x8e: {  	[spmem:s2] =	stream.indirect.scatter.add.f32 [tilespmem:s21], [sflag:$0x3], $0x80, s13, s25, $0xb8;
	[tilespmem:$0x1E400] =	vst v63  }
0x8f: {  	_ =	swait.ge [sflag:s28], $0x4000  }
0x90: {  	p0 =	seq.s32 s11, $0x0;
	[sflag:s28] =	ssyncset.done $0x0  }
.Ltmp2:
0x91: {  	s13 =	sadd.s32 $0x2780, s12;
	[sflag:s28] =	ssyncadd.s32 $0xFFFFC000;
	(pc) =	sbr.rel @p0 .LBB2_4-.Ltmp2, $4  }
0x92: {  	[spmem:s2] =	stream.indirect.scatter.add.f32 [tilespmem:s23], [sflag:$0x4], $0x80, s13, s25, $0xb8;
	[tilespmem:$0x1E400] =	vst v63  }
0x93: {  	_ =	swait.ge [sflag:s30], $0x4000  }
0x94: {  	[sflag:s30] =	ssyncset.done $0x0  }
0x95: {  	[sflag:s30] =	ssyncadd.s32 $0xFFFFC000  }
.Ltmp3:
0x96: {  	(pc) =	sbr.rel .LBB2_2-.Ltmp3, $3  }
0x97: {  	_ =	sdelay $0x1  }
0x98: {  	s12 =	sadd.s32 $0x1400, s12;
	s11 =	sadd.s32 $0x400, s11  }
0x99: {  	[tilespmem:s21], [sflag:$0x1] =	stream.indirect.gather [hbm4b:s1+s25], $0x80, s12, s25, $0xb8;
	[tilespmem:$0x1E400] =	vst v63  }
.LBB2_4:
0x9a: {  	_ =	swait.ge [sflag:s0], $0x4000  }
0x9b: {  	[sflag:s0] =	ssyncset.done $0x0  }
0x9c: {  	s11 =	rddreg [dreg:$0x6];
	[sflag:s0] =	ssyncadd.s32 $0xFFFFC000  }
0x9d: {  	[tilespmem:s4], [sflag:$0x5] =	stream.linear.gather [hbm4b:s11+s4], $0x1400, $0x38;
	[tilespmem:$0x1E400] =	vst v63  }
0x9e: {  	_ =	swait.ge [sflag:s22], $0x1400  }
0x9f: {  	[sflag:s22] =	ssyncset.done $0x0  }
0xa0: {  	[sflag:s22] =	ssyncadd.s32 $0xFFFFEC00  }
0xa1: {  	[tilespmem:s24], [sflag:$0x5] =	stream.linear.gather [hbm4b:s14+s4], $0x1400, $0x38;
	[tilespmem:$0x1E400] =	vst v63  }
0xa2: {  	_ =	swait.ge [sflag:s22], $0x1400  }
0xa3: {  	[sflag:s22] =	ssyncset.done $0x0  }
0xa4: {  	[sflag:s22] =	ssyncadd.s32 $0xFFFFEC00  }
0xa5: {  	[tilespmem:s21], [sflag:$0x1] =	stream.indirect.gather [hbm4b:s1+s25], $0x80, s4, s25, $0xb8;
	[tilespmem:$0x1E400] =	vst v63  }
0xa6: {  	_ = 	snop  }
0xa7: {  	[tilespmem:s23], [sflag:$0x2] =	stream.indirect.gather [hbm4b:s1+s25], $0x80, s25, s25, $0xb8;
	[tilespmem:$0x1E400] =	vst v63  }
0xa8: {  	_ =	swait.ge [sflag:s26], $0x4000  }
0xa9: {  	[sflag:s26] =	ssyncset.done $0x0  }
0xaa: {  	[sflag:s26] =	ssyncadd.s32 $0xFFFFC000  }
0xab: {  	[spmem:s2] =	stream.indirect.scatter.add.f32 [tilespmem:s21], [sflag:$0x3], $0x80, s24, s25, $0xb8;
	[tilespmem:$0x1E400] =	vst v63  }
0xac: {  	_ =	swait.ge [sflag:s28], $0x4000  }
0xad: {  	[sflag:s28] =	ssyncset.done $0x0  }
0xae: {  	[sflag:s28] =	ssyncadd.s32 $0xFFFFC000  }
0xaf: {  	[spmem:s2] =	stream.indirect.scatter.add.f32 [tilespmem:s23], [sflag:$0x4], $0x80, s29, s25, $0xb8;
	[tilespmem:$0x1E400] =	vst v63  }
0xb0: {  	_ =	swait.ge [sflag:s30], $0x4000  }
0xb1: {  	[sflag:s30] =	ssyncset.done $0x0  }
0xb2: {  	s11 =	simm.s32 $0xFFFFB800;
	[sflag:s30] =	ssyncadd.s32 $0xFFFFC000  }
0xb3: {  	[tilespmem:s21], [sflag:$0x1] =	stream.indirect.gather [hbm4b:s1+s25], $0x80, s31, s25, $0xb8;
	[tilespmem:$0x1E400] =	vst v63  }
.LBB2_5:
0xb4: {  	_ =	swait.ge [sflag:s0], $0x4000  }
0xb5: {  	s12 =	sshra.s32 s11, $0x2;
	[sflag:s0] =	ssyncset.done $0x0  }
0xb6: {  	s13 =	sadd.s32 $0x1380, s12;
	[sflag:s0] =	ssyncadd.s32 $0xFFFFC000  }
0xb7: {  	[tilespmem:s23], [sflag:$0x2] =	stream.indirect.gather [hbm4b:s1+s25], $0x80, s13, s25, $0xb8;
	[tilespmem:$0x1E400] =	vst v63  }
0xb8: {  	_ =	swait.ge [sflag:s26], $0x4000  }
0xb9: {  	[sflag:s26] =	ssyncset.done $0x0  }
0xba: {  	s13 =	sadd.s32 $0x2700, s12;
	[sflag:s26] =	ssyncadd.s32 $0xFFFFC000  }
0xbb: {  	[spmem:s2] =	stream.indirect.scatter.add.f32 [tilespmem:s21], [sflag:$0x3], $0x80, s13, s25, $0xb8;
	[tilespmem:$0x1E400] =	vst v63  }
0xbc: {  	_ =	swait.ge [sflag:s28], $0x4000  }
0xbd: {  	p0 =	seq.s32 s11, $0x0;
	[sflag:s28] =	ssyncset.done $0x0  }
.Ltmp4:
0xbe: {  	s13 =	sadd.s32 $0x2780, s12;
	[sflag:s28] =	ssyncadd.s32 $0xFFFFC000;
	(pc) =	sbr.rel @p0 .LBB2_7-.Ltmp4, $4  }
0xbf: {  	[spmem:s2] =	stream.indirect.scatter.add.f32 [tilespmem:s23], [sflag:$0x4], $0x80, s13, s25, $0xb8;
	[tilespmem:$0x1E400] =	vst v63  }
0xc0: {  	_ =	swait.ge [sflag:s30], $0x4000  }
0xc1: {  	[sflag:s30] =	ssyncset.done $0x0  }
0xc2: {  	[sflag:s30] =	ssyncadd.s32 $0xFFFFC000  }
.Ltmp5:
0xc3: {  	(pc) =	sbr.rel .LBB2_5-.Ltmp5, $3  }
0xc4: {  	_ =	sdelay $0x1  }
0xc5: {  	s12 =	sadd.s32 $0x1400, s12;
	s11 =	sadd.s32 $0x400, s11  }
0xc6: {  	[tilespmem:s21], [sflag:$0x1] =	stream.indirect.gather [hbm4b:s1+s25], $0x80, s12, s25, $0xb8;
	[tilespmem:$0x1E400] =	vst v63  }
.LBB2_8:
0xc7: {  	_ =	sfence.sel $0x180000  }
0xc8: {  	[bflag:$0x0] =	sbarrier.arrive $0xFFFF  }
0xc9: {  	_ =	strace $0x9000004A  }
0xca: {  	s0 =	stileid.u32;
	[bflag:$0x2] =	sbarrier.arrive $0xFFFF  }
0xcb: {  	p0 =	sne.s32 s0, $0x0;
	s0 =	rddreg [dreg:$0x3]  }
0xcc: {  	s0 =	sadd.s32 @!p0 $0x100000, s0  }
0xcd: {  	[sflag:s0] =	ssyncadd.tile.s32 @!p0 $0x1;
	_ =	shalt  }
.Lfunc_end2:
_tile_overlayer_lowered:
.L_overlay_start_2:
0xce: {  	(tag) =	ssettag $0x2  }
0xcf: {  	s0 =	rddreg [dreg:$0x0];
	s2 =	stileid.u32  }
0xd0: {  	s1 =	rddreg [dreg:$0x1];
	p0 =	sne.s32 s2, $0x0  }
0xd1: {  	s3 =	rddreg [dreg:$0x2];
	[bflag:$0x3] =	sbarrier.arrive $0xFFFF;
	s2 =	simm.s32 @!p0 $0x1C05  }
0xd2: {  	[timem:s3], [sflag:s2] =	dma.local @!p0 [hbm:s0], s1  }
0xd3: {  	s0 =	simm.s32 @!p0 $0x5  }
0xd4: {  	_ =	swait.ge @!p0 [sflag:s0], s1  }
0xd5: {  	s1 =	ssub.s32 @!p0 $0x0, s1;
	[sflag:s0] =	ssyncset.done @!p0 $0x0  }
0xd6: {  	[sflag:s0] =	ssyncadd.s32 @!p0 s1  }
0xd7: {  	[bflag:$0x3] =	sbarrier.arrive $0xFFFF  }
0xd8: {  	_ =	shalt  }

</sc_bundles>
